<compile_context>
chip_gen: v7x
topology: tpu7x:2x2x1
jax: 0.10.2.dev20260603
libtpu: 0.0.44.dev20260713+nightly
codegen_flags: <defaults>
</compile_context>

<pallas_src>
import functools

import jax
import jax.numpy as jnp
from jax import lax
from jax.experimental import pallas as pl
from jax.experimental.pallas import tpu as pltpu
from jax.experimental.pallas import tpu_sc as plsc

B, N, NREP = 4, 16384, 120
_DIMS = [(3, 32, 8), (32, 64, 8), (64, 96, 8), (96, 128, 12)]
_F32 = jnp.float32

_NW = 32
_CHUNK = 128



def _sc_gather(table, idx, dp):
    nch = idx.shape[1]
    m = _NW * nch * _CHUNK
    mesh = plsc.VectorSubcoreMesh(core_axis_name="c", subcore_axis_name="s")

    @functools.partial(
        pl.kernel,
        mesh=mesh,
        out_type=jax.ShapeDtypeStruct((m, dp), _F32),
        compiler_params=pltpu.CompilerParams(use_tc_tiling_on_sc=False),
        scratch_types=[
            pltpu.VMEM((nch, _CHUNK), jnp.int32),
            pltpu.VMEM((_CHUNK, dp), _F32),
            pltpu.VMEM((_CHUNK, dp), _F32),
            pltpu.VMEM((_CHUNK, dp), _F32),
            pltpu.VMEM((_CHUNK, dp), _F32),
            pltpu.SemaphoreType.DMA,
        ],
    )
    def kern(table_hbm, idx_hbm, out_hbm, idx_v, buf0, buf1, buf2, buf3,
             sem):
        wid = lax.axis_index("s") * 2 + lax.axis_index("c")
        base = wid * (nch * _CHUNK)
        pltpu.sync_copy(idx_hbm.at[wid], idx_v)
        bufs = (buf0, buf1, buf2, buf3)
        depth = 3 if nch >= 4 else 1
        unroll = 4 if nch >= 4 else 2
        for i in range(depth):
            pltpu.async_copy(table_hbm.at[idx_v.at[i]], bufs[i], sem)

        def body(q, carry):
            for b in range(unroll):
                i = q * unroll + b

                @pl.when(i + depth < nch)
                def _():
                    pltpu.async_copy(
                        table_hbm.at[idx_v.at[i + depth]],
                        bufs[(b + depth) % unroll], sem)

                pltpu.make_async_copy(
                    table_hbm.at[idx_v.at[i]], bufs[b], sem).wait()
                pltpu.sync_copy(
                    bufs[b], out_hbm.at[pl.ds(base + i * _CHUNK, _CHUNK)])
            return carry

        lax.fori_loop(0, nch // unroll, body, 0)

    return kern(table, idx)


def _flat_idx_pmajor(idx):
    bsz = idx.shape[0]
    off = (jnp.arange(bsz, dtype=idx.dtype) * N)[:, None, None]
    return (idx + off).reshape(_NW, -1, _CHUNK)


def _flat_idx_kmajor(idx, pad_to, span):
    bsz = idx.shape[0]
    off = (jnp.arange(bsz, dtype=idx.dtype) * N)[None, :, None]
    flat = (jnp.transpose(idx, (2, 0, 1)) + off).reshape(-1)
    flat = jnp.concatenate(
        [flat, jnp.zeros((pad_to - flat.shape[0],), idx.dtype)])
    return flat.reshape(_NW, -1, span)



def _stage_body(c_ref, g_ref, wl_ref, wm_ref, bl_ref,
                bm_ref, o_ref, *, k, dp_in, cin, cout, dp_out, blk,
                pts_off):
    c = c_ref[...]
    wl = wl_ref[...]
    wide = g_ref[...].reshape(blk, k * dp_in)
    m = None
    for j in range(k):
        row = wide[:, j * dp_in:(j + 1) * dp_in]
        rel = row[:, pts_off:pts_off + 3] - c
        lifted = jnp.maximum(
            jnp.dot(rel, wl, preferred_element_type=_F32) + bl_ref[...],
            0.0)
        cat = jnp.concatenate([lifted, row[:, :cin]], axis=-1)
        h = jnp.dot(cat, wm_ref[...], preferred_element_type=_F32) \
            + bm_ref[...]
        h = jnp.maximum(h, 0.0)
        m = h if m is None else jnp.maximum(m, h)
    pad = jnp.zeros((blk, dp_out - cout - 3), _F32)
    o_ref[...] = jnp.concatenate([m, c, pad], axis=-1)


def _stage_weights(p, s):
    wl, bl = p[f'Wl{s}'], p[f'bl{s}']
    wm, bm = p[f'Wm{s}'], p[f'bm{s}']
    return wl, wm, bl[None, :], bm[None, :]


def _stage_tc(ctr, gathered2d, weights, *, k, dp_in, cin, cout, dp_out,
              blk, pts_off):
    rows = ctr.shape[0]
    wl, wm, bl, bm = weights
    grows = (blk * k * dp_in) // 128
    full = lambda a: pl.BlockSpec(a.shape, lambda i: (0,) * a.ndim)
    return pl.pallas_call(
        functools.partial(_stage_body, k=k, dp_in=dp_in, cin=cin,
                          cout=cout, dp_out=dp_out, blk=blk,
                          pts_off=pts_off),
        grid=(rows // blk,),
        in_specs=[
            pl.BlockSpec((blk, 3), lambda i: (i, 0)),
            pl.BlockSpec((grows, 128), lambda i: (i, 0)),
            full(wl), full(wm), full(bl), full(bm),
        ],
        out_specs=pl.BlockSpec((blk, dp_out), lambda i: (i, 0)),
        out_shape=jax.ShapeDtypeStruct((rows, dp_out), _F32),
    )(ctr, gathered2d, wl, wm, bl, bm)


def _final_body(c_ref, g_ref, wl_ref, wm_ref, bl_ref,
                bm_ref, wxyz_ref, bxyz_ref, wc1_ref, bc1_ref, wc2_ref,
                bc2_ref, wc3_ref, bc3_ref, wr1_ref, br1_ref, wr2_ref,
                br2_ref, wr3_ref, br3_ref, bb_ref, cls_ref, reg_ref, *, k,
                cin, pts_off):
    c = c_ref[...]
    wl = wl_ref[...]
    m = None
    for j in range(k):
        row = g_ref[j]
        rel = row[:, pts_off:pts_off + 3] - c
        lifted = jnp.maximum(
            jnp.dot(rel, wl, preferred_element_type=_F32) + bl_ref[...],
            0.0)
        cat = jnp.concatenate([lifted, row[:, :cin]], axis=-1)
        h = jnp.dot(cat, wm_ref[...], preferred_element_type=_F32) \
            + bm_ref[...]
        h = jnp.maximum(h, 0.0)
        m = h if m is None else jnp.maximum(m, h)
    xyz = jnp.maximum(
        jnp.dot(c, wxyz_ref[...], preferred_element_type=_F32)
        + bxyz_ref[...], 0.0)
    bb = jnp.concatenate([m, xyz], axis=-1)
    bb_ref[...] = bb
    hc = jnp.maximum(
        jnp.dot(bb, wc1_ref[...], preferred_element_type=_F32)
        + bc1_ref[...], 0.0)
    hc = jnp.maximum(
        jnp.dot(hc, wc2_ref[...], preferred_element_type=_F32)
        + bc2_ref[...], 0.0)
    cls_ref[...] = jnp.dot(hc, wc3_ref[...], preferred_element_type=_F32) \
        + bc3_ref[...]
    hr = jnp.maximum(
        jnp.dot(bb, wr1_ref[...], preferred_element_type=_F32)
        + br1_ref[...], 0.0)
    hr = jnp.maximum(
        jnp.dot(hr, wr2_ref[...], preferred_element_type=_F32)
        + br2_ref[...], 0.0)
    reg_ref[...] = jnp.dot(hr, wr3_ref[...], preferred_element_type=_F32) \
        + br3_ref[...]


def _final_tc(ctr, gathered, p, *, k):
    rows = ctr.shape[0]
    wl, wm, bl, bm = _stage_weights(p, 3)
    args = (ctr, gathered, wl, wm, bl, bm,
            p['Wxyz'], p['bxyz'][None, :],
            p['Wc1'], p['bc1'][None, :], p['Wc2'], p['bc2'][None, :],
            p['Wc3'], p['bc3'][None, :],
            p['Wr1'], p['br1'][None, :], p['Wr2'], p['br2'][None, :],
            p['Wr3'], p['br3'][None, :])
    full = lambda a: pl.BlockSpec(a.shape, lambda: (0,) * a.ndim)
    return pl.pallas_call(
        functools.partial(_final_body, k=k, cin=96, pts_off=96),
        in_specs=[full(a) for a in args],
        out_specs=[
            full(jnp.zeros((rows, 160))),
            full(jnp.zeros((rows, 1))),
            full(jnp.zeros((rows, 76))),
        ],
        out_shape=[
            jax.ShapeDtypeStruct((rows, 160), _F32),
            jax.ShapeDtypeStruct((rows, 1), _F32),
            jax.ShapeDtypeStruct((rows, 76), _F32),
        ],
    )(*args)



def kernel(pts_input, params, idx1, idx2, idx3, idx4):
    p = params
    bn = B * N
    pts_flat = pts_input.reshape(bn, 3)

    t0 = jnp.pad(pts_flat, ((0, 0), (0, 13)))

    g0 = _sc_gather(t0, _flat_idx_pmajor(idx1), 16)
    g0 = g0.reshape(bn * 8 * 16 // 128, 128)
    t1 = _stage_tc(pts_flat, g0, _stage_weights(p, 0), k=8, dp_in=16,
                   cin=3, cout=32, dp_out=48, blk=1024, pts_off=0)

    g1 = _sc_gather(t1, _flat_idx_pmajor(idx2), 48)
    g1 = g1.reshape(bn * 8 * 48 // 128, 128)
    t2 = _stage_tc(pts_flat, g1, _stage_weights(p, 1), k=8, dp_in=48,
                   cin=32, cout=64, dp_out=80, blk=1024, pts_off=32)

    g2 = _sc_gather(t2, _flat_idx_pmajor(idx3), 80)
    g2 = g2.reshape(bn * 8 * 80 // 128, 128)
    t3 = _stage_tc(pts_flat, g2, _stage_weights(p, 2), k=8, dp_in=80,
                   cin=64, cout=96, dp_out=128, blk=1024, pts_off=64)

    m3 = B * NREP * 12
    g3 = _sc_gather(t3, _flat_idx_kmajor(idx4, 8192, _CHUNK), 128)
    g3 = g3[:m3].reshape(12, B * NREP, 128)
    rep = pts_input[:, :NREP, :]
    bb, cls, reg = _final_tc(rep.reshape(B * NREP, 3), g3, p, k=12)

    rpn_cls = jnp.transpose(cls.reshape(B, NREP, 1), (0, 2, 1))
    rpn_reg = jnp.transpose(reg.reshape(B, NREP, 76), (0, 2, 1))
    return rpn_cls, rpn_reg, rep, bb.reshape(B, NREP, 160)

# --- scband reference (transcript-rebuilt; emitter-appended) ---
"""Pipeline reference for scband-rpn-21466246545787 (READ-ONLY COPY).

The authoritative reference and input builder live on the scoring server;
editing this copy changes nothing except your own understanding.
"""

import jax, jax.numpy as jnp
import numpy as np

B, N, NREP = 4, 16384, 120
DIMS = [(3, 32, 8), (32, 64, 8), (64, 96, 8), (96, 128, 12)]  # (C_in, C_out, K) per AbbPointCNN stage
REG_CH = 76  # per_loc_bin_num*4 + NUM_HEAD_BIN*2 + 3 + 1 with typical cfg


def _gather_nbr(x, idx):
    # x: [B, N, C], idx: [B, P, K] -> [B, P, K, C]
    return jax.vmap(lambda a, i: a[i])(x, idx)


def _xconv(pts, feats, ctr, idx, Wl, bl, Wm, bm):
    # PointCNN-style X-Conv stage: gather neighbors, lift relative coords, MLP, max-pool over K
    nbr_p = _gather_nbr(pts, idx)               # [B,P,K,3]
    nbr_f = _gather_nbr(feats, idx)             # [B,P,K,Cin]
    rel = nbr_p - ctr[:, :, None, :]
    lifted = jax.nn.relu(rel @ Wl + bl)         # [B,P,K,Cl]
    h = jnp.concatenate([lifted, nbr_f], axis=-1)
    h = jax.nn.relu(h @ Wm + bm)                # [B,P,K,Cout]
    return jnp.max(h, axis=2)                   # [B,P,Cout]


def setup_inputs(seed: int = 0):
    key = jax.random.key(seed)
    ks = jax.random.split(key, 32)
    pts_input = jax.random.normal(ks[0], (B, N, 3), dtype=jnp.float32)
    idx1 = jax.random.randint(ks[1], (B, N, 8), 0, N)
    idx2 = jax.random.randint(ks[2], (B, N, 8), 0, N)
    idx3 = jax.random.randint(ks[3], (B, N, 8), 0, N)
    idx4 = jax.random.randint(ks[4], (B, NREP, 12), 0, N)
    params = {}
    i = 5
    for s, (cin, cout, k) in enumerate(DIMS):
        cl = max(cout // 4, 8)
        params[f'Wl{s}'] = (jax.random.normal(ks[i], (3, cl), dtype=jnp.float32) / np.sqrt(3.0)); i += 1
        params[f'bl{s}'] = jnp.zeros((cl,), dtype=jnp.float32)
        params[f'Wm{s}'] = (jax.random.normal(ks[i], (cl + cin, cout), dtype=jnp.float32) / np.sqrt(cl + cin)); i += 1
        params[f'bm{s}'] = jnp.zeros((cout,), dtype=jnp.float32)
    params['Wxyz'] = jax.random.normal(ks[i], (3, 32), dtype=jnp.float32) / np.sqrt(3.0); i += 1
    params['bxyz'] = jnp.zeros((32,), dtype=jnp.float32)
    for head, out_ch in (('c', 1), ('r', REG_CH)):
        params[f'W{head}1'] = jax.random.normal(ks[i], (160, 128), dtype=jnp.float32) / np.sqrt(160.0); i += 1
        params[f'b{head}1'] = jnp.zeros((128,), dtype=jnp.float32)
        params[f'W{head}2'] = jax.random.normal(ks[i], (128, 64), dtype=jnp.float32) / np.sqrt(128.0); i += 1
        params[f'b{head}2'] = jnp.zeros((64,), dtype=jnp.float32)
        params[f'W{head}3'] = jax.random.normal(ks[i], (64, out_ch), dtype=jnp.float32) / np.sqrt(64.0); i += 1
        params[f'b{head}3'] = jnp.zeros((out_ch,), dtype=jnp.float32)
    return {'pts_input': pts_input, 'params': params, 'idx1': idx1, 'idx2': idx2, 'idx3': idx3, 'idx4': idx4}


def reference(pts_input, params, idx1, idx2, idx3, idx4):
    p = params
    f1 = _xconv(pts_input, pts_input, pts_input, idx1, p['Wl0'], p['bl0'], p['Wm0'], p['bm0'])
    f2 = _xconv(pts_input, f1, pts_input, idx2, p['Wl1'], p['bl1'], p['Wm1'], p['bm1'])
    f3 = _xconv(pts_input, f2, pts_input, idx3, p['Wl2'], p['bl2'], p['Wm2'], p['bm2'])
    rep = pts_input[:, :NREP, :]                       # 120 representative points
    f4 = _xconv(pts_input, f3, rep, idx4, p['Wl3'], p['bl3'], p['Wm3'], p['bm3'])  # [B,120,128]
    xyz_feat = jax.nn.relu(rep @ p['Wxyz'] + p['bxyz'])  # use_xyz lift -> [B,120,32]
    backbone_features = jnp.concatenate([f4, xyz_feat], axis=-1)  # [B,120,160]
    h = jax.nn.relu(backbone_features @ p['Wc1'] + p['bc1'])
    h = jax.nn.relu(h @ p['Wc2'] + p['bc2'])
    rpn_cls = jnp.transpose(h @ p['Wc3'] + p['bc3'], (0, 2, 1))   # [B,1,120]
    g = jax.nn.relu(backbone_features @ p['Wr1'] + p['br1'])
    g = jax.nn.relu(g @ p['Wr2'] + p['br2'])
    rpn_reg = jnp.transpose(g @ p['Wr3'] + p['br3'], (0, 2, 1))   # [B,76,120]
    return rpn_cls, rpn_reg, rep, backbone_features

if __name__ == "__main__":
    import jax
    _d = setup_inputs()
    print(jax.jit(kernel)(*tuple(_d.values())))

</pallas_src>

<mosaic_0001>
#map = affine_map<(d0, d1) -> (0, 0)>
#map1 = affine_map<(d0, d1) -> (0, 0, 0)>
module attributes {stable_mosaic.version = 14 : i64} {
  func.func @kern(%arg0: i32, %arg1: i32, %arg2: memref<65536x16xf32, #tpu.memory_space<hbm>>, %arg3: memref<32x128x128xi32, #tpu.memory_space<hbm>>, %arg4: memref<524288x16xf32, #tpu.memory_space<hbm>>, %arg5: memref<128x128xi32, #tpu.memory_space<vmem>>, %arg6: memref<128x16xf32, #tpu.memory_space<vmem>>, %arg7: memref<128x16xf32, #tpu.memory_space<vmem>>, %arg8: memref<128x16xf32, #tpu.memory_space<vmem>>, %arg9: memref<128x16xf32, #tpu.memory_space<vmem>>, %arg10: memref<!tpu.dma_semaphore, #tpu.memory_space<semaphore_mem>>) attributes {dimension_semantics = [#tpu.dimension_semantics<core_parallel>, #tpu.dimension_semantics<subcore_parallel>], iteration_bounds = array<i64: 2, 16>, scalar_prefetch = 0 : i64, scratch_operands = 6 : i64, tpu.core_type = #tpu.core_type<sc_vector_subcore>, window_params = [{transform_indices = #map}, {transform_indices = #map1}, {transform_indices = #map}]} {
    %mul3A = arith.constant 2 : i32
    %mul3A_0 = arith.muli %arg1, %mul3A : i32
    %add3A = arith.addi %mul3A_0, %arg0 : i32
    %mul3A_1 = arith.constant 16384 : i32
    %mul3A_2 = arith.muli %add3A, %mul3A_1 : i32
    "tpu.region"() ({
      %run_scoped3A = tpu.sem_alloc : memref<!tpu.dma_semaphore, #tpu.memory_space<semaphore_mem>>
      %dma_start3A_28 = arith.constant 0 : i32
      %dma_start3A_29 = arith.constant 0 : i32
      %dma_start3A_30 = tpu.memref_slice %arg3[%add3A, %dma_start3A_28, %dma_start3A_29] : memref<32x128x128xi32, #tpu.memory_space<hbm>> -> memref<1x128x128xi32, #tpu.memory_space<hbm>>
      %dma_start3A_31 = tpu.memref_squeeze %dma_start3A_30 : memref<1x128x128xi32, #tpu.memory_space<hbm>> -> memref<128x128xi32, #tpu.memory_space<hbm>>
      %dma_start3A_32 = arith.constant 0 : i32
      %dma_start3A_33 = arith.constant 0 : i32
      %dma_start3A_34 = tpu.memref_slice %arg3[%add3A, %dma_start3A_32, %dma_start3A_33] : memref<32x128x128xi32, #tpu.memory_space<hbm>> -> memref<1x128x128xi32, #tpu.memory_space<hbm>>
      %dma_start3A_35 = tpu.memref_squeeze %dma_start3A_34 : memref<1x128x128xi32, #tpu.memory_space<hbm>> -> memref<128x128xi32, #tpu.memory_space<hbm>>
      tpu.enqueue_dma source(%dma_start3A_35 : memref<128x128xi32, #tpu.memory_space<hbm>>) target(%arg5 : memref<128x128xi32, #tpu.memory_space<vmem>>) target_semaphore(%run_scoped3A : memref<!tpu.dma_semaphore, #tpu.memory_space<semaphore_mem>>)
      %dma_wait3A = arith.constant 0 : i32
      %dma_wait3A_36 = arith.constant 0 : i32
      %dma_wait3A_37 = tpu.memref_slice %arg3[%add3A, %dma_wait3A, %dma_wait3A_36] : memref<32x128x128xi32, #tpu.memory_space<hbm>> -> memref<1x128x128xi32, #tpu.memory_space<hbm>>
      %dma_wait3A_38 = tpu.memref_squeeze %dma_wait3A_37 : memref<1x128x128xi32, #tpu.memory_space<hbm>> -> memref<128x128xi32, #tpu.memory_space<hbm>>
      %dma_wait3A_39 = arith.constant 0 : i32
      %dma_wait3A_40 = arith.constant 0 : i32
      %dma_wait3A_41 = tpu.memref_slice %arg3[%add3A, %dma_wait3A_39, %dma_wait3A_40] : memref<32x128x128xi32, #tpu.memory_space<hbm>> -> memref<1x128x128xi32, #tpu.memory_space<hbm>>
      %dma_wait3A_42 = tpu.memref_squeeze %dma_wait3A_41 : memref<1x128x128xi32, #tpu.memory_space<hbm>> -> memref<128x128xi32, #tpu.memory_space<hbm>>
      tpu.wait_dma2 semaphore(%run_scoped3A : memref<!tpu.dma_semaphore, #tpu.memory_space<semaphore_mem>>) src(%dma_wait3A_42 : memref<128x128xi32, #tpu.memory_space<hbm>>) dst(%arg5 : memref<128x128xi32, #tpu.memory_space<vmem>>)
      tpu.yield
    }) : () -> ()
    %dma_start3A = arith.constant 0 : i32
    %dma_start3A_3 = arith.constant 0 : i32
    %dma_start3A_4 = tpu.memref_slice %arg5[%dma_start3A, %dma_start3A_3] : memref<128x128xi32, #tpu.memory_space<vmem>> -> memref<1x128xi32, #tpu.memory_space<vmem>>
    %dma_start3A_5 = tpu.memref_squeeze %dma_start3A_4 : memref<1x128xi32, #tpu.memory_space<vmem>> -> memref<128xi32, #tpu.memory_space<vmem>>
    %dma_start3A_6 = arith.constant 0 : i32
    %dma_start3A_7 = arith.constant 0 : i32
    %dma_start3A_8 = tpu.memref_slice %arg2[%dma_start3A_6, %dma_start3A_7] : memref<65536x16xf32, #tpu.memory_space<hbm>> -> memref<65536x16xf32, #tpu.memory_space<hbm>>
    tpu.enqueue_indirect_dma source(%dma_start3A_8 : memref<65536x16xf32, #tpu.memory_space<hbm>>) target(%arg6 : memref<128x16xf32, #tpu.memory_space<vmem>>) offsets(%dma_start3A_5 : memref<128xi32, #tpu.memory_space<vmem>>) semaphore(%arg10 : memref<!tpu.dma_semaphore, #tpu.memory_space<semaphore_mem>>)
    %dma_start3A_9 = arith.constant 1 : i32
    %dma_start3A_10 = arith.constant 0 : i32
    %dma_start3A_11 = tpu.memref_slice %arg5[%dma_start3A_9, %dma_start3A_10] : memref<128x128xi32, #tpu.memory_space<vmem>> -> memref<1x128xi32, #tpu.memory_space<vmem>>
    %dma_start3A_12 = tpu.memref_squeeze %dma_start3A_11 : memref<1x128xi32, #tpu.memory_space<vmem>> -> memref<128xi32, #tpu.memory_space<vmem>>
    %dma_start3A_13 = arith.constant 0 : i32
    %dma_start3A_14 = arith.constant 0 : i32
    %dma_start3A_15 = tpu.memref_slice %arg2[%dma_start3A_13, %dma_start3A_14] : memref<65536x16xf32, #tpu.memory_space<hbm>> -> memref<65536x16xf32, #tpu.memory_space<hbm>>
    tpu.enqueue_indirect_dma source(%dma_start3A_15 : memref<65536x16xf32, #tpu.memory_space<hbm>>) target(%arg7 : memref<128x16xf32, #tpu.memory_space<vmem>>) offsets(%dma_start3A_12 : memref<128xi32, #tpu.memory_space<vmem>>) semaphore(%arg10 : memref<!tpu.dma_semaphore, #tpu.memory_space<semaphore_mem>>)
    %dma_start3A_16 = arith.constant 2 : i32
    %dma_start3A_17 = arith.constant 0 : i32
    %dma_start3A_18 = tpu.memref_slice %arg5[%dma_start3A_16, %dma_start3A_17] : memref<128x128xi32, #tpu.memory_space<vmem>> -> memref<1x128xi32, #tpu.memory_space<vmem>>
    %dma_start3A_19 = tpu.memref_squeeze %dma_start3A_18 : memref<1x128xi32, #tpu.memory_space<vmem>> -> memref<128xi32, #tpu.memory_space<vmem>>
    %dma_start3A_20 = arith.constant 0 : i32
    %dma_start3A_21 = arith.constant 0 : i32
    %dma_start3A_22 = tpu.memref_slice %arg2[%dma_start3A_20, %dma_start3A_21] : memref<65536x16xf32, #tpu.memory_space<hbm>> -> memref<65536x16xf32, #tpu.memory_space<hbm>>
    tpu.enqueue_indirect_dma source(%dma_start3A_22 : memref<65536x16xf32, #tpu.memory_space<hbm>>) target(%arg8 : memref<128x16xf32, #tpu.memory_space<vmem>>) offsets(%dma_start3A_19 : memref<128xi32, #tpu.memory_space<vmem>>) semaphore(%arg10 : memref<!tpu.dma_semaphore, #tpu.memory_space<semaphore_mem>>)
    %scan3A = arith.constant 0 : i32
    %scan3A_23 = arith.constant 0 : i32
    %scan3A_24 = arith.constant 32 : i32
    %scan3A_25 = arith.addi %scan3A_23, %scan3A_24 : i32
    %scan3A_26 = arith.constant 1 : i32
    scf.for %scan3A_28 = %scan3A_23 to %scan3A_25 step %scan3A_26  : i32 {
      %mul3A_29 = arith.constant 4 : i32
      %mul3A_30 = arith.muli %scan3A_28, %mul3A_29 : i32
      %add3A_31 = arith.constant 0 : i32
      %add3A_32 = arith.addi %mul3A_30, %add3A_31 : i32
      %add3A_33 = arith.constant 3 : i32
      %add3A_34 = arith.addi %add3A_32, %add3A_33 : i32
      %lt3A = arith.constant 128 : i32
      %lt3A_35 = arith.cmpi slt, %add3A_34, %lt3A : i32
      %convert_element_type3A = arith.extui %lt3A_35 : i1 to i32
      %cond3A = arith.constant 0 : i32
      %cond3A_36 = arith.cmpi ne, %convert_element_type3A, %cond3A : i32
      scf.if %cond3A_36 {
        %add3A_105 = arith.constant 3 : i32
        %add3A_106 = arith.addi %add3A_32, %add3A_105 : i32
        %dma_start3A_107 = arith.constant 0 : i32
        %dma_start3A_108 = tpu.memref_slice %arg5[%add3A_106, %dma_start3A_107] : memref<128x128xi32, #tpu.memory_space<vmem>> -> memref<1x128xi32, #tpu.memory_space<vmem>>
        %dma_start3A_109 = tpu.memref_squeeze %dma_start3A_108 : memref<1x128xi32, #tpu.memory_space<vmem>> -> memref<128xi32, #tpu.memory_space<vmem>>
        %dma_start3A_110 = arith.constant 0 : i32
        %dma_start3A_111 = arith.constant 0 : i32
        %dma_start3A_112 = tpu.memref_slice %arg2[%dma_start3A_110, %dma_start3A_111] : memref<65536x16xf32, #tpu.memory_space<hbm>> -> memref<65536x16xf32, #tpu.memory_space<hbm>>
        tpu.enqueue_indirect_dma source(%dma_start3A_112 : memref<65536x16xf32, #tpu.memory_space<hbm>>) target(%arg9 : memref<128x16xf32, #tpu.memory_space<vmem>>) offsets(%dma_start3A_109 : memref<128xi32, #tpu.memory_space<vmem>>) semaphore(%arg10 : memref<!tpu.dma_semaphore, #tpu.memory_space<semaphore_mem>>)
      } else {
      }
      %dma_wait3A = arith.constant 0 : i32
      %dma_wait3A_37 = tpu.memref_slice %arg5[%add3A_32, %dma_wait3A] : memref<128x128xi32, #tpu.memory_space<vmem>> -> memref<1x128xi32, #tpu.memory_space<vmem>>
      %dma_wait3A_38 = tpu.memref_squeeze %dma_wait3A_37 : memref<1x128xi32, #tpu.memory_space<vmem>> -> memref<128xi32, #tpu.memory_space<vmem>>
      %dma_wait3A_39 = arith.constant 0 : i32
      %dma_wait3A_40 = arith.constant 0 : i32
      %dma_wait3A_41 = tpu.memref_slice %arg2[%dma_wait3A_39, %dma_wait3A_40] : memref<65536x16xf32, #tpu.memory_space<hbm>> -> memref<65536x16xf32, #tpu.memory_space<hbm>>
      tpu.wait_indirect_dma semaphore(%arg10 : memref<!tpu.dma_semaphore, #tpu.memory_space<semaphore_mem>>) src(%dma_wait3A_41 : memref<65536x16xf32, #tpu.memory_space<hbm>>) dst(%arg6 : memref<128x16xf32, #tpu.memory_space<vmem>>)
      %mul3A_42 = arith.constant 128 : i32
      %mul3A_43 = arith.muli %add3A_32, %mul3A_42 : i32
      %add3A_44 = arith.addi %mul3A_2, %mul3A_43 : i32
      "tpu.region"() ({
        %run_scoped3A = tpu.sem_alloc : memref<!tpu.dma_semaphore, #tpu.memory_space<semaphore_mem>>
        %dma_start3A_105 = arith.constant 0 : i32
        %dma_start3A_106 = tpu.memref_slice %arg4[%add3A_44, %dma_start3A_105] : memref<524288x16xf32, #tpu.memory_space<hbm>> -> memref<128x16xf32, #tpu.memory_space<hbm>>
        %dma_start3A_107 = arith.constant 0 : i32
        %dma_start3A_108 = tpu.memref_slice %arg4[%add3A_44, %dma_start3A_107] : memref<524288x16xf32, #tpu.memory_space<hbm>> -> memref<128x16xf32, #tpu.memory_space<hbm>>
        tpu.enqueue_dma source(%arg6 : memref<128x16xf32, #tpu.memory_space<vmem>>) target(%dma_start3A_108 : memref<128x16xf32, #tpu.memory_space<hbm>>) target_semaphore(%run_scoped3A : memref<!tpu.dma_semaphore, #tpu.memory_space<semaphore_mem>>)
        %dma_wait3A_109 = arith.constant 0 : i32
        %dma_wait3A_110 = tpu.memref_slice %arg4[%add3A_44, %dma_wait3A_109] : memref<524288x16xf32, #tpu.memory_space<hbm>> -> memref<128x16xf32, #tpu.memory_space<hbm>>
        %dma_wait3A_111 = arith.constant 0 : i32
        %dma_wait3A_112 = tpu.memref_slice %arg4[%add3A_44, %dma_wait3A_111] : memref<524288x16xf32, #tpu.memory_space<hbm>> -> memref<128x16xf32, #tpu.memory_space<hbm>>
        tpu.wait_dma2 semaphore(%run_scoped3A : memref<!tpu.dma_semaphore, #tpu.memory_space<semaphore_mem>>) src(%arg6 : memref<128x16xf32, #tpu.memory_space<vmem>>) dst(%dma_wait3A_112 : memref<128x16xf32, #tpu.memory_space<hbm>>)
        tpu.yield
      }) : () -> ()
      %mul3A_45 = arith.constant 4 : i32
      %mul3A_46 = arith.muli %scan3A_28, %mul3A_45 : i32
      %add3A_47 = arith.constant 1 : i32
      %add3A_48 = arith.addi %mul3A_46, %add3A_47 : i32
      %add3A_49 = arith.constant 3 : i32
      %add3A_50 = arith.addi %add3A_48, %add3A_49 : i32
      %lt3A_51 = arith.constant 128 : i32
      %lt3A_52 = arith.cmpi slt, %add3A_50, %lt3A_51 : i32
      %convert_element_type3A_53 = arith.extui %lt3A_52 : i1 to i32
      %cond3A_54 = arith.constant 0 : i32
      %cond3A_55 = arith.cmpi ne, %convert_element_type3A_53, %cond3A_54 : i32
      scf.if %cond3A_55 {
        %add3A_105 = arith.constant 3 : i32
        %add3A_106 = arith.addi %add3A_48, %add3A_105 : i32
        %dma_start3A_107 = arith.constant 0 : i32
        %dma_start3A_108 = tpu.memref_slice %arg5[%add3A_106, %dma_start3A_107] : memref<128x128xi32, #tpu.memory_space<vmem>> -> memref<1x128xi32, #tpu.memory_space<vmem>>
        %dma_start3A_109 = tpu.memref_squeeze %dma_start3A_108 : memref<1x128xi32, #tpu.memory_space<vmem>> -> memref<128xi32, #tpu.memory_space<vmem>>
        %dma_start3A_110 = arith.constant 0 : i32
        %dma_start3A_111 = arith.constant 0 : i32
        %dma_start3A_112 = tpu.memref_slice %arg2[%dma_start3A_110, %dma_start3A_111] : memref<65536x16xf32, #tpu.memory_space<hbm>> -> memref<65536x16xf32, #tpu.memory_space<hbm>>
        tpu.enqueue_indirect_dma source(%dma_start3A_112 : memref<65536x16xf32, #tpu.memory_space<hbm>>) target(%arg6 : memref<128x16xf32, #tpu.memory_space<vmem>>) offsets(%dma_start3A_109 : memref<128xi32, #tpu.memory_space<vmem>>) semaphore(%arg10 : memref<!tpu.dma_semaphore, #tpu.memory_space<semaphore_mem>>)
      } else {
      }
      %dma_wait3A_56 = arith.constant 0 : i32
      %dma_wait3A_57 = tpu.memref_slice %arg5[%add3A_48, %dma_wait3A_56] : memref<128x128xi32, #tpu.memory_space<vmem>> -> memref<1x128xi32, #tpu.memory_space<vmem>>
      %dma_wait3A_58 = tpu.memref_squeeze %dma_wait3A_57 : memref<1x128xi32, #tpu.memory_space<vmem>> -> memref<128xi32, #tpu.memory_space<vmem>>
      %dma_wait3A_59 = arith.constant 0 : i32
      %dma_wait3A_60 = arith.constant 0 : i32
      %dma_wait3A_61 = tpu.memref_slice %arg2[%dma_wait3A_59, %dma_wait3A_60] : memref<65536x16xf32, #tpu.memory_space<hbm>> -> memref<65536x16xf32, #tpu.memory_space<hbm>>
      tpu.wait_indirect_dma semaphore(%arg10 : memref<!tpu.dma_semaphore, #tpu.memory_space<semaphore_mem>>) src(%dma_wait3A_61 : memref<65536x16xf32, #tpu.memory_space<hbm>>) dst(%arg7 : memref<128x16xf32, #tpu.memory_space<vmem>>)
      %mul3A_62 = arith.constant 128 : i32
      %mul3A_63 = arith.muli %add3A_48, %mul3A_62 : i32
      %add3A_64 = arith.addi %mul3A_2, %mul3A_63 : i32
      "tpu.region"() ({
        %run_scoped3A = tpu.sem_alloc : memref<!tpu.dma_semaphore, #tpu.memory_space<semaphore_mem>>
        %dma_start3A_105 = arith.constant 0 : i32
        %dma_start3A_106 = tpu.memref_slice %arg4[%add3A_64, %dma_start3A_105] : memref<524288x16xf32, #tpu.memory_space<hbm>> -> memref<128x16xf32, #tpu.memory_space<hbm>>
        %dma_start3A_107 = arith.constant 0 : i32
        %dma_start3A_108 = tpu.memref_slice %arg4[%add3A_64, %dma_start3A_107] : memref<524288x16xf32, #tpu.memory_space<hbm>> -> memref<128x16xf32, #tpu.memory_space<hbm>>
        tpu.enqueue_dma source(%arg7 : memref<128x16xf32, #tpu.memory_space<vmem>>) target(%dma_start3A_108 : memref<128x16xf32, #tpu.memory_space<hbm>>) target_semaphore(%run_scoped3A : memref<!tpu.dma_semaphore, #tpu.memory_space<semaphore_mem>>)
        %dma_wait3A_109 = arith.constant 0 : i32
        %dma_wait3A_110 = tpu.memref_slice %arg4[%add3A_64, %dma_wait3A_109] : memref<524288x16xf32, #tpu.memory_space<hbm>> -> memref<128x16xf32, #tpu.memory_space<hbm>>
        %dma_wait3A_111 = arith.constant 0 : i32
        %dma_wait3A_112 = tpu.memref_slice %arg4[%add3A_64, %dma_wait3A_111] : memref<524288x16xf32, #tpu.memory_space<hbm>> -> memref<128x16xf32, #tpu.memory_space<hbm>>
        tpu.wait_dma2 semaphore(%run_scoped3A : memref<!tpu.dma_semaphore, #tpu.memory_space<semaphore_mem>>) src(%arg7 : memref<128x16xf32, #tpu.memory_space<vmem>>) dst(%dma_wait3A_112 : memref<128x16xf32, #tpu.memory_space<hbm>>)
        tpu.yield
      }) : () -> ()
      %mul3A_65 = arith.constant 4 : i32
      %mul3A_66 = arith.muli %scan3A_28, %mul3A_65 : i32
      %add3A_67 = arith.constant 2 : i32
      %add3A_68 = arith.addi %mul3A_66, %add3A_67 : i32
      %add3A_69 = arith.constant 3 : i32
      %add3A_70 = arith.addi %add3A_68, %add3A_69 : i32
      %lt3A_71 = arith.constant 128 : i32
      %lt3A_72 = arith.cmpi slt, %add3A_70, %lt3A_71 : i32
      %convert_element_type3A_73 = arith.extui %lt3A_72 : i1 to i32
      %cond3A_74 = arith.constant 0 : i32
      %cond3A_75 = arith.cmpi ne, %convert_element_type3A_73, %cond3A_74 : i32
      scf.if %cond3A_75 {
        %add3A_105 = arith.constant 3 : i32
        %add3A_106 = arith.addi %add3A_68, %add3A_105 : i32
        %dma_start3A_107 = arith.constant 0 : i32
        %dma_start3A_108 = tpu.memref_slice %arg5[%add3A_106, %dma_start3A_107] : memref<128x128xi32, #tpu.memory_space<vmem>> -> memref<1x128xi32, #tpu.memory_space<vmem>>
        %dma_start3A_109 = tpu.memref_squeeze %dma_start3A_108 : memref<1x128xi32, #tpu.memory_space<vmem>> -> memref<128xi32, #tpu.memory_space<vmem>>
        %dma_start3A_110 = arith.constant 0 : i32
        %dma_start3A_111 = arith.constant 0 : i32
        %dma_start3A_112 = tpu.memref_slice %arg2[%dma_start3A_110, %dma_start3A_111] : memref<65536x16xf32, #tpu.memory_space<hbm>> -> memref<65536x16xf32, #tpu.memory_space<hbm>>
        tpu.enqueue_indirect_dma source(%dma_start3A_112 : memref<65536x16xf32, #tpu.memory_space<hbm>>) target(%arg7 : memref<128x16xf32, #tpu.memory_space<vmem>>) offsets(%dma_start3A_109 : memref<128xi32, #tpu.memory_space<vmem>>) semaphore(%arg10 : memref<!tpu.dma_semaphore, #tpu.memory_space<semaphore_mem>>)
      } else {
      }
      %dma_wait3A_76 = arith.constant 0 : i32
      %dma_wait3A_77 = tpu.memref_slice %arg5[%add3A_68, %dma_wait3A_76] : memref<128x128xi32, #tpu.memory_space<vmem>> -> memref<1x128xi32, #tpu.memory_space<vmem>>
      %dma_wait3A_78 = tpu.memref_squeeze %dma_wait3A_77 : memref<1x128xi32, #tpu.memory_space<vmem>> -> memref<128xi32, #tpu.memory_space<vmem>>
      %dma_wait3A_79 = arith.constant 0 : i32
      %dma_wait3A_80 = arith.constant 0 : i32
      %dma_wait3A_81 = tpu.memref_slice %arg2[%dma_wait3A_79, %dma_wait3A_80] : memref<65536x16xf32, #tpu.memory_space<hbm>> -> memref<65536x16xf32, #tpu.memory_space<hbm>>
      tpu.wait_indirect_dma semaphore(%arg10 : memref<!tpu.dma_semaphore, #tpu.memory_space<semaphore_mem>>) src(%dma_wait3A_81 : memref<65536x16xf32, #tpu.memory_space<hbm>>) dst(%arg8 : memref<128x16xf32, #tpu.memory_space<vmem>>)
      %mul3A_82 = arith.constant 128 : i32
      %mul3A_83 = arith.muli %add3A_68, %mul3A_82 : i32
      %add3A_84 = arith.addi %mul3A_2, %mul3A_83 : i32
      "tpu.region"() ({
        %run_scoped3A = tpu.sem_alloc : memref<!tpu.dma_semaphore, #tpu.memory_space<semaphore_mem>>
        %dma_start3A_105 = arith.constant 0 : i32
        %dma_start3A_106 = tpu.memref_slice %arg4[%add3A_84, %dma_start3A_105] : memref<524288x16xf32, #tpu.memory_space<hbm>> -> memref<128x16xf32, #tpu.memory_space<hbm>>
        %dma_start3A_107 = arith.constant 0 : i32
        %dma_start3A_108 = tpu.memref_slice %arg4[%add3A_84, %dma_start3A_107] : memref<524288x16xf32, #tpu.memory_space<hbm>> -> memref<128x16xf32, #tpu.memory_space<hbm>>
        tpu.enqueue_dma source(%arg8 : memref<128x16xf32, #tpu.memory_space<vmem>>) target(%dma_start3A_108 : memref<128x16xf32, #tpu.memory_space<hbm>>) target_semaphore(%run_scoped3A : memref<!tpu.dma_semaphore, #tpu.memory_space<semaphore_mem>>)
        %dma_wait3A_109 = arith.constant 0 : i32
        %dma_wait3A_110 = tpu.memref_slice %arg4[%add3A_84, %dma_wait3A_109] : memref<524288x16xf32, #tpu.memory_space<hbm>> -> memref<128x16xf32, #tpu.memory_space<hbm>>
        %dma_wait3A_111 = arith.constant 0 : i32
        %dma_wait3A_112 = tpu.memref_slice %arg4[%add3A_84, %dma_wait3A_111] : memref<524288x16xf32, #tpu.memory_space<hbm>> -> memref<128x16xf32, #tpu.memory_space<hbm>>
        tpu.wait_dma2 semaphore(%run_scoped3A : memref<!tpu.dma_semaphore, #tpu.memory_space<semaphore_mem>>) src(%arg8 : memref<128x16xf32, #tpu.memory_space<vmem>>) dst(%dma_wait3A_112 : memref<128x16xf32, #tpu.memory_space<hbm>>)
        tpu.yield
      }) : () -> ()
      %mul3A_85 = arith.constant 4 : i32
      %mul3A_86 = arith.muli %scan3A_28, %mul3A_85 : i32
      %add3A_87 = arith.constant 3 : i32
      %add3A_88 = arith.addi %mul3A_86, %add3A_87 : i32
      %add3A_89 = arith.constant 3 : i32
      %add3A_90 = arith.addi %add3A_88, %add3A_89 : i32
      %lt3A_91 = arith.constant 128 : i32
      %lt3A_92 = arith.cmpi slt, %add3A_90, %lt3A_91 : i32
      %convert_element_type3A_93 = arith.extui %lt3A_92 : i1 to i32
      %cond3A_94 = arith.constant 0 : i32
      %cond3A_95 = arith.cmpi ne, %convert_element_type3A_93, %cond3A_94 : i32
      scf.if %cond3A_95 {
        %add3A_105 = arith.constant 3 : i32
        %add3A_106 = arith.addi %add3A_88, %add3A_105 : i32
        %dma_start3A_107 = arith.constant 0 : i32
        %dma_start3A_108 = tpu.memref_slice %arg5[%add3A_106, %dma_start3A_107] : memref<128x128xi32, #tpu.memory_space<vmem>> -> memref<1x128xi32, #tpu.memory_space<vmem>>
        %dma_start3A_109 = tpu.memref_squeeze %dma_start3A_108 : memref<1x128xi32, #tpu.memory_space<vmem>> -> memref<128xi32, #tpu.memory_space<vmem>>
        %dma_start3A_110 = arith.constant 0 : i32
        %dma_start3A_111 = arith.constant 0 : i32
        %dma_start3A_112 = tpu.memref_slice %arg2[%dma_start3A_110, %dma_start3A_111] : memref<65536x16xf32, #tpu.memory_space<hbm>> -> memref<65536x16xf32, #tpu.memory_space<hbm>>
        tpu.enqueue_indirect_dma source(%dma_start3A_112 : memref<65536x16xf32, #tpu.memory_space<hbm>>) target(%arg8 : memref<128x16xf32, #tpu.memory_space<vmem>>) offsets(%dma_start3A_109 : memref<128xi32, #tpu.memory_space<vmem>>) semaphore(%arg10 : memref<!tpu.dma_semaphore, #tpu.memory_space<semaphore_mem>>)
      } else {
      }
      %dma_wait3A_96 = arith.constant 0 : i32
      %dma_wait3A_97 = tpu.memref_slice %arg5[%add3A_88, %dma_wait3A_96] : memref<128x128xi32, #tpu.memory_space<vmem>> -> memref<1x128xi32, #tpu.memory_space<vmem>>
      %dma_wait3A_98 = tpu.memref_squeeze %dma_wait3A_97 : memref<1x128xi32, #tpu.memory_space<vmem>> -> memref<128xi32, #tpu.memory_space<vmem>>
      %dma_wait3A_99 = arith.constant 0 : i32
      %dma_wait3A_100 = arith.constant 0 : i32
      %dma_wait3A_101 = tpu.memref_slice %arg2[%dma_wait3A_99, %dma_wait3A_100] : memref<65536x16xf32, #tpu.memory_space<hbm>> -> memref<65536x16xf32, #tpu.memory_space<hbm>>
      tpu.wait_indirect_dma semaphore(%arg10 : memref<!tpu.dma_semaphore, #tpu.memory_space<semaphore_mem>>) src(%dma_wait3A_101 : memref<65536x16xf32, #tpu.memory_space<hbm>>) dst(%arg9 : memref<128x16xf32, #tpu.memory_space<vmem>>)
      %mul3A_102 = arith.constant 128 : i32
      %mul3A_103 = arith.muli %add3A_88, %mul3A_102 : i32
      %add3A_104 = arith.addi %mul3A_2, %mul3A_103 : i32
      "tpu.region"() ({
        %run_scoped3A = tpu.sem_alloc : memref<!tpu.dma_semaphore, #tpu.memory_space<semaphore_mem>>
        %dma_start3A_105 = arith.constant 0 : i32
        %dma_start3A_106 = tpu.memref_slice %arg4[%add3A_104, %dma_start3A_105] : memref<524288x16xf32, #tpu.memory_space<hbm>> -> memref<128x16xf32, #tpu.memory_space<hbm>>
        %dma_start3A_107 = arith.constant 0 : i32
        %dma_start3A_108 = tpu.memref_slice %arg4[%add3A_104, %dma_start3A_107] : memref<524288x16xf32, #tpu.memory_space<hbm>> -> memref<128x16xf32, #tpu.memory_space<hbm>>
        tpu.enqueue_dma source(%arg9 : memref<128x16xf32, #tpu.memory_space<vmem>>) target(%dma_start3A_108 : memref<128x16xf32, #tpu.memory_space<hbm>>) target_semaphore(%run_scoped3A : memref<!tpu.dma_semaphore, #tpu.memory_space<semaphore_mem>>)
        %dma_wait3A_109 = arith.constant 0 : i32
        %dma_wait3A_110 = tpu.memref_slice %arg4[%add3A_104, %dma_wait3A_109] : memref<524288x16xf32, #tpu.memory_space<hbm>> -> memref<128x16xf32, #tpu.memory_space<hbm>>
        %dma_wait3A_111 = arith.constant 0 : i32
        %dma_wait3A_112 = tpu.memref_slice %arg4[%add3A_104, %dma_wait3A_111] : memref<524288x16xf32, #tpu.memory_space<hbm>> -> memref<128x16xf32, #tpu.memory_space<hbm>>
        tpu.wait_dma2 semaphore(%run_scoped3A : memref<!tpu.dma_semaphore, #tpu.memory_space<semaphore_mem>>) src(%arg9 : memref<128x16xf32, #tpu.memory_space<vmem>>) dst(%dma_wait3A_112 : memref<128x16xf32, #tpu.memory_space<hbm>>)
        tpu.yield
      }) : () -> ()
    }
    %scan3A_27 = arith.constant 32 : i32
    return
  }
}

#map = affine_map<(d0, d1) -> (0, 0)>
#map1 = affine_map<(d0, d1) -> (0, 0, 0)>
module attributes {stable_mosaic.version = 14 : i64} {
  func.func @kern(%arg0: i32, %arg1: i32, %arg2: memref<65536x128xf32, #tpu.memory_space<hbm>>, %arg3: memref<32x2x128xi32, #tpu.memory_space<hbm>>, %arg4: memref<8192x128xf32, #tpu.memory_space<hbm>>, %arg5: memref<2x128xi32, #tpu.memory_space<vmem>>, %arg6: memref<128x128xf32, #tpu.memory_space<vmem>>, %arg7: memref<128x128xf32, #tpu.memory_space<vmem>>, %arg8: memref<128x128xf32, #tpu.memory_space<vmem>>, %arg9: memref<128x128xf32, #tpu.memory_space<vmem>>, %arg10: memref<!tpu.dma_semaphore, #tpu.memory_space<semaphore_mem>>) attributes {dimension_semantics = [#tpu.dimension_semantics<core_parallel>, #tpu.dimension_semantics<subcore_parallel>], iteration_bounds = array<i64: 2, 16>, scalar_prefetch = 0 : i64, scratch_operands = 6 : i64, tpu.core_type = #tpu.core_type<sc_vector_subcore>, window_params = [{transform_indices = #map}, {transform_indices = #map1}, {transform_indices = #map}]} {
    %mul3A = arith.constant 2 : i32
    %mul3A_0 = arith.muli %arg1, %mul3A : i32
    %add3A = arith.addi %mul3A_0, %arg0 : i32
    %mul3A_1 = arith.constant 256 : i32
    %mul3A_2 = arith.muli %add3A, %mul3A_1 : i32
    "tpu.region"() ({
      %run_scoped3A = tpu.sem_alloc : memref<!tpu.dma_semaphore, #tpu.memory_space<semaphore_mem>>
      %dma_start3A_47 = arith.constant 0 : i32
      %dma_start3A_48 = arith.constant 0 : i32
      %dma_start3A_49 = tpu.memref_slice %arg3[%add3A, %dma_start3A_47, %dma_start3A_48] : memref<32x2x128xi32, #tpu.memory_space<hbm>> -> memref<1x2x128xi32, #tpu.memory_space<hbm>>
      %dma_start3A_50 = tpu.memref_squeeze %dma_start3A_49 : memref<1x2x128xi32, #tpu.memory_space<hbm>> -> memref<2x128xi32, #tpu.memory_space<hbm>>
      %dma_start3A_51 = arith.constant 0 : i32
      %dma_start3A_52 = arith.constant 0 : i32
      %dma_start3A_53 = tpu.memref_slice %arg3[%add3A, %dma_start3A_51, %dma_start3A_52] : memref<32x2x128xi32, #tpu.memory_space<hbm>> -> memref<1x2x128xi32, #tpu.memory_space<hbm>>
      %dma_start3A_54 = tpu.memref_squeeze %dma_start3A_53 : memref<1x2x128xi32, #tpu.memory_space<hbm>> -> memref<2x128xi32, #tpu.memory_space<hbm>>
      tpu.enqueue_dma source(%dma_start3A_54 : memref<2x128xi32, #tpu.memory_space<hbm>>) target(%arg5 : memref<2x128xi32, #tpu.memory_space<vmem>>) target_semaphore(%run_scoped3A : memref<!tpu.dma_semaphore, #tpu.memory_space<semaphore_mem>>)
      %dma_wait3A_55 = arith.constant 0 : i32
      %dma_wait3A_56 = arith.constant 0 : i32
      %dma_wait3A_57 = tpu.memref_slice %arg3[%add3A, %dma_wait3A_55, %dma_wait3A_56] : memref<32x2x128xi32, #tpu.memory_space<hbm>> -> memref<1x2x128xi32, #tpu.memory_space<hbm>>
      %dma_wait3A_58 = tpu.memref_squeeze %dma_wait3A_57 : memref<1x2x128xi32, #tpu.memory_space<hbm>> -> memref<2x128xi32, #tpu.memory_space<hbm>>
      %dma_wait3A_59 = arith.constant 0 : i32
      %dma_wait3A_60 = arith.constant 0 : i32
      %dma_wait3A_61 = tpu.memref_slice %arg3[%add3A, %dma_wait3A_59, %dma_wait3A_60] : memref<32x2x128xi32, #tpu.memory_space<hbm>> -> memref<1x2x128xi32, #tpu.memory_space<hbm>>
      %dma_wait3A_62 = tpu.memref_squeeze %dma_wait3A_61 : memref<1x2x128xi32, #tpu.memory_space<hbm>> -> memref<2x128xi32, #tpu.memory_space<hbm>>
      tpu.wait_dma2 semaphore(%run_scoped3A : memref<!tpu.dma_semaphore, #tpu.memory_space<semaphore_mem>>) src(%dma_wait3A_62 : memref<2x128xi32, #tpu.memory_space<hbm>>) dst(%arg5 : memref<2x128xi32, #tpu.memory_space<vmem>>)
      tpu.yield
    }) : () -> ()
    %dma_start3A = arith.constant 0 : i32
    %dma_start3A_3 = arith.constant 0 : i32
    %dma_start3A_4 = tpu.memref_slice %arg5[%dma_start3A, %dma_start3A_3] : memref<2x128xi32, #tpu.memory_space<vmem>> -> memref<1x128xi32, #tpu.memory_space<vmem>>
    %dma_start3A_5 = tpu.memref_squeeze %dma_start3A_4 : memref<1x128xi32, #tpu.memory_space<vmem>> -> memref<128xi32, #tpu.memory_space<vmem>>
    %dma_start3A_6 = arith.constant 0 : i32
    %dma_start3A_7 = arith.constant 0 : i32
    %dma_start3A_8 = tpu.memref_slice %arg2[%dma_start3A_6, %dma_start3A_7] : memref<65536x128xf32, #tpu.memory_space<hbm>> -> memref<65536x128xf32, #tpu.memory_space<hbm>>
    tpu.enqueue_indirect_dma source(%dma_start3A_8 : memref<65536x128xf32, #tpu.memory_space<hbm>>) target(%arg6 : memref<128x128xf32, #tpu.memory_space<vmem>>) offsets(%dma_start3A_5 : memref<128xi32, #tpu.memory_space<vmem>>) semaphore(%arg10 : memref<!tpu.dma_semaphore, #tpu.memory_space<semaphore_mem>>)
    %scan3A = arith.constant 0 : i32
    %scan3A_9 = arith.constant 0 : i32
    %mul3A_10 = arith.constant 2 : i32
    %mul3A_11 = arith.muli %scan3A_9, %mul3A_10 : i32
    %add3A_12 = arith.constant 0 : i32
    %add3A_13 = arith.addi %mul3A_11, %add3A_12 : i32
    %add3A_14 = arith.constant 1 : i32
    %add3A_15 = arith.addi %add3A_13, %add3A_14 : i32
    %lt3A = arith.constant 2 : i32
    %lt3A_16 = arith.cmpi slt, %add3A_15, %lt3A : i32
    %convert_element_type3A = arith.extui %lt3A_16 : i1 to i32
    %cond3A = arith.constant 0 : i32
    %cond3A_17 = arith.cmpi ne, %convert_element_type3A, %cond3A : i32
    scf.if %cond3A_17 {
      %add3A_47 = arith.constant 1 : i32
      %add3A_48 = arith.addi %add3A_13, %add3A_47 : i32
      %dma_start3A_49 = arith.constant 0 : i32
      %dma_start3A_50 = tpu.memref_slice %arg5[%add3A_48, %dma_start3A_49] : memref<2x128xi32, #tpu.memory_space<vmem>> -> memref<1x128xi32, #tpu.memory_space<vmem>>
      %dma_start3A_51 = tpu.memref_squeeze %dma_start3A_50 : memref<1x128xi32, #tpu.memory_space<vmem>> -> memref<128xi32, #tpu.memory_space<vmem>>
      %dma_start3A_52 = arith.constant 0 : i32
      %dma_start3A_53 = arith.constant 0 : i32
      %dma_start3A_54 = tpu.memref_slice %arg2[%dma_start3A_52, %dma_start3A_53] : memref<65536x128xf32, #tpu.memory_space<hbm>> -> memref<65536x128xf32, #tpu.memory_space<hbm>>
      tpu.enqueue_indirect_dma source(%dma_start3A_54 : memref<65536x128xf32, #tpu.memory_space<hbm>>) target(%arg7 : memref<128x128xf32, #tpu.memory_space<vmem>>) offsets(%dma_start3A_51 : memref<128xi32, #tpu.memory_space<vmem>>) semaphore(%arg10 : memref<!tpu.dma_semaphore, #tpu.memory_space<semaphore_mem>>)
    } else {
    }
    %dma_wait3A = arith.constant 0 : i32
    %dma_wait3A_18 = tpu.memref_slice %arg5[%add3A_13, %dma_wait3A] : memref<2x128xi32, #tpu.memory_space<vmem>> -> memref<1x128xi32, #tpu.memory_space<vmem>>
    %dma_wait3A_19 = tpu.memref_squeeze %dma_wait3A_18 : memref<1x128xi32, #tpu.memory_space<vmem>> -> memref<128xi32, #tpu.memory_space<vmem>>
    %dma_wait3A_20 = arith.constant 0 : i32
    %dma_wait3A_21 = arith.constant 0 : i32
    %dma_wait3A_22 = tpu.memref_slice %arg2[%dma_wait3A_20, %dma_wait3A_21] : memref<65536x128xf32, #tpu.memory_space<hbm>> -> memref<65536x128xf32, #tpu.memory_space<hbm>>
    tpu.wait_indirect_dma semaphore(%arg10 : memref<!tpu.dma_semaphore, #tpu.memory_space<semaphore_mem>>) src(%dma_wait3A_22 : memref<65536x128xf32, #tpu.memory_space<hbm>>) dst(%arg6 : memref<128x128xf32, #tpu.memory_space<vmem>>)
    %mul3A_23 = arith.constant 128 : i32
    %mul3A_24 = arith.muli %add3A_13, %mul3A_23 : i32
    %add3A_25 = arith.addi %mul3A_2, %mul3A_24 : i32
    "tpu.region"() ({
      %run_scoped3A = tpu.sem_alloc : memref<!tpu.dma_semaphore, #tpu.memory_space<semaphore_mem>>
      %dma_start3A_47 = arith.constant 0 : i32
      %dma_start3A_48 = tpu.memref_slice %arg4[%add3A_25, %dma_start3A_47] : memref<8192x128xf32, #tpu.memory_space<hbm>> -> memref<128x128xf32, #tpu.memory_space<hbm>>
      %dma_start3A_49 = arith.constant 0 : i32
      %dma_start3A_50 = tpu.memref_slice %arg4[%add3A_25, %dma_start3A_49] : memref<8192x128xf32, #tpu.memory_space<hbm>> -> memref<128x128xf32, #tpu.memory_space<hbm>>
      tpu.enqueue_dma source(%arg6 : memref<128x128xf32, #tpu.memory_space<vmem>>) target(%dma_start3A_50 : memref<128x128xf32, #tpu.memory_space<hbm>>) target_semaphore(%run_scoped3A : memref<!tpu.dma_semaphore, #tpu.memory_space<semaphore_mem>>)
      %dma_wait3A_51 = arith.constant 0 : i32
      %dma_wait3A_52 = tpu.memref_slice %arg4[%add3A_25, %dma_wait3A_51] : memref<8192x128xf32, #tpu.memory_space<hbm>> -> memref<128x128xf32, #tpu.memory_space<hbm>>
      %dma_wait3A_53 = arith.constant 0 : i32
      %dma_wait3A_54 = tpu.memref_slice %arg4[%add3A_25, %dma_wait3A_53] : memref<8192x128xf32, #tpu.memory_space<hbm>> -> memref<128x128xf32, #tpu.memory_space<hbm>>
      tpu.wait_dma2 semaphore(%run_scoped3A : memref<!tpu.dma_semaphore, #tpu.memory_space<semaphore_mem>>) src(%arg6 : memref<128x128xf32, #tpu.memory_space<vmem>>) dst(%dma_wait3A_54 : memref<128x128xf32, #tpu.memory_space<hbm>>)
      tpu.yield
    }) : () -> ()
    %mul3A_26 = arith.constant 2 : i32
    %mul3A_27 = arith.muli %scan3A_9, %mul3A_26 : i32
    %add3A_28 = arith.constant 1 : i32
    %add3A_29 = arith.addi %mul3A_27, %add3A_28 : i32
    %add3A_30 = arith.constant 1 : i32
    %add3A_31 = arith.addi %add3A_29, %add3A_30 : i32
    %lt3A_32 = arith.constant 2 : i32
    %lt3A_33 = arith.cmpi slt, %add3A_31, %lt3A_32 : i32
    %convert_element_type3A_34 = arith.extui %lt3A_33 : i1 to i32
    %cond3A_35 = arith.constant 0 : i32
    %cond3A_36 = arith.cmpi ne, %convert_element_type3A_34, %cond3A_35 : i32
    scf.if %cond3A_36 {
      %add3A_47 = arith.constant 1 : i32
      %add3A_48 = arith.addi %add3A_29, %add3A_47 : i32
      %dma_start3A_49 = arith.constant 0 : i32
      %dma_start3A_50 = tpu.memref_slice %arg5[%add3A_48, %dma_start3A_49] : memref<2x128xi32, #tpu.memory_space<vmem>> -> memref<1x128xi32, #tpu.memory_space<vmem>>
      %dma_start3A_51 = tpu.memref_squeeze %dma_start3A_50 : memref<1x128xi32, #tpu.memory_space<vmem>> -> memref<128xi32, #tpu.memory_space<vmem>>
      %dma_start3A_52 = arith.constant 0 : i32
      %dma_start3A_53 = arith.constant 0 : i32
      %dma_start3A_54 = tpu.memref_slice %arg2[%dma_start3A_52, %dma_start3A_53] : memref<65536x128xf32, #tpu.memory_space<hbm>> -> memref<65536x128xf32, #tpu.memory_space<hbm>>
      tpu.enqueue_indirect_dma source(%dma_start3A_54 : memref<65536x128xf32, #tpu.memory_space<hbm>>) target(%arg6 : memref<128x128xf32, #tpu.memory_space<vmem>>) offsets(%dma_start3A_51 : memref<128xi32, #tpu.memory_space<vmem>>) semaphore(%arg10 : memref<!tpu.dma_semaphore, #tpu.memory_space<semaphore_mem>>)
    } else {
    }
    %dma_wait3A_37 = arith.constant 0 : i32
    %dma_wait3A_38 = tpu.memref_slice %arg5[%add3A_29, %dma_wait3A_37] : memref<2x128xi32, #tpu.memory_space<vmem>> -> memref<1x128xi32, #tpu.memory_space<vmem>>
    %dma_wait3A_39 = tpu.memref_squeeze %dma_wait3A_38 : memref<1x128xi32, #tpu.memory_space<vmem>> -> memref<128xi32, #tpu.memory_space<vmem>>
    %dma_wait3A_40 = arith.constant 0 : i32
    %dma_wait3A_41 = arith.constant 0 : i32
    %dma_wait3A_42 = tpu.memref_slice %arg2[%dma_wait3A_40, %dma_wait3A_41] : memref<65536x128xf32, #tpu.memory_space<hbm>> -> memref<65536x128xf32, #tpu.memory_space<hbm>>
    tpu.wait_indirect_dma semaphore(%arg10 : memref<!tpu.dma_semaphore, #tpu.memory_space<semaphore_mem>>) src(%dma_wait3A_42 : memref<65536x128xf32, #tpu.memory_space<hbm>>) dst(%arg7 : memref<128x128xf32, #tpu.memory_space<vmem>>)
    %mul3A_43 = arith.constant 128 : i32
    %mul3A_44 = arith.muli %add3A_29, %mul3A_43 : i32
    %add3A_45 = arith.addi %mul3A_2, %mul3A_44 : i32
    "tpu.region"() ({
      %run_scoped3A = tpu.sem_alloc : memref<!tpu.dma_semaphore, #tpu.memory_space<semaphore_mem>>
      %dma_start3A_47 = arith.constant 0 : i32
      %dma_start3A_48 = tpu.memref_slice %arg4[%add3A_45, %dma_start3A_47] : memref<8192x128xf32, #tpu.memory_space<hbm>> -> memref<128x128xf32, #tpu.memory_space<hbm>>
      %dma_start3A_49 = arith.constant 0 : i32
      %dma_start3A_50 = tpu.memref_slice %arg4[%add3A_45, %dma_start3A_49] : memref<8192x128xf32, #tpu.memory_space<hbm>> -> memref<128x128xf32, #tpu.memory_space<hbm>>
      tpu.enqueue_dma source(%arg7 : memref<128x128xf32, #tpu.memory_space<vmem>>) target(%dma_start3A_50 : memref<128x128xf32, #tpu.memory_space<hbm>>) target_semaphore(%run_scoped3A : memref<!tpu.dma_semaphore, #tpu.memory_space<semaphore_mem>>)
      %dma_wait3A_51 = arith.constant 0 : i32
      %dma_wait3A_52 = tpu.memref_slice %arg4[%add3A_45, %dma_wait3A_51] : memref<8192x128xf32, #tpu.memory_space<hbm>> -> memref<128x128xf32, #tpu.memory_space<hbm>>
      %dma_wait3A_53 = arith.constant 0 : i32
      %dma_wait3A_54 = tpu.memref_slice %arg4[%add3A_45, %dma_wait3A_53] : memref<8192x128xf32, #tpu.memory_space<hbm>> -> memref<128x128xf32, #tpu.memory_space<hbm>>
      tpu.wait_dma2 semaphore(%run_scoped3A : memref<!tpu.dma_semaphore, #tpu.memory_space<semaphore_mem>>) src(%arg7 : memref<128x128xf32, #tpu.memory_space<vmem>>) dst(%dma_wait3A_54 : memref<128x128xf32, #tpu.memory_space<hbm>>)
      tpu.yield
    }) : () -> ()
    %scan3A_46 = arith.constant 1 : i32
    return
  }
}

#map = affine_map<(d0, d1) -> (0, 0)>
#map1 = affine_map<(d0, d1) -> (0, 0, 0)>
module attributes {stable_mosaic.version = 14 : i64} {
  func.func @kern(%arg0: i32, %arg1: i32, %arg2: memref<65536x48xf32, #tpu.memory_space<hbm>>, %arg3: memref<32x128x128xi32, #tpu.memory_space<hbm>>, %arg4: memref<524288x48xf32, #tpu.memory_space<hbm>>, %arg5: memref<128x128xi32, #tpu.memory_space<vmem>>, %arg6: memref<128x48xf32, #tpu.memory_space<vmem>>, %arg7: memref<128x48xf32, #tpu.memory_space<vmem>>, %arg8: memref<128x48xf32, #tpu.memory_space<vmem>>, %arg9: memref<128x48xf32, #tpu.memory_space<vmem>>, %arg10: memref<!tpu.dma_semaphore, #tpu.memory_space<semaphore_mem>>) attributes {dimension_semantics = [#tpu.dimension_semantics<core_parallel>, #tpu.dimension_semantics<subcore_parallel>], iteration_bounds = array<i64: 2, 16>, scalar_prefetch = 0 : i64, scratch_operands = 6 : i64, tpu.core_type = #tpu.core_type<sc_vector_subcore>, window_params = [{transform_indices = #map}, {transform_indices = #map1}, {transform_indices = #map}]} {
    %mul3A = arith.constant 2 : i32
    %mul3A_0 = arith.muli %arg1, %mul3A : i32
    %add3A = arith.addi %mul3A_0, %arg0 : i32
    %mul3A_1 = arith.constant 16384 : i32
    %mul3A_2 = arith.muli %add3A, %mul3A_1 : i32
    "tpu.region"() ({
      %run_scoped3A = tpu.sem_alloc : memref<!tpu.dma_semaphore, #tpu.memory_space<semaphore_mem>>
      %dma_start3A_28 = arith.constant 0 : i32
      %dma_start3A_29 = arith.constant 0 : i32
      %dma_start3A_30 = tpu.memref_slice %arg3[%add3A, %dma_start3A_28, %dma_start3A_29] : memref<32x128x128xi32, #tpu.memory_space<hbm>> -> memref<1x128x128xi32, #tpu.memory_space<hbm>>
      %dma_start3A_31 = tpu.memref_squeeze %dma_start3A_30 : memref<1x128x128xi32, #tpu.memory_space<hbm>> -> memref<128x128xi32, #tpu.memory_space<hbm>>
      %dma_start3A_32 = arith.constant 0 : i32
      %dma_start3A_33 = arith.constant 0 : i32
      %dma_start3A_34 = tpu.memref_slice %arg3[%add3A, %dma_start3A_32, %dma_start3A_33] : memref<32x128x128xi32, #tpu.memory_space<hbm>> -> memref<1x128x128xi32, #tpu.memory_space<hbm>>
      %dma_start3A_35 = tpu.memref_squeeze %dma_start3A_34 : memref<1x128x128xi32, #tpu.memory_space<hbm>> -> memref<128x128xi32, #tpu.memory_space<hbm>>
      tpu.enqueue_dma source(%dma_start3A_35 : memref<128x128xi32, #tpu.memory_space<hbm>>) target(%arg5 : memref<128x128xi32, #tpu.memory_space<vmem>>) target_semaphore(%run_scoped3A : memref<!tpu.dma_semaphore, #tpu.memory_space<semaphore_mem>>)
      %dma_wait3A = arith.constant 0 : i32
      %dma_wait3A_36 = arith.constant 0 : i32
      %dma_wait3A_37 = tpu.memref_slice %arg3[%add3A, %dma_wait3A, %dma_wait3A_36] : memref<32x128x128xi32, #tpu.memory_space<hbm>> -> memref<1x128x128xi32, #tpu.memory_space<hbm>>
      %dma_wait3A_38 = tpu.memref_squeeze %dma_wait3A_37 : memref<1x128x128xi32, #tpu.memory_space<hbm>> -> memref<128x128xi32, #tpu.memory_space<hbm>>
      %dma_wait3A_39 = arith.constant 0 : i32
      %dma_wait3A_40 = arith.constant 0 : i32
      %dma_wait3A_41 = tpu.memref_slice %arg3[%add3A, %dma_wait3A_39, %dma_wait3A_40] : memref<32x128x128xi32, #tpu.memory_space<hbm>> -> memref<1x128x128xi32, #tpu.memory_space<hbm>>
      %dma_wait3A_42 = tpu.memref_squeeze %dma_wait3A_41 : memref<1x128x128xi32, #tpu.memory_space<hbm>> -> memref<128x128xi32, #tpu.memory_space<hbm>>
      tpu.wait_dma2 semaphore(%run_scoped3A : memref<!tpu.dma_semaphore, #tpu.memory_space<semaphore_mem>>) src(%dma_wait3A_42 : memref<128x128xi32, #tpu.memory_space<hbm>>) dst(%arg5 : memref<128x128xi32, #tpu.memory_space<vmem>>)
      tpu.yield
    }) : () -> ()
    %dma_start3A = arith.constant 0 : i32
    %dma_start3A_3 = arith.constant 0 : i32
    %dma_start3A_4 = tpu.memref_slice %arg5[%dma_start3A, %dma_start3A_3] : memref<128x128xi32, #tpu.memory_space<vmem>> -> memref<1x128xi32, #tpu.memory_space<vmem>>
    %dma_start3A_5 = tpu.memref_squeeze %dma_start3A_4 : memref<1x128xi32, #tpu.memory_space<vmem>> -> memref<128xi32, #tpu.memory_space<vmem>>
    %dma_start3A_6 = arith.constant 0 : i32
    %dma_start3A_7 = arith.constant 0 : i32
    %dma_start3A_8 = tpu.memref_slice %arg2[%dma_start3A_6, %dma_start3A_7] : memref<65536x48xf32, #tpu.memory_space<hbm>> -> memref<65536x48xf32, #tpu.memory_space<hbm>>
    tpu.enqueue_indirect_dma source(%dma_start3A_8 : memref<65536x48xf32, #tpu.memory_space<hbm>>) target(%arg6 : memref<128x48xf32, #tpu.memory_space<vmem>>) offsets(%dma_start3A_5 : memref<128xi32, #tpu.memory_space<vmem>>) semaphore(%arg10 : memref<!tpu.dma_semaphore, #tpu.memory_space<semaphore_mem>>)
    %dma_start3A_9 = arith.constant 1 : i32
    %dma_start3A_10 = arith.constant 0 : i32
    %dma_start3A_11 = tpu.memref_slice %arg5[%dma_start3A_9, %dma_start3A_10] : memref<128x128xi32, #tpu.memory_space<vmem>> -> memref<1x128xi32, #tpu.memory_space<vmem>>
    %dma_start3A_12 = tpu.memref_squeeze %dma_start3A_11 : memref<1x128xi32, #tpu.memory_space<vmem>> -> memref<128xi32, #tpu.memory_space<vmem>>
    %dma_start3A_13 = arith.constant 0 : i32
    %dma_start3A_14 = arith.constant 0 : i32
    %dma_start3A_15 = tpu.memref_slice %arg2[%dma_start3A_13, %dma_start3A_14] : memref<65536x48xf32, #tpu.memory_space<hbm>> -> memref<65536x48xf32, #tpu.memory_space<hbm>>
    tpu.enqueue_indirect_dma source(%dma_start3A_15 : memref<65536x48xf32, #tpu.memory_space<hbm>>) target(%arg7 : memref<128x48xf32, #tpu.memory_space<vmem>>) offsets(%dma_start3A_12 : memref<128xi32, #tpu.memory_space<vmem>>) semaphore(%arg10 : memref<!tpu.dma_semaphore, #tpu.memory_space<semaphore_mem>>)
    %dma_start3A_16 = arith.constant 2 : i32
    %dma_start3A_17 = arith.constant 0 : i32
    %dma_start3A_18 = tpu.memref_slice %arg5[%dma_start3A_16, %dma_start3A_17] : memref<128x128xi32, #tpu.memory_space<vmem>> -> memref<1x128xi32, #tpu.memory_space<vmem>>
    %dma_start3A_19 = tpu.memref_squeeze %dma_start3A_18 : memref<1x128xi32, #tpu.memory_space<vmem>> -> memref<128xi32, #tpu.memory_space<vmem>>
    %dma_start3A_20 = arith.constant 0 : i32
    %dma_start3A_21 = arith.constant 0 : i32
    %dma_start3A_22 = tpu.memref_slice %arg2[%dma_start3A_20, %dma_start3A_21] : memref<65536x48xf32, #tpu.memory_space<hbm>> -> memref<65536x48xf32, #tpu.memory_space<hbm>>
    tpu.enqueue_indirect_dma source(%dma_start3A_22 : memref<65536x48xf32, #tpu.memory_space<hbm>>) target(%arg8 : memref<128x48xf32, #tpu.memory_space<vmem>>) offsets(%dma_start3A_19 : memref<128xi32, #tpu.memory_space<vmem>>) semaphore(%arg10 : memref<!tpu.dma_semaphore, #tpu.memory_space<semaphore_mem>>)
    %scan3A = arith.constant 0 : i32
    %scan3A_23 = arith.constant 0 : i32
    %scan3A_24 = arith.constant 32 : i32
    %scan3A_25 = arith.addi %scan3A_23, %scan3A_24 : i32
    %scan3A_26 = arith.constant 1 : i32
    scf.for %scan3A_28 = %scan3A_23 to %scan3A_25 step %scan3A_26  : i32 {
      %mul3A_29 = arith.constant 4 : i32
      %mul3A_30 = arith.muli %scan3A_28, %mul3A_29 : i32
      %add3A_31 = arith.constant 0 : i32
      %add3A_32 = arith.addi %mul3A_30, %add3A_31 : i32
      %add3A_33 = arith.constant 3 : i32
      %add3A_34 = arith.addi %add3A_32, %add3A_33 : i32
      %lt3A = arith.constant 128 : i32
      %lt3A_35 = arith.cmpi slt, %add3A_34, %lt3A : i32
      %convert_element_type3A = arith.extui %lt3A_35 : i1 to i32
      %cond3A = arith.constant 0 : i32
      %cond3A_36 = arith.cmpi ne, %convert_element_type3A, %cond3A : i32
      scf.if %cond3A_36 {
        %add3A_105 = arith.constant 3 : i32
        %add3A_106 = arith.addi %add3A_32, %add3A_105 : i32
        %dma_start3A_107 = arith.constant 0 : i32
        %dma_start3A_108 = tpu.memref_slice %arg5[%add3A_106, %dma_start3A_107] : memref<128x128xi32, #tpu.memory_space<vmem>> -> memref<1x128xi32, #tpu.memory_space<vmem>>
        %dma_start3A_109 = tpu.memref_squeeze %dma_start3A_108 : memref<1x128xi32, #tpu.memory_space<vmem>> -> memref<128xi32, #tpu.memory_space<vmem>>
        %dma_start3A_110 = arith.constant 0 : i32
        %dma_start3A_111 = arith.constant 0 : i32
        %dma_start3A_112 = tpu.memref_slice %arg2[%dma_start3A_110, %dma_start3A_111] : memref<65536x48xf32, #tpu.memory_space<hbm>> -> memref<65536x48xf32, #tpu.memory_space<hbm>>
        tpu.enqueue_indirect_dma source(%dma_start3A_112 : memref<65536x48xf32, #tpu.memory_space<hbm>>) target(%arg9 : memref<128x48xf32, #tpu.memory_space<vmem>>) offsets(%dma_start3A_109 : memref<128xi32, #tpu.memory_space<vmem>>) semaphore(%arg10 : memref<!tpu.dma_semaphore, #tpu.memory_space<semaphore_mem>>)
      } else {
      }
      %dma_wait3A = arith.constant 0 : i32
      %dma_wait3A_37 = tpu.memref_slice %arg5[%add3A_32, %dma_wait3A] : memref<128x128xi32, #tpu.memory_space<vmem>> -> memref<1x128xi32, #tpu.memory_space<vmem>>
      %dma_wait3A_38 = tpu.memref_squeeze %dma_wait3A_37 : memref<1x128xi32, #tpu.memory_space<vmem>> -> memref<128xi32, #tpu.memory_space<vmem>>
      %dma_wait3A_39 = arith.constant 0 : i32
      %dma_wait3A_40 = arith.constant 0 : i32
      %dma_wait3A_41 = tpu.memref_slice %arg2[%dma_wait3A_39, %dma_wait3A_40] : memref<65536x48xf32, #tpu.memory_space<hbm>> -> memref<65536x48xf32, #tpu.memory_space<hbm>>
      tpu.wait_indirect_dma semaphore(%arg10 : memref<!tpu.dma_semaphore, #tpu.memory_space<semaphore_mem>>) src(%dma_wait3A_41 : memref<65536x48xf32, #tpu.memory_space<hbm>>) dst(%arg6 : memref<128x48xf32, #tpu.memory_space<vmem>>)
      %mul3A_42 = arith.constant 128 : i32
      %mul3A_43 = arith.muli %add3A_32, %mul3A_42 : i32
      %add3A_44 = arith.addi %mul3A_2, %mul3A_43 : i32
      "tpu.region"() ({
        %run_scoped3A = tpu.sem_alloc : memref<!tpu.dma_semaphore, #tpu.memory_space<semaphore_mem>>
        %dma_start3A_105 = arith.constant 0 : i32
        %dma_start3A_106 = tpu.memref_slice %arg4[%add3A_44, %dma_start3A_105] : memref<524288x48xf32, #tpu.memory_space<hbm>> -> memref<128x48xf32, #tpu.memory_space<hbm>>
        %dma_start3A_107 = arith.constant 0 : i32
        %dma_start3A_108 = tpu.memref_slice %arg4[%add3A_44, %dma_start3A_107] : memref<524288x48xf32, #tpu.memory_space<hbm>> -> memref<128x48xf32, #tpu.memory_space<hbm>>
        tpu.enqueue_dma source(%arg6 : memref<128x48xf32, #tpu.memory_space<vmem>>) target(%dma_start3A_108 : memref<128x48xf32, #tpu.memory_space<hbm>>) target_semaphore(%run_scoped3A : memref<!tpu.dma_semaphore, #tpu.memory_space<semaphore_mem>>)
        %dma_wait3A_109 = arith.constant 0 : i32
        %dma_wait3A_110 = tpu.memref_slice %arg4[%add3A_44, %dma_wait3A_109] : memref<524288x48xf32, #tpu.memory_space<hbm>> -> memref<128x48xf32, #tpu.memory_space<hbm>>
        %dma_wait3A_111 = arith.constant 0 : i32
        %dma_wait3A_112 = tpu.memref_slice %arg4[%add3A_44, %dma_wait3A_111] : memref<524288x48xf32, #tpu.memory_space<hbm>> -> memref<128x48xf32, #tpu.memory_space<hbm>>
        tpu.wait_dma2 semaphore(%run_scoped3A : memref<!tpu.dma_semaphore, #tpu.memory_space<semaphore_mem>>) src(%arg6 : memref<128x48xf32, #tpu.memory_space<vmem>>) dst(%dma_wait3A_112 : memref<128x48xf32, #tpu.memory_space<hbm>>)
        tpu.yield
      }) : () -> ()
      %mul3A_45 = arith.constant 4 : i32
      %mul3A_46 = arith.muli %scan3A_28, %mul3A_45 : i32
      %add3A_47 = arith.constant 1 : i32
      %add3A_48 = arith.addi %mul3A_46, %add3A_47 : i32
      %add3A_49 = arith.constant 3 : i32
      %add3A_50 = arith.addi %add3A_48, %add3A_49 : i32
      %lt3A_51 = arith.constant 128 : i32
      %lt3A_52 = arith.cmpi slt, %add3A_50, %lt3A_51 : i32
      %convert_element_type3A_53 = arith.extui %lt3A_52 : i1 to i32
      %cond3A_54 = arith.constant 0 : i32
      %cond3A_55 = arith.cmpi ne, %convert_element_type3A_53, %cond3A_54 : i32
      scf.if %cond3A_55 {
        %add3A_105 = arith.constant 3 : i32
        %add3A_106 = arith.addi %add3A_48, %add3A_105 : i32
        %dma_start3A_107 = arith.constant 0 : i32
        %dma_start3A_108 = tpu.memref_slice %arg5[%add3A_106, %dma_start3A_107] : memref<128x128xi32, #tpu.memory_space<vmem>> -> memref<1x128xi32, #tpu.memory_space<vmem>>
        %dma_start3A_109 = tpu.memref_squeeze %dma_start3A_108 : memref<1x128xi32, #tpu.memory_space<vmem>> -> memref<128xi32, #tpu.memory_space<vmem>>
        %dma_start3A_110 = arith.constant 0 : i32
        %dma_start3A_111 = arith.constant 0 : i32
        %dma_start3A_112 = tpu.memref_slice %arg2[%dma_start3A_110, %dma_start3A_111] : memref<65536x48xf32, #tpu.memory_space<hbm>> -> memref<65536x48xf32, #tpu.memory_space<hbm>>
        tpu.enqueue_indirect_dma source(%dma_start3A_112 : memref<65536x48xf32, #tpu.memory_space<hbm>>) target(%arg6 : memref<128x48xf32, #tpu.memory_space<vmem>>) offsets(%dma_start3A_109 : memref<128xi32, #tpu.memory_space<vmem>>) semaphore(%arg10 : memref<!tpu.dma_semaphore, #tpu.memory_space<semaphore_mem>>)
      } else {
      }
      %dma_wait3A_56 = arith.constant 0 : i32
      %dma_wait3A_57 = tpu.memref_slice %arg5[%add3A_48, %dma_wait3A_56] : memref<128x128xi32, #tpu.memory_space<vmem>> -> memref<1x128xi32, #tpu.memory_space<vmem>>
      %dma_wait3A_58 = tpu.memref_squeeze %dma_wait3A_57 : memref<1x128xi32, #tpu.memory_space<vmem>> -> memref<128xi32, #tpu.memory_space<vmem>>
      %dma_wait3A_59 = arith.constant 0 : i32
      %dma_wait3A_60 = arith.constant 0 : i32
      %dma_wait3A_61 = tpu.memref_slice %arg2[%dma_wait3A_59, %dma_wait3A_60] : memref<65536x48xf32, #tpu.memory_space<hbm>> -> memref<65536x48xf32, #tpu.memory_space<hbm>>
      tpu.wait_indirect_dma semaphore(%arg10 : memref<!tpu.dma_semaphore, #tpu.memory_space<semaphore_mem>>) src(%dma_wait3A_61 : memref<65536x48xf32, #tpu.memory_space<hbm>>) dst(%arg7 : memref<128x48xf32, #tpu.memory_space<vmem>>)
      %mul3A_62 = arith.constant 128 : i32
      %mul3A_63 = arith.muli %add3A_48, %mul3A_62 : i32
      %add3A_64 = arith.addi %mul3A_2, %mul3A_63 : i32
      "tpu.region"() ({
        %run_scoped3A = tpu.sem_alloc : memref<!tpu.dma_semaphore, #tpu.memory_space<semaphore_mem>>
        %dma_start3A_105 = arith.constant 0 : i32
        %dma_start3A_106 = tpu.memref_slice %arg4[%add3A_64, %dma_start3A_105] : memref<524288x48xf32, #tpu.memory_space<hbm>> -> memref<128x48xf32, #tpu.memory_space<hbm>>
        %dma_start3A_107 = arith.constant 0 : i32
        %dma_start3A_108 = tpu.memref_slice %arg4[%add3A_64, %dma_start3A_107] : memref<524288x48xf32, #tpu.memory_space<hbm>> -> memref<128x48xf32, #tpu.memory_space<hbm>>
        tpu.enqueue_dma source(%arg7 : memref<128x48xf32, #tpu.memory_space<vmem>>) target(%dma_start3A_108 : memref<128x48xf32, #tpu.memory_space<hbm>>) target_semaphore(%run_scoped3A : memref<!tpu.dma_semaphore, #tpu.memory_space<semaphore_mem>>)
        %dma_wait3A_109 = arith.constant 0 : i32
        %dma_wait3A_110 = tpu.memref_slice %arg4[%add3A_64, %dma_wait3A_109] : memref<524288x48xf32, #tpu.memory_space<hbm>> -> memref<128x48xf32, #tpu.memory_space<hbm>>
        %dma_wait3A_111 = arith.constant 0 : i32
        %dma_wait3A_112 = tpu.memref_slice %arg4[%add3A_64, %dma_wait3A_111] : memref<524288x48xf32, #tpu.memory_space<hbm>> -> memref<128x48xf32, #tpu.memory_space<hbm>>
        tpu.wait_dma2 semaphore(%run_scoped3A : memref<!tpu.dma_semaphore, #tpu.memory_space<semaphore_mem>>) src(%arg7 : memref<128x48xf32, #tpu.memory_space<vmem>>) dst(%dma_wait3A_112 : memref<128x48xf32, #tpu.memory_space<hbm>>)
        tpu.yield
      }) : () -> ()
      %mul3A_65 = arith.constant 4 : i32
      %mul3A_66 = arith.muli %scan3A_28, %mul3A_65 : i32
      %add3A_67 = arith.constant 2 : i32
      %add3A_68 = arith.addi %mul3A_66, %add3A_67 : i32
      %add3A_69 = arith.constant 3 : i32
      %add3A_70 = arith.addi %add3A_68, %add3A_69 : i32
      %lt3A_71 = arith.constant 128 : i32
      %lt3A_72 = arith.cmpi slt, %add3A_70, %lt3A_71 : i32
      %convert_element_type3A_73 = arith.extui %lt3A_72 : i1 to i32
      %cond3A_74 = arith.constant 0 : i32
      %cond3A_75 = arith.cmpi ne, %convert_element_type3A_73, %cond3A_74 : i32
      scf.if %cond3A_75 {
        %add3A_105 = arith.constant 3 : i32
        %add3A_106 = arith.addi %add3A_68, %add3A_105 : i32
        %dma_start3A_107 = arith.constant 0 : i32
        %dma_start3A_108 = tpu.memref_slice %arg5[%add3A_106, %dma_start3A_107] : memref<128x128xi32, #tpu.memory_space<vmem>> -> memref<1x128xi32, #tpu.memory_space<vmem>>
        %dma_start3A_109 = tpu.memref_squeeze %dma_start3A_108 : memref<1x128xi32, #tpu.memory_space<vmem>> -> memref<128xi32, #tpu.memory_space<vmem>>
        %dma_start3A_110 = arith.constant 0 : i32
        %dma_start3A_111 = arith.constant 0 : i32
        %dma_start3A_112 = tpu.memref_slice %arg2[%dma_start3A_110, %dma_start3A_111] : memref<65536x48xf32, #tpu.memory_space<hbm>> -> memref<65536x48xf32, #tpu.memory_space<hbm>>
        tpu.enqueue_indirect_dma source(%dma_start3A_112 : memref<65536x48xf32, #tpu.memory_space<hbm>>) target(%arg7 : memref<128x48xf32, #tpu.memory_space<vmem>>) offsets(%dma_start3A_109 : memref<128xi32, #tpu.memory_space<vmem>>) semaphore(%arg10 : memref<!tpu.dma_semaphore, #tpu.memory_space<semaphore_mem>>)
      } else {
      }
      %dma_wait3A_76 = arith.constant 0 : i32
      %dma_wait3A_77 = tpu.memref_slice %arg5[%add3A_68, %dma_wait3A_76] : memref<128x128xi32, #tpu.memory_space<vmem>> -> memref<1x128xi32, #tpu.memory_space<vmem>>
      %dma_wait3A_78 = tpu.memref_squeeze %dma_wait3A_77 : memref<1x128xi32, #tpu.memory_space<vmem>> -> memref<128xi32, #tpu.memory_space<vmem>>
      %dma_wait3A_79 = arith.constant 0 : i32
      %dma_wait3A_80 = arith.constant 0 : i32
      %dma_wait3A_81 = tpu.memref_slice %arg2[%dma_wait3A_79, %dma_wait3A_80] : memref<65536x48xf32, #tpu.memory_space<hbm>> -> memref<65536x48xf32, #tpu.memory_space<hbm>>
      tpu.wait_indirect_dma semaphore(%arg10 : memref<!tpu.dma_semaphore, #tpu.memory_space<semaphore_mem>>) src(%dma_wait3A_81 : memref<65536x48xf32, #tpu.memory_space<hbm>>) dst(%arg8 : memref<128x48xf32, #tpu.memory_space<vmem>>)
      %mul3A_82 = arith.constant 128 : i32
      %mul3A_83 = arith.muli %add3A_68, %mul3A_82 : i32
      %add3A_84 = arith.addi %mul3A_2, %mul3A_83 : i32
      "tpu.region"() ({
        %run_scoped3A = tpu.sem_alloc : memref<!tpu.dma_semaphore, #tpu.memory_space<semaphore_mem>>
        %dma_start3A_105 = arith.constant 0 : i32
        %dma_start3A_106 = tpu.memref_slice %arg4[%add3A_84, %dma_start3A_105] : memref<524288x48xf32, #tpu.memory_space<hbm>> -> memref<128x48xf32, #tpu.memory_space<hbm>>
        %dma_start3A_107 = arith.constant 0 : i32
        %dma_start3A_108 = tpu.memref_slice %arg4[%add3A_84, %dma_start3A_107] : memref<524288x48xf32, #tpu.memory_space<hbm>> -> memref<128x48xf32, #tpu.memory_space<hbm>>
        tpu.enqueue_dma source(%arg8 : memref<128x48xf32, #tpu.memory_space<vmem>>) target(%dma_start3A_108 : memref<128x48xf32, #tpu.memory_space<hbm>>) target_semaphore(%run_scoped3A : memref<!tpu.dma_semaphore, #tpu.memory_space<semaphore_mem>>)
        %dma_wait3A_109 = arith.constant 0 : i32
        %dma_wait3A_110 = tpu.memref_slice %arg4[%add3A_84, %dma_wait3A_109] : memref<524288x48xf32, #tpu.memory_space<hbm>> -> memref<128x48xf32, #tpu.memory_space<hbm>>
        %dma_wait3A_111 = arith.constant 0 : i32
        %dma_wait3A_112 = tpu.memref_slice %arg4[%add3A_84, %dma_wait3A_111] : memref<524288x48xf32, #tpu.memory_space<hbm>> -> memref<128x48xf32, #tpu.memory_space<hbm>>
        tpu.wait_dma2 semaphore(%run_scoped3A : memref<!tpu.dma_semaphore, #tpu.memory_space<semaphore_mem>>) src(%arg8 : memref<128x48xf32, #tpu.memory_space<vmem>>) dst(%dma_wait3A_112 : memref<128x48xf32, #tpu.memory_space<hbm>>)
        tpu.yield
      }) : () -> ()
      %mul3A_85 = arith.constant 4 : i32
      %mul3A_86 = arith.muli %scan3A_28, %mul3A_85 : i32
      %add3A_87 = arith.constant 3 : i32
      %add3A_88 = arith.addi %mul3A_86, %add3A_87 : i32
      %add3A_89 = arith.constant 3 : i32
      %add3A_90 = arith.addi %add3A_88, %add3A_89 : i32
      %lt3A_91 = arith.constant 128 : i32
      %lt3A_92 = arith.cmpi slt, %add3A_90, %lt3A_91 : i32
      %convert_element_type3A_93 = arith.extui %lt3A_92 : i1 to i32
      %cond3A_94 = arith.constant 0 : i32
      %cond3A_95 = arith.cmpi ne, %convert_element_type3A_93, %cond3A_94 : i32
      scf.if %cond3A_95 {
        %add3A_105 = arith.constant 3 : i32
        %add3A_106 = arith.addi %add3A_88, %add3A_105 : i32
        %dma_start3A_107 = arith.constant 0 : i32
        %dma_start3A_108 = tpu.memref_slice %arg5[%add3A_106, %dma_start3A_107] : memref<128x128xi32, #tpu.memory_space<vmem>> -> memref<1x128xi32, #tpu.memory_space<vmem>>
        %dma_start3A_109 = tpu.memref_squeeze %dma_start3A_108 : memref<1x128xi32, #tpu.memory_space<vmem>> -> memref<128xi32, #tpu.memory_space<vmem>>
        %dma_start3A_110 = arith.constant 0 : i32
        %dma_start3A_111 = arith.constant 0 : i32
        %dma_start3A_112 = tpu.memref_slice %arg2[%dma_start3A_110, %dma_start3A_111] : memref<65536x48xf32, #tpu.memory_space<hbm>> -> memref<65536x48xf32, #tpu.memory_space<hbm>>
        tpu.enqueue_indirect_dma source(%dma_start3A_112 : memref<65536x48xf32, #tpu.memory_space<hbm>>) target(%arg8 : memref<128x48xf32, #tpu.memory_space<vmem>>) offsets(%dma_start3A_109 : memref<128xi32, #tpu.memory_space<vmem>>) semaphore(%arg10 : memref<!tpu.dma_semaphore, #tpu.memory_space<semaphore_mem>>)
      } else {
      }
      %dma_wait3A_96 = arith.constant 0 : i32
      %dma_wait3A_97 = tpu.memref_slice %arg5[%add3A_88, %dma_wait3A_96] : memref<128x128xi32, #tpu.memory_space<vmem>> -> memref<1x128xi32, #tpu.memory_space<vmem>>
      %dma_wait3A_98 = tpu.memref_squeeze %dma_wait3A_97 : memref<1x128xi32, #tpu.memory_space<vmem>> -> memref<128xi32, #tpu.memory_space<vmem>>
      %dma_wait3A_99 = arith.constant 0 : i32
      %dma_wait3A_100 = arith.constant 0 : i32
      %dma_wait3A_101 = tpu.memref_slice %arg2[%dma_wait3A_99, %dma_wait3A_100] : memref<65536x48xf32, #tpu.memory_space<hbm>> -> memref<65536x48xf32, #tpu.memory_space<hbm>>
      tpu.wait_indirect_dma semaphore(%arg10 : memref<!tpu.dma_semaphore, #tpu.memory_space<semaphore_mem>>) src(%dma_wait3A_101 : memref<65536x48xf32, #tpu.memory_space<hbm>>) dst(%arg9 : memref<128x48xf32, #tpu.memory_space<vmem>>)
      %mul3A_102 = arith.constant 128 : i32
      %mul3A_103 = arith.muli %add3A_88, %mul3A_102 : i32
      %add3A_104 = arith.addi %mul3A_2, %mul3A_103 : i32
      "tpu.region"() ({
        %run_scoped3A = tpu.sem_alloc : memref<!tpu.dma_semaphore, #tpu.memory_space<semaphore_mem>>
        %dma_start3A_105 = arith.constant 0 : i32
        %dma_start3A_106 = tpu.memref_slice %arg4[%add3A_104, %dma_start3A_105] : memref<524288x48xf32, #tpu.memory_space<hbm>> -> memref<128x48xf32, #tpu.memory_space<hbm>>
        %dma_start3A_107 = arith.constant 0 : i32
        %dma_start3A_108 = tpu.memref_slice %arg4[%add3A_104, %dma_start3A_107] : memref<524288x48xf32, #tpu.memory_space<hbm>> -> memref<128x48xf32, #tpu.memory_space<hbm>>
        tpu.enqueue_dma source(%arg9 : memref<128x48xf32, #tpu.memory_space<vmem>>) target(%dma_start3A_108 : memref<128x48xf32, #tpu.memory_space<hbm>>) target_semaphore(%run_scoped3A : memref<!tpu.dma_semaphore, #tpu.memory_space<semaphore_mem>>)
        %dma_wait3A_109 = arith.constant 0 : i32
        %dma_wait3A_110 = tpu.memref_slice %arg4[%add3A_104, %dma_wait3A_109] : memref<524288x48xf32, #tpu.memory_space<hbm>> -> memref<128x48xf32, #tpu.memory_space<hbm>>
        %dma_wait3A_111 = arith.constant 0 : i32
        %dma_wait3A_112 = tpu.memref_slice %arg4[%add3A_104, %dma_wait3A_111] : memref<524288x48xf32, #tpu.memory_space<hbm>> -> memref<128x48xf32, #tpu.memory_space<hbm>>
        tpu.wait_dma2 semaphore(%run_scoped3A : memref<!tpu.dma_semaphore, #tpu.memory_space<semaphore_mem>>) src(%arg9 : memref<128x48xf32, #tpu.memory_space<vmem>>) dst(%dma_wait3A_112 : memref<128x48xf32, #tpu.memory_space<hbm>>)
        tpu.yield
      }) : () -> ()
    }
    %scan3A_27 = arith.constant 32 : i32
    return
  }
}

#map = affine_map<(d0, d1) -> (0, 0)>
#map1 = affine_map<(d0, d1) -> (0, 0, 0)>
module attributes {stable_mosaic.version = 14 : i64} {
  func.func @kern(%arg0: i32, %arg1: i32, %arg2: memref<65536x80xf32, #tpu.memory_space<hbm>>, %arg3: memref<32x128x128xi32, #tpu.memory_space<hbm>>, %arg4: memref<524288x80xf32, #tpu.memory_space<hbm>>, %arg5: memref<128x128xi32, #tpu.memory_space<vmem>>, %arg6: memref<128x80xf32, #tpu.memory_space<vmem>>, %arg7: memref<128x80xf32, #tpu.memory_space<vmem>>, %arg8: memref<128x80xf32, #tpu.memory_space<vmem>>, %arg9: memref<128x80xf32, #tpu.memory_space<vmem>>, %arg10: memref<!tpu.dma_semaphore, #tpu.memory_space<semaphore_mem>>) attributes {dimension_semantics = [#tpu.dimension_semantics<core_parallel>, #tpu.dimension_semantics<subcore_parallel>], iteration_bounds = array<i64: 2, 16>, scalar_prefetch = 0 : i64, scratch_operands = 6 : i64, tpu.core_type = #tpu.core_type<sc_vector_subcore>, window_params = [{transform_indices = #map}, {transform_indices = #map1}, {transform_indices = #map}]} {
    %mul3A = arith.constant 2 : i32
    %mul3A_0 = arith.muli %arg1, %mul3A : i32
    %add3A = arith.addi %mul3A_0, %arg0 : i32
    %mul3A_1 = arith.constant 16384 : i32
    %mul3A_2 = arith.muli %add3A, %mul3A_1 : i32
    "tpu.region"() ({
      %run_scoped3A = tpu.sem_alloc : memref<!tpu.dma_semaphore, #tpu.memory_space<semaphore_mem>>
      %dma_start3A_28 = arith.constant 0 : i32
      %dma_start3A_29 = arith.constant 0 : i32
      %dma_start3A_30 = tpu.memref_slice %arg3[%add3A, %dma_start3A_28, %dma_start3A_29] : memref<32x128x128xi32, #tpu.memory_space<hbm>> -> memref<1x128x128xi32, #tpu.memory_space<hbm>>
      %dma_start3A_31 = tpu.memref_squeeze %dma_start3A_30 : memref<1x128x128xi32, #tpu.memory_space<hbm>> -> memref<128x128xi32, #tpu.memory_space<hbm>>
      %dma_start3A_32 = arith.constant 0 : i32
      %dma_start3A_33 = arith.constant 0 : i32
      %dma_start3A_34 = tpu.memref_slice %arg3[%add3A, %dma_start3A_32, %dma_start3A_33] : memref<32x128x128xi32, #tpu.memory_space<hbm>> -> memref<1x128x128xi32, #tpu.memory_space<hbm>>
      %dma_start3A_35 = tpu.memref_squeeze %dma_start3A_34 : memref<1x128x128xi32, #tpu.memory_space<hbm>> -> memref<128x128xi32, #tpu.memory_space<hbm>>
      tpu.enqueue_dma source(%dma_start3A_35 : memref<128x128xi32, #tpu.memory_space<hbm>>) target(%arg5 : memref<128x128xi32, #tpu.memory_space<vmem>>) target_semaphore(%run_scoped3A : memref<!tpu.dma_semaphore, #tpu.memory_space<semaphore_mem>>)
      %dma_wait3A = arith.constant 0 : i32
      %dma_wait3A_36 = arith.constant 0 : i32
      %dma_wait3A_37 = tpu.memref_slice %arg3[%add3A, %dma_wait3A, %dma_wait3A_36] : memref<32x128x128xi32, #tpu.memory_space<hbm>> -> memref<1x128x128xi32, #tpu.memory_space<hbm>>
      %dma_wait3A_38 = tpu.memref_squeeze %dma_wait3A_37 : memref<1x128x128xi32, #tpu.memory_space<hbm>> -> memref<128x128xi32, #tpu.memory_space<hbm>>
      %dma_wait3A_39 = arith.constant 0 : i32
      %dma_wait3A_40 = arith.constant 0 : i32
      %dma_wait3A_41 = tpu.memref_slice %arg3[%add3A, %dma_wait3A_39, %dma_wait3A_40] : memref<32x128x128xi32, #tpu.memory_space<hbm>> -> memref<1x128x128xi32, #tpu.memory_space<hbm>>
      %dma_wait3A_42 = tpu.memref_squeeze %dma_wait3A_41 : memref<1x128x128xi32, #tpu.memory_space<hbm>> -> memref<128x128xi32, #tpu.memory_space<hbm>>
      tpu.wait_dma2 semaphore(%run_scoped3A : memref<!tpu.dma_semaphore, #tpu.memory_space<semaphore_mem>>) src(%dma_wait3A_42 : memref<128x128xi32, #tpu.memory_space<hbm>>) dst(%arg5 : memref<128x128xi32, #tpu.memory_space<vmem>>)
      tpu.yield
    }) : () -> ()
    %dma_start3A = arith.constant 0 : i32
    %dma_start3A_3 = arith.constant 0 : i32
    %dma_start3A_4 = tpu.memref_slice %arg5[%dma_start3A, %dma_start3A_3] : memref<128x128xi32, #tpu.memory_space<vmem>> -> memref<1x128xi32, #tpu.memory_space<vmem>>
    %dma_start3A_5 = tpu.memref_squeeze %dma_start3A_4 : memref<1x128xi32, #tpu.memory_space<vmem>> -> memref<128xi32, #tpu.memory_space<vmem>>
    %dma_start3A_6 = arith.constant 0 : i32
    %dma_start3A_7 = arith.constant 0 : i32
    %dma_start3A_8 = tpu.memref_slice %arg2[%dma_start3A_6, %dma_start3A_7] : memref<65536x80xf32, #tpu.memory_space<hbm>> -> memref<65536x80xf32, #tpu.memory_space<hbm>>
    tpu.enqueue_indirect_dma source(%dma_start3A_8 : memref<65536x80xf32, #tpu.memory_space<hbm>>) target(%arg6 : memref<128x80xf32, #tpu.memory_space<vmem>>) offsets(%dma_start3A_5 : memref<128xi32, #tpu.memory_space<vmem>>) semaphore(%arg10 : memref<!tpu.dma_semaphore, #tpu.memory_space<semaphore_mem>>)
    %dma_start3A_9 = arith.constant 1 : i32
    %dma_start3A_10 = arith.constant 0 : i32
    %dma_start3A_11 = tpu.memref_slice %arg5[%dma_start3A_9, %dma_start3A_10] : memref<128x128xi32, #tpu.memory_space<vmem>> -> memref<1x128xi32, #tpu.memory_space<vmem>>
    %dma_start3A_12 = tpu.memref_squeeze %dma_start3A_11 : memref<1x128xi32, #tpu.memory_space<vmem>> -> memref<128xi32, #tpu.memory_space<vmem>>
    %dma_start3A_13 = arith.constant 0 : i32
    %dma_start3A_14 = arith.constant 0 : i32
    %dma_start3A_15 = tpu.memref_slice %arg2[%dma_start3A_13, %dma_start3A_14] : memref<65536x80xf32, #tpu.memory_space<hbm>> -> memref<65536x80xf32, #tpu.memory_space<hbm>>
    tpu.enqueue_indirect_dma source(%dma_start3A_15 : memref<65536x80xf32, #tpu.memory_space<hbm>>) target(%arg7 : memref<128x80xf32, #tpu.memory_space<vmem>>) offsets(%dma_start3A_12 : memref<128xi32, #tpu.memory_space<vmem>>) semaphore(%arg10 : memref<!tpu.dma_semaphore, #tpu.memory_space<semaphore_mem>>)
    %dma_start3A_16 = arith.constant 2 : i32
    %dma_start3A_17 = arith.constant 0 : i32
    %dma_start3A_18 = tpu.memref_slice %arg5[%dma_start3A_16, %dma_start3A_17] : memref<128x128xi32, #tpu.memory_space<vmem>> -> memref<1x128xi32, #tpu.memory_space<vmem>>
    %dma_start3A_19 = tpu.memref_squeeze %dma_start3A_18 : memref<1x128xi32, #tpu.memory_space<vmem>> -> memref<128xi32, #tpu.memory_space<vmem>>
    %dma_start3A_20 = arith.constant 0 : i32
    %dma_start3A_21 = arith.constant 0 : i32
    %dma_start3A_22 = tpu.memref_slice %arg2[%dma_start3A_20, %dma_start3A_21] : memref<65536x80xf32, #tpu.memory_space<hbm>> -> memref<65536x80xf32, #tpu.memory_space<hbm>>
    tpu.enqueue_indirect_dma source(%dma_start3A_22 : memref<65536x80xf32, #tpu.memory_space<hbm>>) target(%arg8 : memref<128x80xf32, #tpu.memory_space<vmem>>) offsets(%dma_start3A_19 : memref<128xi32, #tpu.memory_space<vmem>>) semaphore(%arg10 : memref<!tpu.dma_semaphore, #tpu.memory_space<semaphore_mem>>)
    %scan3A = arith.constant 0 : i32
    %scan3A_23 = arith.constant 0 : i32
    %scan3A_24 = arith.constant 32 : i32
    %scan3A_25 = arith.addi %scan3A_23, %scan3A_24 : i32
    %scan3A_26 = arith.constant 1 : i32
    scf.for %scan3A_28 = %scan3A_23 to %scan3A_25 step %scan3A_26  : i32 {
      %mul3A_29 = arith.constant 4 : i32
      %mul3A_30 = arith.muli %scan3A_28, %mul3A_29 : i32
      %add3A_31 = arith.constant 0 : i32
      %add3A_32 = arith.addi %mul3A_30, %add3A_31 : i32
      %add3A_33 = arith.constant 3 : i32
      %add3A_34 = arith.addi %add3A_32, %add3A_33 : i32
      %lt3A = arith.constant 128 : i32
      %lt3A_35 = arith.cmpi slt, %add3A_34, %lt3A : i32
      %convert_element_type3A = arith.extui %lt3A_35 : i1 to i32
      %cond3A = arith.constant 0 : i32
      %cond3A_36 = arith.cmpi ne, %convert_element_type3A, %cond3A : i32
      scf.if %cond3A_36 {
        %add3A_105 = arith.constant 3 : i32
        %add3A_106 = arith.addi %add3A_32, %add3A_105 : i32
        %dma_start3A_107 = arith.constant 0 : i32
        %dma_start3A_108 = tpu.memref_slice %arg5[%add3A_106, %dma_start3A_107] : memref<128x128xi32, #tpu.memory_space<vmem>> -> memref<1x128xi32, #tpu.memory_space<vmem>>
        %dma_start3A_109 = tpu.memref_squeeze %dma_start3A_108 : memref<1x128xi32, #tpu.memory_space<vmem>> -> memref<128xi32, #tpu.memory_space<vmem>>
        %dma_start3A_110 = arith.constant 0 : i32
        %dma_start3A_111 = arith.constant 0 : i32
        %dma_start3A_112 = tpu.memref_slice %arg2[%dma_start3A_110, %dma_start3A_111] : memref<65536x80xf32, #tpu.memory_space<hbm>> -> memref<65536x80xf32, #tpu.memory_space<hbm>>
        tpu.enqueue_indirect_dma source(%dma_start3A_112 : memref<65536x80xf32, #tpu.memory_space<hbm>>) target(%arg9 : memref<128x80xf32, #tpu.memory_space<vmem>>) offsets(%dma_start3A_109 : memref<128xi32, #tpu.memory_space<vmem>>) semaphore(%arg10 : memref<!tpu.dma_semaphore, #tpu.memory_space<semaphore_mem>>)
      } else {
      }
      %dma_wait3A = arith.constant 0 : i32
      %dma_wait3A_37 = tpu.memref_slice %arg5[%add3A_32, %dma_wait3A] : memref<128x128xi32, #tpu.memory_space<vmem>> -> memref<1x128xi32, #tpu.memory_space<vmem>>
      %dma_wait3A_38 = tpu.memref_squeeze %dma_wait3A_37 : memref<1x128xi32, #tpu.memory_space<vmem>> -> memref<128xi32, #tpu.memory_space<vmem>>
      %dma_wait3A_39 = arith.constant 0 : i32
      %dma_wait3A_40 = arith.constant 0 : i32
      %dma_wait3A_41 = tpu.memref_slice %arg2[%dma_wait3A_39, %dma_wait3A_40] : memref<65536x80xf32, #tpu.memory_space<hbm>> -> memref<65536x80xf32, #tpu.memory_space<hbm>>
      tpu.wait_indirect_dma semaphore(%arg10 : memref<!tpu.dma_semaphore, #tpu.memory_space<semaphore_mem>>) src(%dma_wait3A_41 : memref<65536x80xf32, #tpu.memory_space<hbm>>) dst(%arg6 : memref<128x80xf32, #tpu.memory_space<vmem>>)
      %mul3A_42 = arith.constant 128 : i32
      %mul3A_43 = arith.muli %add3A_32, %mul3A_42 : i32
      %add3A_44 = arith.addi %mul3A_2, %mul3A_43 : i32
      "tpu.region"() ({
        %run_scoped3A = tpu.sem_alloc : memref<!tpu.dma_semaphore, #tpu.memory_space<semaphore_mem>>
        %dma_start3A_105 = arith.constant 0 : i32
        %dma_start3A_106 = tpu.memref_slice %arg4[%add3A_44, %dma_start3A_105] : memref<524288x80xf32, #tpu.memory_space<hbm>> -> memref<128x80xf32, #tpu.memory_space<hbm>>
        %dma_start3A_107 = arith.constant 0 : i32
        %dma_start3A_108 = tpu.memref_slice %arg4[%add3A_44, %dma_start3A_107] : memref<524288x80xf32, #tpu.memory_space<hbm>> -> memref<128x80xf32, #tpu.memory_space<hbm>>
        tpu.enqueue_dma source(%arg6 : memref<128x80xf32, #tpu.memory_space<vmem>>) target(%dma_start3A_108 : memref<128x80xf32, #tpu.memory_space<hbm>>) target_semaphore(%run_scoped3A : memref<!tpu.dma_semaphore, #tpu.memory_space<semaphore_mem>>)
        %dma_wait3A_109 = arith.constant 0 : i32
        %dma_wait3A_110 = tpu.memref_slice %arg4[%add3A_44, %dma_wait3A_109] : memref<524288x80xf32, #tpu.memory_space<hbm>> -> memref<128x80xf32, #tpu.memory_space<hbm>>
        %dma_wait3A_111 = arith.constant 0 : i32
        %dma_wait3A_112 = tpu.memref_slice %arg4[%add3A_44, %dma_wait3A_111] : memref<524288x80xf32, #tpu.memory_space<hbm>> -> memref<128x80xf32, #tpu.memory_space<hbm>>
        tpu.wait_dma2 semaphore(%run_scoped3A : memref<!tpu.dma_semaphore, #tpu.memory_space<semaphore_mem>>) src(%arg6 : memref<128x80xf32, #tpu.memory_space<vmem>>) dst(%dma_wait3A_112 : memref<128x80xf32, #tpu.memory_space<hbm>>)
        tpu.yield
      }) : () -> ()
      %mul3A_45 = arith.constant 4 : i32
      %mul3A_46 = arith.muli %scan3A_28, %mul3A_45 : i32
      %add3A_47 = arith.constant 1 : i32
      %add3A_48 = arith.addi %mul3A_46, %add3A_47 : i32
      %add3A_49 = arith.constant 3 : i32
      %add3A_50 = arith.addi %add3A_48, %add3A_49 : i32
      %lt3A_51 = arith.constant 128 : i32
      %lt3A_52 = arith.cmpi slt, %add3A_50, %lt3A_51 : i32
      %convert_element_type3A_53 = arith.extui %lt3A_52 : i1 to i32
      %cond3A_54 = arith.constant 0 : i32
      %cond3A_55 = arith.cmpi ne, %convert_element_type3A_53, %cond3A_54 : i32
      scf.if %cond3A_55 {
        %add3A_105 = arith.constant 3 : i32
        %add3A_106 = arith.addi %add3A_48, %add3A_105 : i32
        %dma_start3A_107 = arith.constant 0 : i32
        %dma_start3A_108 = tpu.memref_slice %arg5[%add3A_106, %dma_start3A_107] : memref<128x128xi32, #tpu.memory_space<vmem>> -> memref<1x128xi32, #tpu.memory_space<vmem>>
        %dma_start3A_109 = tpu.memref_squeeze %dma_start3A_108 : memref<1x128xi32, #tpu.memory_space<vmem>> -> memref<128xi32, #tpu.memory_space<vmem>>
        %dma_start3A_110 = arith.constant 0 : i32
        %dma_start3A_111 = arith.constant 0 : i32
        %dma_start3A_112 = tpu.memref_slice %arg2[%dma_start3A_110, %dma_start3A_111] : memref<65536x80xf32, #tpu.memory_space<hbm>> -> memref<65536x80xf32, #tpu.memory_space<hbm>>
        tpu.enqueue_indirect_dma source(%dma_start3A_112 : memref<65536x80xf32, #tpu.memory_space<hbm>>) target(%arg6 : memref<128x80xf32, #tpu.memory_space<vmem>>) offsets(%dma_start3A_109 : memref<128xi32, #tpu.memory_space<vmem>>) semaphore(%arg10 : memref<!tpu.dma_semaphore, #tpu.memory_space<semaphore_mem>>)
      } else {
      }
      %dma_wait3A_56 = arith.constant 0 : i32
      %dma_wait3A_57 = tpu.memref_slice %arg5[%add3A_48, %dma_wait3A_56] : memref<128x128xi32, #tpu.memory_space<vmem>> -> memref<1x128xi32, #tpu.memory_space<vmem>>
      %dma_wait3A_58 = tpu.memref_squeeze %dma_wait3A_57 : memref<1x128xi32, #tpu.memory_space<vmem>> -> memref<128xi32, #tpu.memory_space<vmem>>
      %dma_wait3A_59 = arith.constant 0 : i32
      %dma_wait3A_60 = arith.constant 0 : i32
      %dma_wait3A_61 = tpu.memref_slice %arg2[%dma_wait3A_59, %dma_wait3A_60] : memref<65536x80xf32, #tpu.memory_space<hbm>> -> memref<65536x80xf32, #tpu.memory_space<hbm>>
      tpu.wait_indirect_dma semaphore(%arg10 : memref<!tpu.dma_semaphore, #tpu.memory_space<semaphore_mem>>) src(%dma_wait3A_61 : memref<65536x80xf32, #tpu.memory_space<hbm>>) dst(%arg7 : memref<128x80xf32, #tpu.memory_space<vmem>>)
      %mul3A_62 = arith.constant 128 : i32
      %mul3A_63 = arith.muli %add3A_48, %mul3A_62 : i32
      %add3A_64 = arith.addi %mul3A_2, %mul3A_63 : i32
      "tpu.region"() ({
        %run_scoped3A = tpu.sem_alloc : memref<!tpu.dma_semaphore, #tpu.memory_space<semaphore_mem>>
        %dma_start3A_105 = arith.constant 0 : i32
        %dma_start3A_106 = tpu.memref_slice %arg4[%add3A_64, %dma_start3A_105] : memref<524288x80xf32, #tpu.memory_space<hbm>> -> memref<128x80xf32, #tpu.memory_space<hbm>>
        %dma_start3A_107 = arith.constant 0 : i32
        %dma_start3A_108 = tpu.memref_slice %arg4[%add3A_64, %dma_start3A_107] : memref<524288x80xf32, #tpu.memory_space<hbm>> -> memref<128x80xf32, #tpu.memory_space<hbm>>
        tpu.enqueue_dma source(%arg7 : memref<128x80xf32, #tpu.memory_space<vmem>>) target(%dma_start3A_108 : memref<128x80xf32, #tpu.memory_space<hbm>>) target_semaphore(%run_scoped3A : memref<!tpu.dma_semaphore, #tpu.memory_space<semaphore_mem>>)
        %dma_wait3A_109 = arith.constant 0 : i32
        %dma_wait3A_110 = tpu.memref_slice %arg4[%add3A_64, %dma_wait3A_109] : memref<524288x80xf32, #tpu.memory_space<hbm>> -> memref<128x80xf32, #tpu.memory_space<hbm>>
        %dma_wait3A_111 = arith.constant 0 : i32
        %dma_wait3A_112 = tpu.memref_slice %arg4[%add3A_64, %dma_wait3A_111] : memref<524288x80xf32, #tpu.memory_space<hbm>> -> memref<128x80xf32, #tpu.memory_space<hbm>>
        tpu.wait_dma2 semaphore(%run_scoped3A : memref<!tpu.dma_semaphore, #tpu.memory_space<semaphore_mem>>) src(%arg7 : memref<128x80xf32, #tpu.memory_space<vmem>>) dst(%dma_wait3A_112 : memref<128x80xf32, #tpu.memory_space<hbm>>)
        tpu.yield
      }) : () -> ()
      %mul3A_65 = arith.constant 4 : i32
      %mul3A_66 = arith.muli %scan3A_28, %mul3A_65 : i32
      %add3A_67 = arith.constant 2 : i32
      %add3A_68 = arith.addi %mul3A_66, %add3A_67 : i32
      %add3A_69 = arith.constant 3 : i32
      %add3A_70 = arith.addi %add3A_68, %add3A_69 : i32
      %lt3A_71 = arith.constant 128 : i32
      %lt3A_72 = arith.cmpi slt, %add3A_70, %lt3A_71 : i32
      %convert_element_type3A_73 = arith.extui %lt3A_72 : i1 to i32
      %cond3A_74 = arith.constant 0 : i32
      %cond3A_75 = arith.cmpi ne, %convert_element_type3A_73, %cond3A_74 : i32
      scf.if %cond3A_75 {
        %add3A_105 = arith.constant 3 : i32
        %add3A_106 = arith.addi %add3A_68, %add3A_105 : i32
        %dma_start3A_107 = arith.constant 0 : i32
        %dma_start3A_108 = tpu.memref_slice %arg5[%add3A_106, %dma_start3A_107] : memref<128x128xi32, #tpu.memory_space<vmem>> -> memref<1x128xi32, #tpu.memory_space<vmem>>
        %dma_start3A_109 = tpu.memref_squeeze %dma_start3A_108 : memref<1x128xi32, #tpu.memory_space<vmem>> -> memref<128xi32, #tpu.memory_space<vmem>>
        %dma_start3A_110 = arith.constant 0 : i32
        %dma_start3A_111 = arith.constant 0 : i32
        %dma_start3A_112 = tpu.memref_slice %arg2[%dma_start3A_110, %dma_start3A_111] : memref<65536x80xf32, #tpu.memory_space<hbm>> -> memref<65536x80xf32, #tpu.memory_space<hbm>>
        tpu.enqueue_indirect_dma source(%dma_start3A_112 : memref<65536x80xf32, #tpu.memory_space<hbm>>) target(%arg7 : memref<128x80xf32, #tpu.memory_space<vmem>>) offsets(%dma_start3A_109 : memref<128xi32, #tpu.memory_space<vmem>>) semaphore(%arg10 : memref<!tpu.dma_semaphore, #tpu.memory_space<semaphore_mem>>)
      } else {
      }
      %dma_wait3A_76 = arith.constant 0 : i32
      %dma_wait3A_77 = tpu.memref_slice %arg5[%add3A_68, %dma_wait3A_76] : memref<128x128xi32, #tpu.memory_space<vmem>> -> memref<1x128xi32, #tpu.memory_space<vmem>>
      %dma_wait3A_78 = tpu.memref_squeeze %dma_wait3A_77 : memref<1x128xi32, #tpu.memory_space<vmem>> -> memref<128xi32, #tpu.memory_space<vmem>>
      %dma_wait3A_79 = arith.constant 0 : i32
      %dma_wait3A_80 = arith.constant 0 : i32
      %dma_wait3A_81 = tpu.memref_slice %arg2[%dma_wait3A_79, %dma_wait3A_80] : memref<65536x80xf32, #tpu.memory_space<hbm>> -> memref<65536x80xf32, #tpu.memory_space<hbm>>
      tpu.wait_indirect_dma semaphore(%arg10 : memref<!tpu.dma_semaphore, #tpu.memory_space<semaphore_mem>>) src(%dma_wait3A_81 : memref<65536x80xf32, #tpu.memory_space<hbm>>) dst(%arg8 : memref<128x80xf32, #tpu.memory_space<vmem>>)
      %mul3A_82 = arith.constant 128 : i32
      %mul3A_83 = arith.muli %add3A_68, %mul3A_82 : i32
      %add3A_84 = arith.addi %mul3A_2, %mul3A_83 : i32
      "tpu.region"() ({
        %run_scoped3A = tpu.sem_alloc : memref<!tpu.dma_semaphore, #tpu.memory_space<semaphore_mem>>
        %dma_start3A_105 = arith.constant 0 : i32
        %dma_start3A_106 = tpu.memref_slice %arg4[%add3A_84, %dma_start3A_105] : memref<524288x80xf32, #tpu.memory_space<hbm>> -> memref<128x80xf32, #tpu.memory_space<hbm>>
        %dma_start3A_107 = arith.constant 0 : i32
        %dma_start3A_108 = tpu.memref_slice %arg4[%add3A_84, %dma_start3A_107] : memref<524288x80xf32, #tpu.memory_space<hbm>> -> memref<128x80xf32, #tpu.memory_space<hbm>>
        tpu.enqueue_dma source(%arg8 : memref<128x80xf32, #tpu.memory_space<vmem>>) target(%dma_start3A_108 : memref<128x80xf32, #tpu.memory_space<hbm>>) target_semaphore(%run_scoped3A : memref<!tpu.dma_semaphore, #tpu.memory_space<semaphore_mem>>)
        %dma_wait3A_109 = arith.constant 0 : i32
        %dma_wait3A_110 = tpu.memref_slice %arg4[%add3A_84, %dma_wait3A_109] : memref<524288x80xf32, #tpu.memory_space<hbm>> -> memref<128x80xf32, #tpu.memory_space<hbm>>
        %dma_wait3A_111 = arith.constant 0 : i32
        %dma_wait3A_112 = tpu.memref_slice %arg4[%add3A_84, %dma_wait3A_111] : memref<524288x80xf32, #tpu.memory_space<hbm>> -> memref<128x80xf32, #tpu.memory_space<hbm>>
        tpu.wait_dma2 semaphore(%run_scoped3A : memref<!tpu.dma_semaphore, #tpu.memory_space<semaphore_mem>>) src(%arg8 : memref<128x80xf32, #tpu.memory_space<vmem>>) dst(%dma_wait3A_112 : memref<128x80xf32, #tpu.memory_space<hbm>>)
        tpu.yield
      }) : () -> ()
      %mul3A_85 = arith.constant 4 : i32
      %mul3A_86 = arith.muli %scan3A_28, %mul3A_85 : i32
      %add3A_87 = arith.constant 3 : i32
      %add3A_88 = arith.addi %mul3A_86, %add3A_87 : i32
      %add3A_89 = arith.constant 3 : i32
      %add3A_90 = arith.addi %add3A_88, %add3A_89 : i32
      %lt3A_91 = arith.constant 128 : i32
      %lt3A_92 = arith.cmpi slt, %add3A_90, %lt3A_91 : i32
      %convert_element_type3A_93 = arith.extui %lt3A_92 : i1 to i32
      %cond3A_94 = arith.constant 0 : i32
      %cond3A_95 = arith.cmpi ne, %convert_element_type3A_93, %cond3A_94 : i32
      scf.if %cond3A_95 {
        %add3A_105 = arith.constant 3 : i32
        %add3A_106 = arith.addi %add3A_88, %add3A_105 : i32
        %dma_start3A_107 = arith.constant 0 : i32
        %dma_start3A_108 = tpu.memref_slice %arg5[%add3A_106, %dma_start3A_107] : memref<128x128xi32, #tpu.memory_space<vmem>> -> memref<1x128xi32, #tpu.memory_space<vmem>>
        %dma_start3A_109 = tpu.memref_squeeze %dma_start3A_108 : memref<1x128xi32, #tpu.memory_space<vmem>> -> memref<128xi32, #tpu.memory_space<vmem>>
        %dma_start3A_110 = arith.constant 0 : i32
        %dma_start3A_111 = arith.constant 0 : i32
        %dma_start3A_112 = tpu.memref_slice %arg2[%dma_start3A_110, %dma_start3A_111] : memref<65536x80xf32, #tpu.memory_space<hbm>> -> memref<65536x80xf32, #tpu.memory_space<hbm>>
        tpu.enqueue_indirect_dma source(%dma_start3A_112 : memref<65536x80xf32, #tpu.memory_space<hbm>>) target(%arg8 : memref<128x80xf32, #tpu.memory_space<vmem>>) offsets(%dma_start3A_109 : memref<128xi32, #tpu.memory_space<vmem>>) semaphore(%arg10 : memref<!tpu.dma_semaphore, #tpu.memory_space<semaphore_mem>>)
      } else {
      }
      %dma_wait3A_96 = arith.constant 0 : i32
      %dma_wait3A_97 = tpu.memref_slice %arg5[%add3A_88, %dma_wait3A_96] : memref<128x128xi32, #tpu.memory_space<vmem>> -> memref<1x128xi32, #tpu.memory_space<vmem>>
      %dma_wait3A_98 = tpu.memref_squeeze %dma_wait3A_97 : memref<1x128xi32, #tpu.memory_space<vmem>> -> memref<128xi32, #tpu.memory_space<vmem>>
      %dma_wait3A_99 = arith.constant 0 : i32
      %dma_wait3A_100 = arith.constant 0 : i32
      %dma_wait3A_101 = tpu.memref_slice %arg2[%dma_wait3A_99, %dma_wait3A_100] : memref<65536x80xf32, #tpu.memory_space<hbm>> -> memref<65536x80xf32, #tpu.memory_space<hbm>>
      tpu.wait_indirect_dma semaphore(%arg10 : memref<!tpu.dma_semaphore, #tpu.memory_space<semaphore_mem>>) src(%dma_wait3A_101 : memref<65536x80xf32, #tpu.memory_space<hbm>>) dst(%arg9 : memref<128x80xf32, #tpu.memory_space<vmem>>)
      %mul3A_102 = arith.constant 128 : i32
      %mul3A_103 = arith.muli %add3A_88, %mul3A_102 : i32
      %add3A_104 = arith.addi %mul3A_2, %mul3A_103 : i32
      "tpu.region"() ({
        %run_scoped3A = tpu.sem_alloc : memref<!tpu.dma_semaphore, #tpu.memory_space<semaphore_mem>>
        %dma_start3A_105 = arith.constant 0 : i32
        %dma_start3A_106 = tpu.memref_slice %arg4[%add3A_104, %dma_start3A_105] : memref<524288x80xf32, #tpu.memory_space<hbm>> -> memref<128x80xf32, #tpu.memory_space<hbm>>
        %dma_start3A_107 = arith.constant 0 : i32
        %dma_start3A_108 = tpu.memref_slice %arg4[%add3A_104, %dma_start3A_107] : memref<524288x80xf32, #tpu.memory_space<hbm>> -> memref<128x80xf32, #tpu.memory_space<hbm>>
        tpu.enqueue_dma source(%arg9 : memref<128x80xf32, #tpu.memory_space<vmem>>) target(%dma_start3A_108 : memref<128x80xf32, #tpu.memory_space<hbm>>) target_semaphore(%run_scoped3A : memref<!tpu.dma_semaphore, #tpu.memory_space<semaphore_mem>>)
        %dma_wait3A_109 = arith.constant 0 : i32
        %dma_wait3A_110 = tpu.memref_slice %arg4[%add3A_104, %dma_wait3A_109] : memref<524288x80xf32, #tpu.memory_space<hbm>> -> memref<128x80xf32, #tpu.memory_space<hbm>>
        %dma_wait3A_111 = arith.constant 0 : i32
        %dma_wait3A_112 = tpu.memref_slice %arg4[%add3A_104, %dma_wait3A_111] : memref<524288x80xf32, #tpu.memory_space<hbm>> -> memref<128x80xf32, #tpu.memory_space<hbm>>
        tpu.wait_dma2 semaphore(%run_scoped3A : memref<!tpu.dma_semaphore, #tpu.memory_space<semaphore_mem>>) src(%arg9 : memref<128x80xf32, #tpu.memory_space<vmem>>) dst(%dma_wait3A_112 : memref<128x80xf32, #tpu.memory_space<hbm>>)
        tpu.yield
      }) : () -> ()
    }
    %scan3A_27 = arith.constant 32 : i32
    return
  }
}

module attributes {stable_mosaic.version = 14 : i64} {
  func.func @_stage_body(%arg0: i32, %arg1: memref<1024x3xf32, #tpu.memory_space<vmem>>, %arg2: memref<1024x128xf32, #tpu.memory_space<vmem>>, %arg3: memref<3x8xf32, #tpu.memory_space<vmem>>, %arg4: memref<11x32xf32, #tpu.memory_space<vmem>>, %arg5: memref<1x8xf32, #tpu.memory_space<vmem>>, %arg6: memref<1x32xf32, #tpu.memory_space<vmem>>, %arg7: memref<1024x48xf32, #tpu.memory_space<vmem>>) attributes {dimension_semantics = [#tpu.dimension_semantics<arbitrary>], iteration_bounds = array<i64: 64>, scalar_prefetch = 0 : i64, scratch_operands = 0 : i64, tpu.core_type = #tpu.core_type<tc>, window_params = [{transform_indices = @transform_0, window_bounds = array<i64: 1024, 3>}, {transform_indices = @transform_1, window_bounds = array<i64: 1024, 128>}, {pipeline_mode = #tpu.pipeline_mode<synchronous>, transform_indices = @transform_2, window_bounds = array<i64: 3, 8>}, {pipeline_mode = #tpu.pipeline_mode<synchronous>, transform_indices = @transform_3, window_bounds = array<i64: 11, 32>}, {pipeline_mode = #tpu.pipeline_mode<synchronous>, transform_indices = @transform_4, window_bounds = array<i64: 1, 8>}, {pipeline_mode = #tpu.pipeline_mode<synchronous>, transform_indices = @transform_5, window_bounds = array<i64: 1, 32>}, {transform_indices = @transform_6, window_bounds = array<i64: 1024, 48>}]} {
    %get3A = arith.constant 0 : index
    %get3A_0 = arith.constant 0 : index
    %get3A_1 = vector.load %arg1[%get3A, %get3A_0] : memref<1024x3xf32, #tpu.memory_space<vmem>>, vector<1024x3xf32>
    %get3A_2 = arith.constant 0 : index
    %get3A_3 = arith.constant 0 : index
    %get3A_4 = vector.load %arg3[%get3A_2, %get3A_3] : memref<3x8xf32, #tpu.memory_space<vmem>>, vector<3x8xf32>
    %get3A_5 = arith.constant 0 : index
    %get3A_6 = arith.constant 0 : index
    %get3A_7 = vector.load %arg2[%get3A_5, %get3A_6] : memref<1024x128xf32, #tpu.memory_space<vmem>>, vector<1024x128xf32>
    %slice3A = vector.extract_strided_slice %get3A_7 {offsets = [0, 0], sizes = [1024, 16], strides = [1, 1]} : vector<1024x128xf32> to vector<1024x16xf32>
    %slice3A_8 = vector.extract_strided_slice %slice3A {offsets = [0, 0], sizes = [1024, 3], strides = [1, 1]} : vector<1024x16xf32> to vector<1024x3xf32>
    %sub3A = arith.subf %slice3A_8, %get3A_1 : vector<1024x3xf32>
    %dot_general3A = arith.constant dense<0.000000e+00> : vector<1024x8xf32>
    %dot_general3A_9 = tpu.matmul %sub3A, %get3A_4, %dot_general3A {dimension_numbers = #tpu.dot_dimension_numbers<[1], [0], [0], [1], [0, 0, 1, 1], [], []>, transpose_lhs_hint = false} : vector<1024x3xf32>, vector<3x8xf32>, vector<1024x8xf32> -> vector<1024x8xf32>
    %get3A_10 = arith.constant 0 : index
    %get3A_11 = arith.constant 0 : index
    %get3A_12 = vector.load %arg5[%get3A_10, %get3A_11] : memref<1x8xf32, #tpu.memory_space<vmem>>, vector<1x8xf32>
    %add3A = vector.broadcast %get3A_12 : vector<1x8xf32> to vector<1024x8xf32>
    %add3A_13 = arith.addf %dot_general3A_9, %add3A : vector<1024x8xf32>
    %max3A = arith.constant 0.000000e+00 : f32
    %max3A_14 = vector.broadcast %max3A : f32 to vector<1024x8xf32>
    %max3A_15 = arith.maximumf %add3A_13, %max3A_14 : vector<1024x8xf32>
    %slice3A_16 = vector.extract_strided_slice %slice3A {offsets = [0, 0], sizes = [1024, 3], strides = [1, 1]} : vector<1024x16xf32> to vector<1024x3xf32>
    %concatenate3A = tpu.concatenate %max3A_15, %slice3A_16 in 1 : vector<1024x8xf32>, vector<1024x3xf32> -> vector<1024x11xf32>
    %get3A_17 = arith.constant 0 : index
    %get3A_18 = arith.constant 0 : index
    %get3A_19 = vector.load %arg4[%get3A_17, %get3A_18] : memref<11x32xf32, #tpu.memory_space<vmem>>, vector<11x32xf32>
    %dot_general3A_20 = arith.constant dense<0.000000e+00> : vector<1024x32xf32>
    %dot_general3A_21 = tpu.matmul %concatenate3A, %get3A_19, %dot_general3A_20 {dimension_numbers = #tpu.dot_dimension_numbers<[1], [0], [0], [1], [0, 0, 1, 1], [], []>, transpose_lhs_hint = false} : vector<1024x11xf32>, vector<11x32xf32>, vector<1024x32xf32> -> vector<1024x32xf32>
    %get3A_22 = arith.constant 0 : index
    %get3A_23 = arith.constant 0 : index
    %get3A_24 = vector.load %arg6[%get3A_22, %get3A_23] : memref<1x32xf32, #tpu.memory_space<vmem>>, vector<1x32xf32>
    %add3A_25 = vector.broadcast %get3A_24 : vector<1x32xf32> to vector<1024x32xf32>
    %add3A_26 = arith.addf %dot_general3A_21, %add3A_25 : vector<1024x32xf32>
    %max3A_27 = arith.constant 0.000000e+00 : f32
    %max3A_28 = vector.broadcast %max3A_27 : f32 to vector<1024x32xf32>
    %max3A_29 = arith.maximumf %add3A_26, %max3A_28 : vector<1024x32xf32>
    %slice3A_30 = vector.extract_strided_slice %get3A_7 {offsets = [0, 16], sizes = [1024, 16], strides = [1, 1]} : vector<1024x128xf32> to vector<1024x16xf32>
    %slice3A_31 = vector.extract_strided_slice %slice3A_30 {offsets = [0, 0], sizes = [1024, 3], strides = [1, 1]} : vector<1024x16xf32> to vector<1024x3xf32>
    %sub3A_32 = arith.subf %slice3A_31, %get3A_1 : vector<1024x3xf32>
    %dot_general3A_33 = arith.constant dense<0.000000e+00> : vector<1024x8xf32>
    %dot_general3A_34 = tpu.matmul %sub3A_32, %get3A_4, %dot_general3A_33 {dimension_numbers = #tpu.dot_dimension_numbers<[1], [0], [0], [1], [0, 0, 1, 1], [], []>, transpose_lhs_hint = false} : vector<1024x3xf32>, vector<3x8xf32>, vector<1024x8xf32> -> vector<1024x8xf32>
    %get3A_35 = arith.constant 0 : index
    %get3A_36 = arith.constant 0 : index
    %get3A_37 = vector.load %arg5[%get3A_35, %get3A_36] : memref<1x8xf32, #tpu.memory_space<vmem>>, vector<1x8xf32>
    %add3A_38 = vector.broadcast %get3A_37 : vector<1x8xf32> to vector<1024x8xf32>
    %add3A_39 = arith.addf %dot_general3A_34, %add3A_38 : vector<1024x8xf32>
    %max3A_40 = arith.constant 0.000000e+00 : f32
    %max3A_41 = vector.broadcast %max3A_40 : f32 to vector<1024x8xf32>
    %max3A_42 = arith.maximumf %add3A_39, %max3A_41 : vector<1024x8xf32>
    %slice3A_43 = vector.extract_strided_slice %slice3A_30 {offsets = [0, 0], sizes = [1024, 3], strides = [1, 1]} : vector<1024x16xf32> to vector<1024x3xf32>
    %concatenate3A_44 = tpu.concatenate %max3A_42, %slice3A_43 in 1 : vector<1024x8xf32>, vector<1024x3xf32> -> vector<1024x11xf32>
    %get3A_45 = arith.constant 0 : index
    %get3A_46 = arith.constant 0 : index
    %get3A_47 = vector.load %arg4[%get3A_45, %get3A_46] : memref<11x32xf32, #tpu.memory_space<vmem>>, vector<11x32xf32>
    %dot_general3A_48 = arith.constant dense<0.000000e+00> : vector<1024x32xf32>
    %dot_general3A_49 = tpu.matmul %concatenate3A_44, %get3A_47, %dot_general3A_48 {dimension_numbers = #tpu.dot_dimension_numbers<[1], [0], [0], [1], [0, 0, 1, 1], [], []>, transpose_lhs_hint = false} : vector<1024x11xf32>, vector<11x32xf32>, vector<1024x32xf32> -> vector<1024x32xf32>
    %get3A_50 = arith.constant 0 : index
    %get3A_51 = arith.constant 0 : index
    %get3A_52 = vector.load %arg6[%get3A_50, %get3A_51] : memref<1x32xf32, #tpu.memory_space<vmem>>, vector<1x32xf32>
    %add3A_53 = vector.broadcast %get3A_52 : vector<1x32xf32> to vector<1024x32xf32>
    %add3A_54 = arith.addf %dot_general3A_49, %add3A_53 : vector<1024x32xf32>
    %max3A_55 = arith.constant 0.000000e+00 : f32
    %max3A_56 = vector.broadcast %max3A_55 : f32 to vector<1024x32xf32>
    %max3A_57 = arith.maximumf %add3A_54, %max3A_56 : vector<1024x32xf32>
    %max3A_58 = arith.maximumf %max3A_29, %max3A_57 : vector<1024x32xf32>
    %slice3A_59 = vector.extract_strided_slice %get3A_7 {offsets = [0, 32], sizes = [1024, 16], strides = [1, 1]} : vector<1024x128xf32> to vector<1024x16xf32>
    %slice3A_60 = vector.extract_strided_slice %slice3A_59 {offsets = [0, 0], sizes = [1024, 3], strides = [1, 1]} : vector<1024x16xf32> to vector<1024x3xf32>
    %sub3A_61 = arith.subf %slice3A_60, %get3A_1 : vector<1024x3xf32>
    %dot_general3A_62 = arith.constant dense<0.000000e+00> : vector<1024x8xf32>
    %dot_general3A_63 = tpu.matmul %sub3A_61, %get3A_4, %dot_general3A_62 {dimension_numbers = #tpu.dot_dimension_numbers<[1], [0], [0], [1], [0, 0, 1, 1], [], []>, transpose_lhs_hint = false} : vector<1024x3xf32>, vector<3x8xf32>, vector<1024x8xf32> -> vector<1024x8xf32>
    %get3A_64 = arith.constant 0 : index
    %get3A_65 = arith.constant 0 : index
    %get3A_66 = vector.load %arg5[%get3A_64, %get3A_65] : memref<1x8xf32, #tpu.memory_space<vmem>>, vector<1x8xf32>
    %add3A_67 = vector.broadcast %get3A_66 : vector<1x8xf32> to vector<1024x8xf32>
    %add3A_68 = arith.addf %dot_general3A_63, %add3A_67 : vector<1024x8xf32>
    %max3A_69 = arith.constant 0.000000e+00 : f32
    %max3A_70 = vector.broadcast %max3A_69 : f32 to vector<1024x8xf32>
    %max3A_71 = arith.maximumf %add3A_68, %max3A_70 : vector<1024x8xf32>
    %slice3A_72 = vector.extract_strided_slice %slice3A_59 {offsets = [0, 0], sizes = [1024, 3], strides = [1, 1]} : vector<1024x16xf32> to vector<1024x3xf32>
    %concatenate3A_73 = tpu.concatenate %max3A_71, %slice3A_72 in 1 : vector<1024x8xf32>, vector<1024x3xf32> -> vector<1024x11xf32>
    %get3A_74 = arith.constant 0 : index
    %get3A_75 = arith.constant 0 : index
    %get3A_76 = vector.load %arg4[%get3A_74, %get3A_75] : memref<11x32xf32, #tpu.memory_space<vmem>>, vector<11x32xf32>
    %dot_general3A_77 = arith.constant dense<0.000000e+00> : vector<1024x32xf32>
    %dot_general3A_78 = tpu.matmul %concatenate3A_73, %get3A_76, %dot_general3A_77 {dimension_numbers = #tpu.dot_dimension_numbers<[1], [0], [0], [1], [0, 0, 1, 1], [], []>, transpose_lhs_hint = false} : vector<1024x11xf32>, vector<11x32xf32>, vector<1024x32xf32> -> vector<1024x32xf32>
    %get3A_79 = arith.constant 0 : index
    %get3A_80 = arith.constant 0 : index
    %get3A_81 = vector.load %arg6[%get3A_79, %get3A_80] : memref<1x32xf32, #tpu.memory_space<vmem>>, vector<1x32xf32>
    %add3A_82 = vector.broadcast %get3A_81 : vector<1x32xf32> to vector<1024x32xf32>
    %add3A_83 = arith.addf %dot_general3A_78, %add3A_82 : vector<1024x32xf32>
    %max3A_84 = arith.constant 0.000000e+00 : f32
    %max3A_85 = vector.broadcast %max3A_84 : f32 to vector<1024x32xf32>
    %max3A_86 = arith.maximumf %add3A_83, %max3A_85 : vector<1024x32xf32>
    %max3A_87 = arith.maximumf %max3A_58, %max3A_86 : vector<1024x32xf32>
    %slice3A_88 = vector.extract_strided_slice %get3A_7 {offsets = [0, 48], sizes = [1024, 16], strides = [1, 1]} : vector<1024x128xf32> to vector<1024x16xf32>
    %slice3A_89 = vector.extract_strided_slice %slice3A_88 {offsets = [0, 0], sizes = [1024, 3], strides = [1, 1]} : vector<1024x16xf32> to vector<1024x3xf32>
    %sub3A_90 = arith.subf %slice3A_89, %get3A_1 : vector<1024x3xf32>
    %dot_general3A_91 = arith.constant dense<0.000000e+00> : vector<1024x8xf32>
    %dot_general3A_92 = tpu.matmul %sub3A_90, %get3A_4, %dot_general3A_91 {dimension_numbers = #tpu.dot_dimension_numbers<[1], [0], [0], [1], [0, 0, 1, 1], [], []>, transpose_lhs_hint = false} : vector<1024x3xf32>, vector<3x8xf32>, vector<1024x8xf32> -> vector<1024x8xf32>
    %get3A_93 = arith.constant 0 : index
    %get3A_94 = arith.constant 0 : index
    %get3A_95 = vector.load %arg5[%get3A_93, %get3A_94] : memref<1x8xf32, #tpu.memory_space<vmem>>, vector<1x8xf32>
    %add3A_96 = vector.broadcast %get3A_95 : vector<1x8xf32> to vector<1024x8xf32>
    %add3A_97 = arith.addf %dot_general3A_92, %add3A_96 : vector<1024x8xf32>
    %max3A_98 = arith.constant 0.000000e+00 : f32
    %max3A_99 = vector.broadcast %max3A_98 : f32 to vector<1024x8xf32>
    %max3A_100 = arith.maximumf %add3A_97, %max3A_99 : vector<1024x8xf32>
    %slice3A_101 = vector.extract_strided_slice %slice3A_88 {offsets = [0, 0], sizes = [1024, 3], strides = [1, 1]} : vector<1024x16xf32> to vector<1024x3xf32>
    %concatenate3A_102 = tpu.concatenate %max3A_100, %slice3A_101 in 1 : vector<1024x8xf32>, vector<1024x3xf32> -> vector<1024x11xf32>
    %get3A_103 = arith.constant 0 : index
    %get3A_104 = arith.constant 0 : index
    %get3A_105 = vector.load %arg4[%get3A_103, %get3A_104] : memref<11x32xf32, #tpu.memory_space<vmem>>, vector<11x32xf32>
    %dot_general3A_106 = arith.constant dense<0.000000e+00> : vector<1024x32xf32>
    %dot_general3A_107 = tpu.matmul %concatenate3A_102, %get3A_105, %dot_general3A_106 {dimension_numbers = #tpu.dot_dimension_numbers<[1], [0], [0], [1], [0, 0, 1, 1], [], []>, transpose_lhs_hint = false} : vector<1024x11xf32>, vector<11x32xf32>, vector<1024x32xf32> -> vector<1024x32xf32>
    %get3A_108 = arith.constant 0 : index
    %get3A_109 = arith.constant 0 : index
    %get3A_110 = vector.load %arg6[%get3A_108, %get3A_109] : memref<1x32xf32, #tpu.memory_space<vmem>>, vector<1x32xf32>
    %add3A_111 = vector.broadcast %get3A_110 : vector<1x32xf32> to vector<1024x32xf32>
    %add3A_112 = arith.addf %dot_general3A_107, %add3A_111 : vector<1024x32xf32>
    %max3A_113 = arith.constant 0.000000e+00 : f32
    %max3A_114 = vector.broadcast %max3A_113 : f32 to vector<1024x32xf32>
    %max3A_115 = arith.maximumf %add3A_112, %max3A_114 : vector<1024x32xf32>
    %max3A_116 = arith.maximumf %max3A_87, %max3A_115 : vector<1024x32xf32>
    %slice3A_117 = vector.extract_strided_slice %get3A_7 {offsets = [0, 64], sizes = [1024, 16], strides = [1, 1]} : vector<1024x128xf32> to vector<1024x16xf32>
    %slice3A_118 = vector.extract_strided_slice %slice3A_117 {offsets = [0, 0], sizes = [1024, 3], strides = [1, 1]} : vector<1024x16xf32> to vector<1024x3xf32>
    %sub3A_119 = arith.subf %slice3A_118, %get3A_1 : vector<1024x3xf32>
    %dot_general3A_120 = arith.constant dense<0.000000e+00> : vector<1024x8xf32>
    %dot_general3A_121 = tpu.matmul %sub3A_119, %get3A_4, %dot_general3A_120 {dimension_numbers = #tpu.dot_dimension_numbers<[1], [0], [0], [1], [0, 0, 1, 1], [], []>, transpose_lhs_hint = false} : vector<1024x3xf32>, vector<3x8xf32>, vector<1024x8xf32> -> vector<1024x8xf32>
    %get3A_122 = arith.constant 0 : index
    %get3A_123 = arith.constant 0 : index
    %get3A_124 = vector.load %arg5[%get3A_122, %get3A_123] : memref<1x8xf32, #tpu.memory_space<vmem>>, vector<1x8xf32>
    %add3A_125 = vector.broadcast %get3A_124 : vector<1x8xf32> to vector<1024x8xf32>
    %add3A_126 = arith.addf %dot_general3A_121, %add3A_125 : vector<1024x8xf32>
    %max3A_127 = arith.constant 0.000000e+00 : f32
    %max3A_128 = vector.broadcast %max3A_127 : f32 to vector<1024x8xf32>
    %max3A_129 = arith.maximumf %add3A_126, %max3A_128 : vector<1024x8xf32>
    %slice3A_130 = vector.extract_strided_slice %slice3A_117 {offsets = [0, 0], sizes = [1024, 3], strides = [1, 1]} : vector<1024x16xf32> to vector<1024x3xf32>
    %concatenate3A_131 = tpu.concatenate %max3A_129, %slice3A_130 in 1 : vector<1024x8xf32>, vector<1024x3xf32> -> vector<1024x11xf32>
    %get3A_132 = arith.constant 0 : index
    %get3A_133 = arith.constant 0 : index
    %get3A_134 = vector.load %arg4[%get3A_132, %get3A_133] : memref<11x32xf32, #tpu.memory_space<vmem>>, vector<11x32xf32>
    %dot_general3A_135 = arith.constant dense<0.000000e+00> : vector<1024x32xf32>
    %dot_general3A_136 = tpu.matmul %concatenate3A_131, %get3A_134, %dot_general3A_135 {dimension_numbers = #tpu.dot_dimension_numbers<[1], [0], [0], [1], [0, 0, 1, 1], [], []>, transpose_lhs_hint = false} : vector<1024x11xf32>, vector<11x32xf32>, vector<1024x32xf32> -> vector<1024x32xf32>
    %get3A_137 = arith.constant 0 : index
    %get3A_138 = arith.constant 0 : index
    %get3A_139 = vector.load %arg6[%get3A_137, %get3A_138] : memref<1x32xf32, #tpu.memory_space<vmem>>, vector<1x32xf32>
    %add3A_140 = vector.broadcast %get3A_139 : vector<1x32xf32> to vector<1024x32xf32>
    %add3A_141 = arith.addf %dot_general3A_136, %add3A_140 : vector<1024x32xf32>
    %max3A_142 = arith.constant 0.000000e+00 : f32
    %max3A_143 = vector.broadcast %max3A_142 : f32 to vector<1024x32xf32>
    %max3A_144 = arith.maximumf %add3A_141, %max3A_143 : vector<1024x32xf32>
    %max3A_145 = arith.maximumf %max3A_116, %max3A_144 : vector<1024x32xf32>
    %slice3A_146 = vector.extract_strided_slice %get3A_7 {offsets = [0, 80], sizes = [1024, 16], strides = [1, 1]} : vector<1024x128xf32> to vector<1024x16xf32>
    %slice3A_147 = vector.extract_strided_slice %slice3A_146 {offsets = [0, 0], sizes = [1024, 3], strides = [1, 1]} : vector<1024x16xf32> to vector<1024x3xf32>
    %sub3A_148 = arith.subf %slice3A_147, %get3A_1 : vector<1024x3xf32>
    %dot_general3A_149 = arith.constant dense<0.000000e+00> : vector<1024x8xf32>
    %dot_general3A_150 = tpu.matmul %sub3A_148, %get3A_4, %dot_general3A_149 {dimension_numbers = #tpu.dot_dimension_numbers<[1], [0], [0], [1], [0, 0, 1, 1], [], []>, transpose_lhs_hint = false} : vector<1024x3xf32>, vector<3x8xf32>, vector<1024x8xf32> -> vector<1024x8xf32>
    %get3A_151 = arith.constant 0 : index
    %get3A_152 = arith.constant 0 : index
    %get3A_153 = vector.load %arg5[%get3A_151, %get3A_152] : memref<1x8xf32, #tpu.memory_space<vmem>>, vector<1x8xf32>
    %add3A_154 = vector.broadcast %get3A_153 : vector<1x8xf32> to vector<1024x8xf32>
    %add3A_155 = arith.addf %dot_general3A_150, %add3A_154 : vector<1024x8xf32>
    %max3A_156 = arith.constant 0.000000e+00 : f32
    %max3A_157 = vector.broadcast %max3A_156 : f32 to vector<1024x8xf32>
    %max3A_158 = arith.maximumf %add3A_155, %max3A_157 : vector<1024x8xf32>
    %slice3A_159 = vector.extract_strided_slice %slice3A_146 {offsets = [0, 0], sizes = [1024, 3], strides = [1, 1]} : vector<1024x16xf32> to vector<1024x3xf32>
    %concatenate3A_160 = tpu.concatenate %max3A_158, %slice3A_159 in 1 : vector<1024x8xf32>, vector<1024x3xf32> -> vector<1024x11xf32>
    %get3A_161 = arith.constant 0 : index
    %get3A_162 = arith.constant 0 : index
    %get3A_163 = vector.load %arg4[%get3A_161, %get3A_162] : memref<11x32xf32, #tpu.memory_space<vmem>>, vector<11x32xf32>
    %dot_general3A_164 = arith.constant dense<0.000000e+00> : vector<1024x32xf32>
    %dot_general3A_165 = tpu.matmul %concatenate3A_160, %get3A_163, %dot_general3A_164 {dimension_numbers = #tpu.dot_dimension_numbers<[1], [0], [0], [1], [0, 0, 1, 1], [], []>, transpose_lhs_hint = false} : vector<1024x11xf32>, vector<11x32xf32>, vector<1024x32xf32> -> vector<1024x32xf32>
    %get3A_166 = arith.constant 0 : index
    %get3A_167 = arith.constant 0 : index
    %get3A_168 = vector.load %arg6[%get3A_166, %get3A_167] : memref<1x32xf32, #tpu.memory_space<vmem>>, vector<1x32xf32>
    %add3A_169 = vector.broadcast %get3A_168 : vector<1x32xf32> to vector<1024x32xf32>
    %add3A_170 = arith.addf %dot_general3A_165, %add3A_169 : vector<1024x32xf32>
    %max3A_171 = arith.constant 0.000000e+00 : f32
    %max3A_172 = vector.broadcast %max3A_171 : f32 to vector<1024x32xf32>
    %max3A_173 = arith.maximumf %add3A_170, %max3A_172 : vector<1024x32xf32>
    %max3A_174 = arith.maximumf %max3A_145, %max3A_173 : vector<1024x32xf32>
    %slice3A_175 = vector.extract_strided_slice %get3A_7 {offsets = [0, 96], sizes = [1024, 16], strides = [1, 1]} : vector<1024x128xf32> to vector<1024x16xf32>
    %slice3A_176 = vector.extract_strided_slice %slice3A_175 {offsets = [0, 0], sizes = [1024, 3], strides = [1, 1]} : vector<1024x16xf32> to vector<1024x3xf32>
    %sub3A_177 = arith.subf %slice3A_176, %get3A_1 : vector<1024x3xf32>
    %dot_general3A_178 = arith.constant dense<0.000000e+00> : vector<1024x8xf32>
    %dot_general3A_179 = tpu.matmul %sub3A_177, %get3A_4, %dot_general3A_178 {dimension_numbers = #tpu.dot_dimension_numbers<[1], [0], [0], [1], [0, 0, 1, 1], [], []>, transpose_lhs_hint = false} : vector<1024x3xf32>, vector<3x8xf32>, vector<1024x8xf32> -> vector<1024x8xf32>
    %get3A_180 = arith.constant 0 : index
    %get3A_181 = arith.constant 0 : index
    %get3A_182 = vector.load %arg5[%get3A_180, %get3A_181] : memref<1x8xf32, #tpu.memory_space<vmem>>, vector<1x8xf32>
    %add3A_183 = vector.broadcast %get3A_182 : vector<1x8xf32> to vector<1024x8xf32>
    %add3A_184 = arith.addf %dot_general3A_179, %add3A_183 : vector<1024x8xf32>
    %max3A_185 = arith.constant 0.000000e+00 : f32
    %max3A_186 = vector.broadcast %max3A_185 : f32 to vector<1024x8xf32>
    %max3A_187 = arith.maximumf %add3A_184, %max3A_186 : vector<1024x8xf32>
    %slice3A_188 = vector.extract_strided_slice %slice3A_175 {offsets = [0, 0], sizes = [1024, 3], strides = [1, 1]} : vector<1024x16xf32> to vector<1024x3xf32>
    %concatenate3A_189 = tpu.concatenate %max3A_187, %slice3A_188 in 1 : vector<1024x8xf32>, vector<1024x3xf32> -> vector<1024x11xf32>
    %get3A_190 = arith.constant 0 : index
    %get3A_191 = arith.constant 0 : index
    %get3A_192 = vector.load %arg4[%get3A_190, %get3A_191] : memref<11x32xf32, #tpu.memory_space<vmem>>, vector<11x32xf32>
    %dot_general3A_193 = arith.constant dense<0.000000e+00> : vector<1024x32xf32>
    %dot_general3A_194 = tpu.matmul %concatenate3A_189, %get3A_192, %dot_general3A_193 {dimension_numbers = #tpu.dot_dimension_numbers<[1], [0], [0], [1], [0, 0, 1, 1], [], []>, transpose_lhs_hint = false} : vector<1024x11xf32>, vector<11x32xf32>, vector<1024x32xf32> -> vector<1024x32xf32>
    %get3A_195 = arith.constant 0 : index
    %get3A_196 = arith.constant 0 : index
    %get3A_197 = vector.load %arg6[%get3A_195, %get3A_196] : memref<1x32xf32, #tpu.memory_space<vmem>>, vector<1x32xf32>
    %add3A_198 = vector.broadcast %get3A_197 : vector<1x32xf32> to vector<1024x32xf32>
    %add3A_199 = arith.addf %dot_general3A_194, %add3A_198 : vector<1024x32xf32>
    %max3A_200 = arith.constant 0.000000e+00 : f32
    %max3A_201 = vector.broadcast %max3A_200 : f32 to vector<1024x32xf32>
    %max3A_202 = arith.maximumf %add3A_199, %max3A_201 : vector<1024x32xf32>
    %max3A_203 = arith.maximumf %max3A_174, %max3A_202 : vector<1024x32xf32>
    %slice3A_204 = vector.extract_strided_slice %get3A_7 {offsets = [0, 112], sizes = [1024, 16], strides = [1, 1]} : vector<1024x128xf32> to vector<1024x16xf32>
    %slice3A_205 = vector.extract_strided_slice %slice3A_204 {offsets = [0, 0], sizes = [1024, 3], strides = [1, 1]} : vector<1024x16xf32> to vector<1024x3xf32>
    %sub3A_206 = arith.subf %slice3A_205, %get3A_1 : vector<1024x3xf32>
    %dot_general3A_207 = arith.constant dense<0.000000e+00> : vector<1024x8xf32>
    %dot_general3A_208 = tpu.matmul %sub3A_206, %get3A_4, %dot_general3A_207 {dimension_numbers = #tpu.dot_dimension_numbers<[1], [0], [0], [1], [0, 0, 1, 1], [], []>, transpose_lhs_hint = false} : vector<1024x3xf32>, vector<3x8xf32>, vector<1024x8xf32> -> vector<1024x8xf32>
    %get3A_209 = arith.constant 0 : index
    %get3A_210 = arith.constant 0 : index
    %get3A_211 = vector.load %arg5[%get3A_209, %get3A_210] : memref<1x8xf32, #tpu.memory_space<vmem>>, vector<1x8xf32>
    %add3A_212 = vector.broadcast %get3A_211 : vector<1x8xf32> to vector<1024x8xf32>
    %add3A_213 = arith.addf %dot_general3A_208, %add3A_212 : vector<1024x8xf32>
    %max3A_214 = arith.constant 0.000000e+00 : f32
    %max3A_215 = vector.broadcast %max3A_214 : f32 to vector<1024x8xf32>
    %max3A_216 = arith.maximumf %add3A_213, %max3A_215 : vector<1024x8xf32>
    %slice3A_217 = vector.extract_strided_slice %slice3A_204 {offsets = [0, 0], sizes = [1024, 3], strides = [1, 1]} : vector<1024x16xf32> to vector<1024x3xf32>
    %concatenate3A_218 = tpu.concatenate %max3A_216, %slice3A_217 in 1 : vector<1024x8xf32>, vector<1024x3xf32> -> vector<1024x11xf32>
    %get3A_219 = arith.constant 0 : index
    %get3A_220 = arith.constant 0 : index
    %get3A_221 = vector.load %arg4[%get3A_219, %get3A_220] : memref<11x32xf32, #tpu.memory_space<vmem>>, vector<11x32xf32>
    %dot_general3A_222 = arith.constant dense<0.000000e+00> : vector<1024x32xf32>
    %dot_general3A_223 = tpu.matmul %concatenate3A_218, %get3A_221, %dot_general3A_222 {dimension_numbers = #tpu.dot_dimension_numbers<[1], [0], [0], [1], [0, 0, 1, 1], [], []>, transpose_lhs_hint = false} : vector<1024x11xf32>, vector<11x32xf32>, vector<1024x32xf32> -> vector<1024x32xf32>
    %get3A_224 = arith.constant 0 : index
    %get3A_225 = arith.constant 0 : index
    %get3A_226 = vector.load %arg6[%get3A_224, %get3A_225] : memref<1x32xf32, #tpu.memory_space<vmem>>, vector<1x32xf32>
    %add3A_227 = vector.broadcast %get3A_226 : vector<1x32xf32> to vector<1024x32xf32>
    %add3A_228 = arith.addf %dot_general3A_223, %add3A_227 : vector<1024x32xf32>
    %max3A_229 = arith.constant 0.000000e+00 : f32
    %max3A_230 = vector.broadcast %max3A_229 : f32 to vector<1024x32xf32>
    %max3A_231 = arith.maximumf %add3A_228, %max3A_230 : vector<1024x32xf32>
    %max3A_232 = arith.maximumf %max3A_203, %max3A_231 : vector<1024x32xf32>
    %broadcast_in_dim3A = arith.constant 0.000000e+00 : f32
    %broadcast_in_dim3A_233 = vector.broadcast %broadcast_in_dim3A : f32 to vector<1024x13xf32>
    %concatenate3A_234 = tpu.concatenate %max3A_232, %get3A_1, %broadcast_in_dim3A_233 in 1 : vector<1024x32xf32>, vector<1024x3xf32>, vector<1024x13xf32> -> vector<1024x48xf32>
    %swap3A = arith.constant 0 : index
    %swap3A_235 = arith.constant 0 : index
    %swap3A_236 = vector.load %arg7[%swap3A, %swap3A_235] : memref<1024x48xf32, #tpu.memory_space<vmem>>, vector<1024x48xf32>
    tpu.vector_store %arg7[%swap3A, %swap3A_235], %concatenate3A_234 {strides = array<i32>} : memref<1024x48xf32, #tpu.memory_space<vmem>>, vector<1024x48xf32>,
    return
  }
  func.func @transform_0(%arg0: i32) -> (i32, i32) {
    %c0_i32 = arith.constant 0 : i32
    %c0_i32_0 = arith.constant 0 : i32
    return %arg0, %c0_i32 : i32, i32
  }
  func.func @transform_1(%arg0: i32) -> (i32, i32) {
    %c0_i32 = arith.constant 0 : i32
    %c0_i32_0 = arith.constant 0 : i32
    return %arg0, %c0_i32 : i32, i32
  }
  func.func @transform_2(%arg0: i32) -> (i32, i32) {
    %c0_i32 = arith.constant 0 : i32
    %c0_i32_0 = arith.constant 0 : i32
    %c0_i32_1 = arith.constant 0 : i32
    return %c0_i32, %c0_i32_0 : i32, i32
  }
  func.func @transform_3(%arg0: i32) -> (i32, i32) {
    %c0_i32 = arith.constant 0 : i32
    %c0_i32_0 = arith.constant 0 : i32
    %c0_i32_1 = arith.constant 0 : i32
    return %c0_i32, %c0_i32_0 : i32, i32
  }
  func.func @transform_4(%arg0: i32) -> (i32, i32) {
    %c0_i32 = arith.constant 0 : i32
    %c0_i32_0 = arith.constant 0 : i32
    %c0_i32_1 = arith.constant 0 : i32
    return %c0_i32, %c0_i32_0 : i32, i32
  }
  func.func @transform_5(%arg0: i32) -> (i32, i32) {
    %c0_i32 = arith.constant 0 : i32
    %c0_i32_0 = arith.constant 0 : i32
    %c0_i32_1 = arith.constant 0 : i32
    return %c0_i32, %c0_i32_0 : i32, i32
  }
  func.func @transform_6(%arg0: i32) -> (i32, i32) {
    %c0_i32 = arith.constant 0 : i32
    %c0_i32_0 = arith.constant 0 : i32
    return %arg0, %c0_i32 : i32, i32
  }
}

module attributes {stable_mosaic.version = 14 : i64} {
  func.func @_stage_body(%arg0: i32, %arg1: memref<1024x3xf32, #tpu.memory_space<vmem>>, %arg2: memref<3072x128xf32, #tpu.memory_space<vmem>>, %arg3: memref<3x16xf32, #tpu.memory_space<vmem>>, %arg4: memref<48x64xf32, #tpu.memory_space<vmem>>, %arg5: memref<1x16xf32, #tpu.memory_space<vmem>>, %arg6: memref<1x64xf32, #tpu.memory_space<vmem>>, %arg7: memref<1024x80xf32, #tpu.memory_space<vmem>>) attributes {dimension_semantics = [#tpu.dimension_semantics<arbitrary>], iteration_bounds = array<i64: 64>, scalar_prefetch = 0 : i64, scratch_operands = 0 : i64, tpu.core_type = #tpu.core_type<tc>, window_params = [{transform_indices = @transform_0, window_bounds = array<i64: 1024, 3>}, {transform_indices = @transform_1, window_bounds = array<i64: 3072, 128>}, {pipeline_mode = #tpu.pipeline_mode<synchronous>, transform_indices = @transform_2, window_bounds = array<i64: 3, 16>}, {pipeline_mode = #tpu.pipeline_mode<synchronous>, transform_indices = @transform_3, window_bounds = array<i64: 48, 64>}, {pipeline_mode = #tpu.pipeline_mode<synchronous>, transform_indices = @transform_4, window_bounds = array<i64: 1, 16>}, {pipeline_mode = #tpu.pipeline_mode<synchronous>, transform_indices = @transform_5, window_bounds = array<i64: 1, 64>}, {transform_indices = @transform_6, window_bounds = array<i64: 1024, 80>}]} {
    %get3A = arith.constant 0 : index
    %get3A_0 = arith.constant 0 : index
    %get3A_1 = vector.load %arg1[%get3A, %get3A_0] : memref<1024x3xf32, #tpu.memory_space<vmem>>, vector<1024x3xf32>
    %get3A_2 = arith.constant 0 : index
    %get3A_3 = arith.constant 0 : index
    %get3A_4 = vector.load %arg3[%get3A_2, %get3A_3] : memref<3x16xf32, #tpu.memory_space<vmem>>, vector<3x16xf32>
    %get3A_5 = arith.constant 0 : index
    %get3A_6 = arith.constant 0 : index
    %get3A_7 = vector.load %arg2[%get3A_5, %get3A_6] : memref<3072x128xf32, #tpu.memory_space<vmem>>, vector<3072x128xf32>
    %reshape3A = vector.shape_cast %get3A_7 : vector<3072x128xf32> to vector<1024x384xf32>
    %slice3A = vector.extract_strided_slice %reshape3A {offsets = [0, 0], sizes = [1024, 48], strides = [1, 1]} : vector<1024x384xf32> to vector<1024x48xf32>
    %slice3A_8 = vector.extract_strided_slice %slice3A {offsets = [0, 32], sizes = [1024, 3], strides = [1, 1]} : vector<1024x48xf32> to vector<1024x3xf32>
    %sub3A = arith.subf %slice3A_8, %get3A_1 : vector<1024x3xf32>
    %dot_general3A = arith.constant dense<0.000000e+00> : vector<1024x16xf32>
    %dot_general3A_9 = tpu.matmul %sub3A, %get3A_4, %dot_general3A {dimension_numbers = #tpu.dot_dimension_numbers<[1], [0], [0], [1], [0, 0, 1, 1], [], []>, transpose_lhs_hint = false} : vector<1024x3xf32>, vector<3x16xf32>, vector<1024x16xf32> -> vector<1024x16xf32>
    %get3A_10 = arith.constant 0 : index
    %get3A_11 = arith.constant 0 : index
    %get3A_12 = vector.load %arg5[%get3A_10, %get3A_11] : memref<1x16xf32, #tpu.memory_space<vmem>>, vector<1x16xf32>
    %add3A = vector.broadcast %get3A_12 : vector<1x16xf32> to vector<1024x16xf32>
    %add3A_13 = arith.addf %dot_general3A_9, %add3A : vector<1024x16xf32>
    %max3A = arith.constant 0.000000e+00 : f32
    %max3A_14 = vector.broadcast %max3A : f32 to vector<1024x16xf32>
    %max3A_15 = arith.maximumf %add3A_13, %max3A_14 : vector<1024x16xf32>
    %slice3A_16 = vector.extract_strided_slice %slice3A {offsets = [0, 0], sizes = [1024, 32], strides = [1, 1]} : vector<1024x48xf32> to vector<1024x32xf32>
    %concatenate3A = tpu.concatenate %max3A_15, %slice3A_16 in 1 : vector<1024x16xf32>, vector<1024x32xf32> -> vector<1024x48xf32>
    %get3A_17 = arith.constant 0 : index
    %get3A_18 = arith.constant 0 : index
    %get3A_19 = vector.load %arg4[%get3A_17, %get3A_18] : memref<48x64xf32, #tpu.memory_space<vmem>>, vector<48x64xf32>
    %dot_general3A_20 = arith.constant dense<0.000000e+00> : vector<1024x64xf32>
    %dot_general3A_21 = tpu.matmul %concatenate3A, %get3A_19, %dot_general3A_20 {dimension_numbers = #tpu.dot_dimension_numbers<[1], [0], [0], [1], [0, 0, 1, 1], [], []>, transpose_lhs_hint = false} : vector<1024x48xf32>, vector<48x64xf32>, vector<1024x64xf32> -> vector<1024x64xf32>
    %get3A_22 = arith.constant 0 : index
    %get3A_23 = arith.constant 0 : index
    %get3A_24 = vector.load %arg6[%get3A_22, %get3A_23] : memref<1x64xf32, #tpu.memory_space<vmem>>, vector<1x64xf32>
    %add3A_25 = vector.broadcast %get3A_24 : vector<1x64xf32> to vector<1024x64xf32>
    %add3A_26 = arith.addf %dot_general3A_21, %add3A_25 : vector<1024x64xf32>
    %max3A_27 = arith.constant 0.000000e+00 : f32
    %max3A_28 = vector.broadcast %max3A_27 : f32 to vector<1024x64xf32>
    %max3A_29 = arith.maximumf %add3A_26, %max3A_28 : vector<1024x64xf32>
    %slice3A_30 = vector.extract_strided_slice %reshape3A {offsets = [0, 48], sizes = [1024, 48], strides = [1, 1]} : vector<1024x384xf32> to vector<1024x48xf32>
    %slice3A_31 = vector.extract_strided_slice %slice3A_30 {offsets = [0, 32], sizes = [1024, 3], strides = [1, 1]} : vector<1024x48xf32> to vector<1024x3xf32>
    %sub3A_32 = arith.subf %slice3A_31, %get3A_1 : vector<1024x3xf32>
    %dot_general3A_33 = arith.constant dense<0.000000e+00> : vector<1024x16xf32>
    %dot_general3A_34 = tpu.matmul %sub3A_32, %get3A_4, %dot_general3A_33 {dimension_numbers = #tpu.dot_dimension_numbers<[1], [0], [0], [1], [0, 0, 1, 1], [], []>, transpose_lhs_hint = false} : vector<1024x3xf32>, vector<3x16xf32>, vector<1024x16xf32> -> vector<1024x16xf32>
    %get3A_35 = arith.constant 0 : index
    %get3A_36 = arith.constant 0 : index
    %get3A_37 = vector.load %arg5[%get3A_35, %get3A_36] : memref<1x16xf32, #tpu.memory_space<vmem>>, vector<1x16xf32>
    %add3A_38 = vector.broadcast %get3A_37 : vector<1x16xf32> to vector<1024x16xf32>
    %add3A_39 = arith.addf %dot_general3A_34, %add3A_38 : vector<1024x16xf32>
    %max3A_40 = arith.constant 0.000000e+00 : f32
    %max3A_41 = vector.broadcast %max3A_40 : f32 to vector<1024x16xf32>
    %max3A_42 = arith.maximumf %add3A_39, %max3A_41 : vector<1024x16xf32>
    %slice3A_43 = vector.extract_strided_slice %slice3A_30 {offsets = [0, 0], sizes = [1024, 32], strides = [1, 1]} : vector<1024x48xf32> to vector<1024x32xf32>
    %concatenate3A_44 = tpu.concatenate %max3A_42, %slice3A_43 in 1 : vector<1024x16xf32>, vector<1024x32xf32> -> vector<1024x48xf32>
    %get3A_45 = arith.constant 0 : index
    %get3A_46 = arith.constant 0 : index
    %get3A_47 = vector.load %arg4[%get3A_45, %get3A_46] : memref<48x64xf32, #tpu.memory_space<vmem>>, vector<48x64xf32>
    %dot_general3A_48 = arith.constant dense<0.000000e+00> : vector<1024x64xf32>
    %dot_general3A_49 = tpu.matmul %concatenate3A_44, %get3A_47, %dot_general3A_48 {dimension_numbers = #tpu.dot_dimension_numbers<[1], [0], [0], [1], [0, 0, 1, 1], [], []>, transpose_lhs_hint = false} : vector<1024x48xf32>, vector<48x64xf32>, vector<1024x64xf32> -> vector<1024x64xf32>
    %get3A_50 = arith.constant 0 : index
    %get3A_51 = arith.constant 0 : index
    %get3A_52 = vector.load %arg6[%get3A_50, %get3A_51] : memref<1x64xf32, #tpu.memory_space<vmem>>, vector<1x64xf32>
    %add3A_53 = vector.broadcast %get3A_52 : vector<1x64xf32> to vector<1024x64xf32>
    %add3A_54 = arith.addf %dot_general3A_49, %add3A_53 : vector<1024x64xf32>
    %max3A_55 = arith.constant 0.000000e+00 : f32
    %max3A_56 = vector.broadcast %max3A_55 : f32 to vector<1024x64xf32>
    %max3A_57 = arith.maximumf %add3A_54, %max3A_56 : vector<1024x64xf32>
    %max3A_58 = arith.maximumf %max3A_29, %max3A_57 : vector<1024x64xf32>
    %slice3A_59 = vector.extract_strided_slice %reshape3A {offsets = [0, 96], sizes = [1024, 48], strides = [1, 1]} : vector<1024x384xf32> to vector<1024x48xf32>
    %slice3A_60 = vector.extract_strided_slice %slice3A_59 {offsets = [0, 32], sizes = [1024, 3], strides = [1, 1]} : vector<1024x48xf32> to vector<1024x3xf32>
    %sub3A_61 = arith.subf %slice3A_60, %get3A_1 : vector<1024x3xf32>
    %dot_general3A_62 = arith.constant dense<0.000000e+00> : vector<1024x16xf32>
    %dot_general3A_63 = tpu.matmul %sub3A_61, %get3A_4, %dot_general3A_62 {dimension_numbers = #tpu.dot_dimension_numbers<[1], [0], [0], [1], [0, 0, 1, 1], [], []>, transpose_lhs_hint = false} : vector<1024x3xf32>, vector<3x16xf32>, vector<1024x16xf32> -> vector<1024x16xf32>
    %get3A_64 = arith.constant 0 : index
    %get3A_65 = arith.constant 0 : index
    %get3A_66 = vector.load %arg5[%get3A_64, %get3A_65] : memref<1x16xf32, #tpu.memory_space<vmem>>, vector<1x16xf32>
    %add3A_67 = vector.broadcast %get3A_66 : vector<1x16xf32> to vector<1024x16xf32>
    %add3A_68 = arith.addf %dot_general3A_63, %add3A_67 : vector<1024x16xf32>
    %max3A_69 = arith.constant 0.000000e+00 : f32
    %max3A_70 = vector.broadcast %max3A_69 : f32 to vector<1024x16xf32>
    %max3A_71 = arith.maximumf %add3A_68, %max3A_70 : vector<1024x16xf32>
    %slice3A_72 = vector.extract_strided_slice %slice3A_59 {offsets = [0, 0], sizes = [1024, 32], strides = [1, 1]} : vector<1024x48xf32> to vector<1024x32xf32>
    %concatenate3A_73 = tpu.concatenate %max3A_71, %slice3A_72 in 1 : vector<1024x16xf32>, vector<1024x32xf32> -> vector<1024x48xf32>
    %get3A_74 = arith.constant 0 : index
    %get3A_75 = arith.constant 0 : index
    %get3A_76 = vector.load %arg4[%get3A_74, %get3A_75] : memref<48x64xf32, #tpu.memory_space<vmem>>, vector<48x64xf32>
    %dot_general3A_77 = arith.constant dense<0.000000e+00> : vector<1024x64xf32>
    %dot_general3A_78 = tpu.matmul %concatenate3A_73, %get3A_76, %dot_general3A_77 {dimension_numbers = #tpu.dot_dimension_numbers<[1], [0], [0], [1], [0, 0, 1, 1], [], []>, transpose_lhs_hint = false} : vector<1024x48xf32>, vector<48x64xf32>, vector<1024x64xf32> -> vector<1024x64xf32>
    %get3A_79 = arith.constant 0 : index
    %get3A_80 = arith.constant 0 : index
    %get3A_81 = vector.load %arg6[%get3A_79, %get3A_80] : memref<1x64xf32, #tpu.memory_space<vmem>>, vector<1x64xf32>
    %add3A_82 = vector.broadcast %get3A_81 : vector<1x64xf32> to vector<1024x64xf32>
    %add3A_83 = arith.addf %dot_general3A_78, %add3A_82 : vector<1024x64xf32>
    %max3A_84 = arith.constant 0.000000e+00 : f32
    %max3A_85 = vector.broadcast %max3A_84 : f32 to vector<1024x64xf32>
    %max3A_86 = arith.maximumf %add3A_83, %max3A_85 : vector<1024x64xf32>
    %max3A_87 = arith.maximumf %max3A_58, %max3A_86 : vector<1024x64xf32>
    %slice3A_88 = vector.extract_strided_slice %reshape3A {offsets = [0, 144], sizes = [1024, 48], strides = [1, 1]} : vector<1024x384xf32> to vector<1024x48xf32>
    %slice3A_89 = vector.extract_strided_slice %slice3A_88 {offsets = [0, 32], sizes = [1024, 3], strides = [1, 1]} : vector<1024x48xf32> to vector<1024x3xf32>
    %sub3A_90 = arith.subf %slice3A_89, %get3A_1 : vector<1024x3xf32>
    %dot_general3A_91 = arith.constant dense<0.000000e+00> : vector<1024x16xf32>
    %dot_general3A_92 = tpu.matmul %sub3A_90, %get3A_4, %dot_general3A_91 {dimension_numbers = #tpu.dot_dimension_numbers<[1], [0], [0], [1], [0, 0, 1, 1], [], []>, transpose_lhs_hint = false} : vector<1024x3xf32>, vector<3x16xf32>, vector<1024x16xf32> -> vector<1024x16xf32>
    %get3A_93 = arith.constant 0 : index
    %get3A_94 = arith.constant 0 : index
    %get3A_95 = vector.load %arg5[%get3A_93, %get3A_94] : memref<1x16xf32, #tpu.memory_space<vmem>>, vector<1x16xf32>
    %add3A_96 = vector.broadcast %get3A_95 : vector<1x16xf32> to vector<1024x16xf32>
    %add3A_97 = arith.addf %dot_general3A_92, %add3A_96 : vector<1024x16xf32>
    %max3A_98 = arith.constant 0.000000e+00 : f32
    %max3A_99 = vector.broadcast %max3A_98 : f32 to vector<1024x16xf32>
    %max3A_100 = arith.maximumf %add3A_97, %max3A_99 : vector<1024x16xf32>
    %slice3A_101 = vector.extract_strided_slice %slice3A_88 {offsets = [0, 0], sizes = [1024, 32], strides = [1, 1]} : vector<1024x48xf32> to vector<1024x32xf32>
    %concatenate3A_102 = tpu.concatenate %max3A_100, %slice3A_101 in 1 : vector<1024x16xf32>, vector<1024x32xf32> -> vector<1024x48xf32>
    %get3A_103 = arith.constant 0 : index
    %get3A_104 = arith.constant 0 : index
    %get3A_105 = vector.load %arg4[%get3A_103, %get3A_104] : memref<48x64xf32, #tpu.memory_space<vmem>>, vector<48x64xf32>
    %dot_general3A_106 = arith.constant dense<0.000000e+00> : vector<1024x64xf32>
    %dot_general3A_107 = tpu.matmul %concatenate3A_102, %get3A_105, %dot_general3A_106 {dimension_numbers = #tpu.dot_dimension_numbers<[1], [0], [0], [1], [0, 0, 1, 1], [], []>, transpose_lhs_hint = false} : vector<1024x48xf32>, vector<48x64xf32>, vector<1024x64xf32> -> vector<1024x64xf32>
    %get3A_108 = arith.constant 0 : index
    %get3A_109 = arith.constant 0 : index
    %get3A_110 = vector.load %arg6[%get3A_108, %get3A_109] : memref<1x64xf32, #tpu.memory_space<vmem>>, vector<1x64xf32>
    %add3A_111 = vector.broadcast %get3A_110 : vector<1x64xf32> to vector<1024x64xf32>
    %add3A_112 = arith.addf %dot_general3A_107, %add3A_111 : vector<1024x64xf32>
    %max3A_113 = arith.constant 0.000000e+00 : f32
    %max3A_114 = vector.broadcast %max3A_113 : f32 to vector<1024x64xf32>
    %max3A_115 = arith.maximumf %add3A_112, %max3A_114 : vector<1024x64xf32>
    %max3A_116 = arith.maximumf %max3A_87, %max3A_115 : vector<1024x64xf32>
    %slice3A_117 = vector.extract_strided_slice %reshape3A {offsets = [0, 192], sizes = [1024, 48], strides = [1, 1]} : vector<1024x384xf32> to vector<1024x48xf32>
    %slice3A_118 = vector.extract_strided_slice %slice3A_117 {offsets = [0, 32], sizes = [1024, 3], strides = [1, 1]} : vector<1024x48xf32> to vector<1024x3xf32>
    %sub3A_119 = arith.subf %slice3A_118, %get3A_1 : vector<1024x3xf32>
    %dot_general3A_120 = arith.constant dense<0.000000e+00> : vector<1024x16xf32>
    %dot_general3A_121 = tpu.matmul %sub3A_119, %get3A_4, %dot_general3A_120 {dimension_numbers = #tpu.dot_dimension_numbers<[1], [0], [0], [1], [0, 0, 1, 1], [], []>, transpose_lhs_hint = false} : vector<1024x3xf32>, vector<3x16xf32>, vector<1024x16xf32> -> vector<1024x16xf32>
    %get3A_122 = arith.constant 0 : index
    %get3A_123 = arith.constant 0 : index
    %get3A_124 = vector.load %arg5[%get3A_122, %get3A_123] : memref<1x16xf32, #tpu.memory_space<vmem>>, vector<1x16xf32>
    %add3A_125 = vector.broadcast %get3A_124 : vector<1x16xf32> to vector<1024x16xf32>
    %add3A_126 = arith.addf %dot_general3A_121, %add3A_125 : vector<1024x16xf32>
    %max3A_127 = arith.constant 0.000000e+00 : f32
    %max3A_128 = vector.broadcast %max3A_127 : f32 to vector<1024x16xf32>
    %max3A_129 = arith.maximumf %add3A_126, %max3A_128 : vector<1024x16xf32>
    %slice3A_130 = vector.extract_strided_slice %slice3A_117 {offsets = [0, 0], sizes = [1024, 32], strides = [1, 1]} : vector<1024x48xf32> to vector<1024x32xf32>
    %concatenate3A_131 = tpu.concatenate %max3A_129, %slice3A_130 in 1 : vector<1024x16xf32>, vector<1024x32xf32> -> vector<1024x48xf32>
    %get3A_132 = arith.constant 0 : index
    %get3A_133 = arith.constant 0 : index
    %get3A_134 = vector.load %arg4[%get3A_132, %get3A_133] : memref<48x64xf32, #tpu.memory_space<vmem>>, vector<48x64xf32>
    %dot_general3A_135 = arith.constant dense<0.000000e+00> : vector<1024x64xf32>
    %dot_general3A_136 = tpu.matmul %concatenate3A_131, %get3A_134, %dot_general3A_135 {dimension_numbers = #tpu.dot_dimension_numbers<[1], [0], [0], [1], [0, 0, 1, 1], [], []>, transpose_lhs_hint = false} : vector<1024x48xf32>, vector<48x64xf32>, vector<1024x64xf32> -> vector<1024x64xf32>
    %get3A_137 = arith.constant 0 : index
    %get3A_138 = arith.constant 0 : index
    %get3A_139 = vector.load %arg6[%get3A_137, %get3A_138] : memref<1x64xf32, #tpu.memory_space<vmem>>, vector<1x64xf32>
    %add3A_140 = vector.broadcast %get3A_139 : vector<1x64xf32> to vector<1024x64xf32>
    %add3A_141 = arith.addf %dot_general3A_136, %add3A_140 : vector<1024x64xf32>
    %max3A_142 = arith.constant 0.000000e+00 : f32
    %max3A_143 = vector.broadcast %max3A_142 : f32 to vector<1024x64xf32>
    %max3A_144 = arith.maximumf %add3A_141, %max3A_143 : vector<1024x64xf32>
    %max3A_145 = arith.maximumf %max3A_116, %max3A_144 : vector<1024x64xf32>
    %slice3A_146 = vector.extract_strided_slice %reshape3A {offsets = [0, 240], sizes = [1024, 48], strides = [1, 1]} : vector<1024x384xf32> to vector<1024x48xf32>
    %slice3A_147 = vector.extract_strided_slice %slice3A_146 {offsets = [0, 32], sizes = [1024, 3], strides = [1, 1]} : vector<1024x48xf32> to vector<1024x3xf32>
    %sub3A_148 = arith.subf %slice3A_147, %get3A_1 : vector<1024x3xf32>
    %dot_general3A_149 = arith.constant dense<0.000000e+00> : vector<1024x16xf32>
    %dot_general3A_150 = tpu.matmul %sub3A_148, %get3A_4, %dot_general3A_149 {dimension_numbers = #tpu.dot_dimension_numbers<[1], [0], [0], [1], [0, 0, 1, 1], [], []>, transpose_lhs_hint = false} : vector<1024x3xf32>, vector<3x16xf32>, vector<1024x16xf32> -> vector<1024x16xf32>
    %get3A_151 = arith.constant 0 : index
    %get3A_152 = arith.constant 0 : index
    %get3A_153 = vector.load %arg5[%get3A_151, %get3A_152] : memref<1x16xf32, #tpu.memory_space<vmem>>, vector<1x16xf32>
    %add3A_154 = vector.broadcast %get3A_153 : vector<1x16xf32> to vector<1024x16xf32>
    %add3A_155 = arith.addf %dot_general3A_150, %add3A_154 : vector<1024x16xf32>
    %max3A_156 = arith.constant 0.000000e+00 : f32
    %max3A_157 = vector.broadcast %max3A_156 : f32 to vector<1024x16xf32>
    %max3A_158 = arith.maximumf %add3A_155, %max3A_157 : vector<1024x16xf32>
    %slice3A_159 = vector.extract_strided_slice %slice3A_146 {offsets = [0, 0], sizes = [1024, 32], strides = [1, 1]} : vector<1024x48xf32> to vector<1024x32xf32>
    %concatenate3A_160 = tpu.concatenate %max3A_158, %slice3A_159 in 1 : vector<1024x16xf32>, vector<1024x32xf32> -> vector<1024x48xf32>
    %get3A_161 = arith.constant 0 : index
    %get3A_162 = arith.constant 0 : index
    %get3A_163 = vector.load %arg4[%get3A_161, %get3A_162] : memref<48x64xf32, #tpu.memory_space<vmem>>, vector<48x64xf32>
    %dot_general3A_164 = arith.constant dense<0.000000e+00> : vector<1024x64xf32>
    %dot_general3A_165 = tpu.matmul %concatenate3A_160, %get3A_163, %dot_general3A_164 {dimension_numbers = #tpu.dot_dimension_numbers<[1], [0], [0], [1], [0, 0, 1, 1], [], []>, transpose_lhs_hint = false} : vector<1024x48xf32>, vector<48x64xf32>, vector<1024x64xf32> -> vector<1024x64xf32>
    %get3A_166 = arith.constant 0 : index
    %get3A_167 = arith.constant 0 : index
    %get3A_168 = vector.load %arg6[%get3A_166, %get3A_167] : memref<1x64xf32, #tpu.memory_space<vmem>>, vector<1x64xf32>
    %add3A_169 = vector.broadcast %get3A_168 : vector<1x64xf32> to vector<1024x64xf32>
    %add3A_170 = arith.addf %dot_general3A_165, %add3A_169 : vector<1024x64xf32>
    %max3A_171 = arith.constant 0.000000e+00 : f32
    %max3A_172 = vector.broadcast %max3A_171 : f32 to vector<1024x64xf32>
    %max3A_173 = arith.maximumf %add3A_170, %max3A_172 : vector<1024x64xf32>
    %max3A_174 = arith.maximumf %max3A_145, %max3A_173 : vector<1024x64xf32>
    %slice3A_175 = vector.extract_strided_slice %reshape3A {offsets = [0, 288], sizes = [1024, 48], strides = [1, 1]} : vector<1024x384xf32> to vector<1024x48xf32>
    %slice3A_176 = vector.extract_strided_slice %slice3A_175 {offsets = [0, 32], sizes = [1024, 3], strides = [1, 1]} : vector<1024x48xf32> to vector<1024x3xf32>
    %sub3A_177 = arith.subf %slice3A_176, %get3A_1 : vector<1024x3xf32>
    %dot_general3A_178 = arith.constant dense<0.000000e+00> : vector<1024x16xf32>
    %dot_general3A_179 = tpu.matmul %sub3A_177, %get3A_4, %dot_general3A_178 {dimension_numbers = #tpu.dot_dimension_numbers<[1], [0], [0], [1], [0, 0, 1, 1], [], []>, transpose_lhs_hint = false} : vector<1024x3xf32>, vector<3x16xf32>, vector<1024x16xf32> -> vector<1024x16xf32>
    %get3A_180 = arith.constant 0 : index
    %get3A_181 = arith.constant 0 : index
    %get3A_182 = vector.load %arg5[%get3A_180, %get3A_181] : memref<1x16xf32, #tpu.memory_space<vmem>>, vector<1x16xf32>
    %add3A_183 = vector.broadcast %get3A_182 : vector<1x16xf32> to vector<1024x16xf32>
    %add3A_184 = arith.addf %dot_general3A_179, %add3A_183 : vector<1024x16xf32>
    %max3A_185 = arith.constant 0.000000e+00 : f32
    %max3A_186 = vector.broadcast %max3A_185 : f32 to vector<1024x16xf32>
    %max3A_187 = arith.maximumf %add3A_184, %max3A_186 : vector<1024x16xf32>
    %slice3A_188 = vector.extract_strided_slice %slice3A_175 {offsets = [0, 0], sizes = [1024, 32], strides = [1, 1]} : vector<1024x48xf32> to vector<1024x32xf32>
    %concatenate3A_189 = tpu.concatenate %max3A_187, %slice3A_188 in 1 : vector<1024x16xf32>, vector<1024x32xf32> -> vector<1024x48xf32>
    %get3A_190 = arith.constant 0 : index
    %get3A_191 = arith.constant 0 : index
    %get3A_192 = vector.load %arg4[%get3A_190, %get3A_191] : memref<48x64xf32, #tpu.memory_space<vmem>>, vector<48x64xf32>
    %dot_general3A_193 = arith.constant dense<0.000000e+00> : vector<1024x64xf32>
    %dot_general3A_194 = tpu.matmul %concatenate3A_189, %get3A_192, %dot_general3A_193 {dimension_numbers = #tpu.dot_dimension_numbers<[1], [0], [0], [1], [0, 0, 1, 1], [], []>, transpose_lhs_hint = false} : vector<1024x48xf32>, vector<48x64xf32>, vector<1024x64xf32> -> vector<1024x64xf32>
    %get3A_195 = arith.constant 0 : index
    %get3A_196 = arith.constant 0 : index
    %get3A_197 = vector.load %arg6[%get3A_195, %get3A_196] : memref<1x64xf32, #tpu.memory_space<vmem>>, vector<1x64xf32>
    %add3A_198 = vector.broadcast %get3A_197 : vector<1x64xf32> to vector<1024x64xf32>
    %add3A_199 = arith.addf %dot_general3A_194, %add3A_198 : vector<1024x64xf32>
    %max3A_200 = arith.constant 0.000000e+00 : f32
    %max3A_201 = vector.broadcast %max3A_200 : f32 to vector<1024x64xf32>
    %max3A_202 = arith.maximumf %add3A_199, %max3A_201 : vector<1024x64xf32>
    %max3A_203 = arith.maximumf %max3A_174, %max3A_202 : vector<1024x64xf32>
    %slice3A_204 = vector.extract_strided_slice %reshape3A {offsets = [0, 336], sizes = [1024, 48], strides = [1, 1]} : vector<1024x384xf32> to vector<1024x48xf32>
    %slice3A_205 = vector.extract_strided_slice %slice3A_204 {offsets = [0, 32], sizes = [1024, 3], strides = [1, 1]} : vector<1024x48xf32> to vector<1024x3xf32>
    %sub3A_206 = arith.subf %slice3A_205, %get3A_1 : vector<1024x3xf32>
    %dot_general3A_207 = arith.constant dense<0.000000e+00> : vector<1024x16xf32>
    %dot_general3A_208 = tpu.matmul %sub3A_206, %get3A_4, %dot_general3A_207 {dimension_numbers = #tpu.dot_dimension_numbers<[1], [0], [0], [1], [0, 0, 1, 1], [], []>, transpose_lhs_hint = false} : vector<1024x3xf32>, vector<3x16xf32>, vector<1024x16xf32> -> vector<1024x16xf32>
    %get3A_209 = arith.constant 0 : index
    %get3A_210 = arith.constant 0 : index
    %get3A_211 = vector.load %arg5[%get3A_209, %get3A_210] : memref<1x16xf32, #tpu.memory_space<vmem>>, vector<1x16xf32>
    %add3A_212 = vector.broadcast %get3A_211 : vector<1x16xf32> to vector<1024x16xf32>
    %add3A_213 = arith.addf %dot_general3A_208, %add3A_212 : vector<1024x16xf32>
    %max3A_214 = arith.constant 0.000000e+00 : f32
    %max3A_215 = vector.broadcast %max3A_214 : f32 to vector<1024x16xf32>
    %max3A_216 = arith.maximumf %add3A_213, %max3A_215 : vector<1024x16xf32>
    %slice3A_217 = vector.extract_strided_slice %slice3A_204 {offsets = [0, 0], sizes = [1024, 32], strides = [1, 1]} : vector<1024x48xf32> to vector<1024x32xf32>
    %concatenate3A_218 = tpu.concatenate %max3A_216, %slice3A_217 in 1 : vector<1024x16xf32>, vector<1024x32xf32> -> vector<1024x48xf32>
    %get3A_219 = arith.constant 0 : index
    %get3A_220 = arith.constant 0 : index
    %get3A_221 = vector.load %arg4[%get3A_219, %get3A_220] : memref<48x64xf32, #tpu.memory_space<vmem>>, vector<48x64xf32>
    %dot_general3A_222 = arith.constant dense<0.000000e+00> : vector<1024x64xf32>
    %dot_general3A_223 = tpu.matmul %concatenate3A_218, %get3A_221, %dot_general3A_222 {dimension_numbers = #tpu.dot_dimension_numbers<[1], [0], [0], [1], [0, 0, 1, 1], [], []>, transpose_lhs_hint = false} : vector<1024x48xf32>, vector<48x64xf32>, vector<1024x64xf32> -> vector<1024x64xf32>
    %get3A_224 = arith.constant 0 : index
    %get3A_225 = arith.constant 0 : index
    %get3A_226 = vector.load %arg6[%get3A_224, %get3A_225] : memref<1x64xf32, #tpu.memory_space<vmem>>, vector<1x64xf32>
    %add3A_227 = vector.broadcast %get3A_226 : vector<1x64xf32> to vector<1024x64xf32>
    %add3A_228 = arith.addf %dot_general3A_223, %add3A_227 : vector<1024x64xf32>
    %max3A_229 = arith.constant 0.000000e+00 : f32
    %max3A_230 = vector.broadcast %max3A_229 : f32 to vector<1024x64xf32>
    %max3A_231 = arith.maximumf %add3A_228, %max3A_230 : vector<1024x64xf32>
    %max3A_232 = arith.maximumf %max3A_203, %max3A_231 : vector<1024x64xf32>
    %broadcast_in_dim3A = arith.constant 0.000000e+00 : f32
    %broadcast_in_dim3A_233 = vector.broadcast %broadcast_in_dim3A : f32 to vector<1024x13xf32>
    %concatenate3A_234 = tpu.concatenate %max3A_232, %get3A_1, %broadcast_in_dim3A_233 in 1 : vector<1024x64xf32>, vector<1024x3xf32>, vector<1024x13xf32> -> vector<1024x80xf32>
    %swap3A = arith.constant 0 : index
    %swap3A_235 = arith.constant 0 : index
    %swap3A_236 = vector.load %arg7[%swap3A, %swap3A_235] : memref<1024x80xf32, #tpu.memory_space<vmem>>, vector<1024x80xf32>
    tpu.vector_store %arg7[%swap3A, %swap3A_235], %concatenate3A_234 {strides = array<i32>} : memref<1024x80xf32, #tpu.memory_space<vmem>>, vector<1024x80xf32>,
    return
  }
  func.func @transform_0(%arg0: i32) -> (i32, i32) {
    %c0_i32 = arith.constant 0 : i32
    %c0_i32_0 = arith.constant 0 : i32
    return %arg0, %c0_i32 : i32, i32
  }
  func.func @transform_1(%arg0: i32) -> (i32, i32) {
    %c0_i32 = arith.constant 0 : i32
    %c0_i32_0 = arith.constant 0 : i32
    return %arg0, %c0_i32 : i32, i32
  }
  func.func @transform_2(%arg0: i32) -> (i32, i32) {
    %c0_i32 = arith.constant 0 : i32
    %c0_i32_0 = arith.constant 0 : i32
    %c0_i32_1 = arith.constant 0 : i32
    return %c0_i32, %c0_i32_0 : i32, i32
  }
  func.func @transform_3(%arg0: i32) -> (i32, i32) {
    %c0_i32 = arith.constant 0 : i32
    %c0_i32_0 = arith.constant 0 : i32
    %c0_i32_1 = arith.constant 0 : i32
    return %c0_i32, %c0_i32_0 : i32, i32
  }
  func.func @transform_4(%arg0: i32) -> (i32, i32) {
    %c0_i32 = arith.constant 0 : i32
    %c0_i32_0 = arith.constant 0 : i32
    %c0_i32_1 = arith.constant 0 : i32
    return %c0_i32, %c0_i32_0 : i32, i32
  }
  func.func @transform_5(%arg0: i32) -> (i32, i32) {
    %c0_i32 = arith.constant 0 : i32
    %c0_i32_0 = arith.constant 0 : i32
    %c0_i32_1 = arith.constant 0 : i32
    return %c0_i32, %c0_i32_0 : i32, i32
  }
  func.func @transform_6(%arg0: i32) -> (i32, i32) {
    %c0_i32 = arith.constant 0 : i32
    %c0_i32_0 = arith.constant 0 : i32
    return %arg0, %c0_i32 : i32, i32
  }
}

module attributes {stable_mosaic.version = 14 : i64} {
  func.func @_stage_body(%arg0: i32, %arg1: memref<1024x3xf32, #tpu.memory_space<vmem>>, %arg2: memref<5120x128xf32, #tpu.memory_space<vmem>>, %arg3: memref<3x24xf32, #tpu.memory_space<vmem>>, %arg4: memref<88x96xf32, #tpu.memory_space<vmem>>, %arg5: memref<1x24xf32, #tpu.memory_space<vmem>>, %arg6: memref<1x96xf32, #tpu.memory_space<vmem>>, %arg7: memref<1024x128xf32, #tpu.memory_space<vmem>>) attributes {dimension_semantics = [#tpu.dimension_semantics<arbitrary>], iteration_bounds = array<i64: 64>, scalar_prefetch = 0 : i64, scratch_operands = 0 : i64, tpu.core_type = #tpu.core_type<tc>, window_params = [{transform_indices = @transform_0, window_bounds = array<i64: 1024, 3>}, {transform_indices = @transform_1, window_bounds = array<i64: 5120, 128>}, {pipeline_mode = #tpu.pipeline_mode<synchronous>, transform_indices = @transform_2, window_bounds = array<i64: 3, 24>}, {pipeline_mode = #tpu.pipeline_mode<synchronous>, transform_indices = @transform_3, window_bounds = array<i64: 88, 96>}, {pipeline_mode = #tpu.pipeline_mode<synchronous>, transform_indices = @transform_4, window_bounds = array<i64: 1, 24>}, {pipeline_mode = #tpu.pipeline_mode<synchronous>, transform_indices = @transform_5, window_bounds = array<i64: 1, 96>}, {transform_indices = @transform_6, window_bounds = array<i64: 1024, 128>}]} {
    %get3A = arith.constant 0 : index
    %get3A_0 = arith.constant 0 : index
    %get3A_1 = vector.load %arg1[%get3A, %get3A_0] : memref<1024x3xf32, #tpu.memory_space<vmem>>, vector<1024x3xf32>
    %get3A_2 = arith.constant 0 : index
    %get3A_3 = arith.constant 0 : index
    %get3A_4 = vector.load %arg3[%get3A_2, %get3A_3] : memref<3x24xf32, #tpu.memory_space<vmem>>, vector<3x24xf32>
    %get3A_5 = arith.constant 0 : index
    %get3A_6 = arith.constant 0 : index
    %get3A_7 = vector.load %arg2[%get3A_5, %get3A_6] : memref<5120x128xf32, #tpu.memory_space<vmem>>, vector<5120x128xf32>
    %reshape3A = vector.shape_cast %get3A_7 : vector<5120x128xf32> to vector<1024x640xf32>
    %slice3A = vector.extract_strided_slice %reshape3A {offsets = [0, 0], sizes = [1024, 80], strides = [1, 1]} : vector<1024x640xf32> to vector<1024x80xf32>
    %slice3A_8 = vector.extract_strided_slice %slice3A {offsets = [0, 64], sizes = [1024, 3], strides = [1, 1]} : vector<1024x80xf32> to vector<1024x3xf32>
    %sub3A = arith.subf %slice3A_8, %get3A_1 : vector<1024x3xf32>
    %dot_general3A = arith.constant dense<0.000000e+00> : vector<1024x24xf32>
    %dot_general3A_9 = tpu.matmul %sub3A, %get3A_4, %dot_general3A {dimension_numbers = #tpu.dot_dimension_numbers<[1], [0], [0], [1], [0, 0, 1, 1], [], []>, transpose_lhs_hint = false} : vector<1024x3xf32>, vector<3x24xf32>, vector<1024x24xf32> -> vector<1024x24xf32>
    %get3A_10 = arith.constant 0 : index
    %get3A_11 = arith.constant 0 : index
    %get3A_12 = vector.load %arg5[%get3A_10, %get3A_11] : memref<1x24xf32, #tpu.memory_space<vmem>>, vector<1x24xf32>
    %add3A = vector.broadcast %get3A_12 : vector<1x24xf32> to vector<1024x24xf32>
    %add3A_13 = arith.addf %dot_general3A_9, %add3A : vector<1024x24xf32>
    %max3A = arith.constant 0.000000e+00 : f32
    %max3A_14 = vector.broadcast %max3A : f32 to vector<1024x24xf32>
    %max3A_15 = arith.maximumf %add3A_13, %max3A_14 : vector<1024x24xf32>
    %slice3A_16 = vector.extract_strided_slice %slice3A {offsets = [0, 0], sizes = [1024, 64], strides = [1, 1]} : vector<1024x80xf32> to vector<1024x64xf32>
    %concatenate3A = tpu.concatenate %max3A_15, %slice3A_16 in 1 : vector<1024x24xf32>, vector<1024x64xf32> -> vector<1024x88xf32>
    %get3A_17 = arith.constant 0 : index
    %get3A_18 = arith.constant 0 : index
    %get3A_19 = vector.load %arg4[%get3A_17, %get3A_18] : memref<88x96xf32, #tpu.memory_space<vmem>>, vector<88x96xf32>
    %dot_general3A_20 = arith.constant dense<0.000000e+00> : vector<1024x96xf32>
    %dot_general3A_21 = tpu.matmul %concatenate3A, %get3A_19, %dot_general3A_20 {dimension_numbers = #tpu.dot_dimension_numbers<[1], [0], [0], [1], [0, 0, 1, 1], [], []>, transpose_lhs_hint = false} : vector<1024x88xf32>, vector<88x96xf32>, vector<1024x96xf32> -> vector<1024x96xf32>
    %get3A_22 = arith.constant 0 : index
    %get3A_23 = arith.constant 0 : index
    %get3A_24 = vector.load %arg6[%get3A_22, %get3A_23] : memref<1x96xf32, #tpu.memory_space<vmem>>, vector<1x96xf32>
    %add3A_25 = vector.broadcast %get3A_24 : vector<1x96xf32> to vector<1024x96xf32>
    %add3A_26 = arith.addf %dot_general3A_21, %add3A_25 : vector<1024x96xf32>
    %max3A_27 = arith.constant 0.000000e+00 : f32
    %max3A_28 = vector.broadcast %max3A_27 : f32 to vector<1024x96xf32>
    %max3A_29 = arith.maximumf %add3A_26, %max3A_28 : vector<1024x96xf32>
    %slice3A_30 = vector.extract_strided_slice %reshape3A {offsets = [0, 80], sizes = [1024, 80], strides = [1, 1]} : vector<1024x640xf32> to vector<1024x80xf32>
    %slice3A_31 = vector.extract_strided_slice %slice3A_30 {offsets = [0, 64], sizes = [1024, 3], strides = [1, 1]} : vector<1024x80xf32> to vector<1024x3xf32>
    %sub3A_32 = arith.subf %slice3A_31, %get3A_1 : vector<1024x3xf32>
    %dot_general3A_33 = arith.constant dense<0.000000e+00> : vector<1024x24xf32>
    %dot_general3A_34 = tpu.matmul %sub3A_32, %get3A_4, %dot_general3A_33 {dimension_numbers = #tpu.dot_dimension_numbers<[1], [0], [0], [1], [0, 0, 1, 1], [], []>, transpose_lhs_hint = false} : vector<1024x3xf32>, vector<3x24xf32>, vector<1024x24xf32> -> vector<1024x24xf32>
    %get3A_35 = arith.constant 0 : index
    %get3A_36 = arith.constant 0 : index
    %get3A_37 = vector.load %arg5[%get3A_35, %get3A_36] : memref<1x24xf32, #tpu.memory_space<vmem>>, vector<1x24xf32>
    %add3A_38 = vector.broadcast %get3A_37 : vector<1x24xf32> to vector<1024x24xf32>
    %add3A_39 = arith.addf %dot_general3A_34, %add3A_38 : vector<1024x24xf32>
    %max3A_40 = arith.constant 0.000000e+00 : f32
    %max3A_41 = vector.broadcast %max3A_40 : f32 to vector<1024x24xf32>
    %max3A_42 = arith.maximumf %add3A_39, %max3A_41 : vector<1024x24xf32>
    %slice3A_43 = vector.extract_strided_slice %slice3A_30 {offsets = [0, 0], sizes = [1024, 64], strides = [1, 1]} : vector<1024x80xf32> to vector<1024x64xf32>
    %concatenate3A_44 = tpu.concatenate %max3A_42, %slice3A_43 in 1 : vector<1024x24xf32>, vector<1024x64xf32> -> vector<1024x88xf32>
    %get3A_45 = arith.constant 0 : index
    %get3A_46 = arith.constant 0 : index
    %get3A_47 = vector.load %arg4[%get3A_45, %get3A_46] : memref<88x96xf32, #tpu.memory_space<vmem>>, vector<88x96xf32>
    %dot_general3A_48 = arith.constant dense<0.000000e+00> : vector<1024x96xf32>
    %dot_general3A_49 = tpu.matmul %concatenate3A_44, %get3A_47, %dot_general3A_48 {dimension_numbers = #tpu.dot_dimension_numbers<[1], [0], [0], [1], [0, 0, 1, 1], [], []>, transpose_lhs_hint = false} : vector<1024x88xf32>, vector<88x96xf32>, vector<1024x96xf32> -> vector<1024x96xf32>
    %get3A_50 = arith.constant 0 : index
    %get3A_51 = arith.constant 0 : index
    %get3A_52 = vector.load %arg6[%get3A_50, %get3A_51] : memref<1x96xf32, #tpu.memory_space<vmem>>, vector<1x96xf32>
    %add3A_53 = vector.broadcast %get3A_52 : vector<1x96xf32> to vector<1024x96xf32>
    %add3A_54 = arith.addf %dot_general3A_49, %add3A_53 : vector<1024x96xf32>
    %max3A_55 = arith.constant 0.000000e+00 : f32
    %max3A_56 = vector.broadcast %max3A_55 : f32 to vector<1024x96xf32>
    %max3A_57 = arith.maximumf %add3A_54, %max3A_56 : vector<1024x96xf32>
    %max3A_58 = arith.maximumf %max3A_29, %max3A_57 : vector<1024x96xf32>
    %slice3A_59 = vector.extract_strided_slice %reshape3A {offsets = [0, 160], sizes = [1024, 80], strides = [1, 1]} : vector<1024x640xf32> to vector<1024x80xf32>
    %slice3A_60 = vector.extract_strided_slice %slice3A_59 {offsets = [0, 64], sizes = [1024, 3], strides = [1, 1]} : vector<1024x80xf32> to vector<1024x3xf32>
    %sub3A_61 = arith.subf %slice3A_60, %get3A_1 : vector<1024x3xf32>
    %dot_general3A_62 = arith.constant dense<0.000000e+00> : vector<1024x24xf32>
    %dot_general3A_63 = tpu.matmul %sub3A_61, %get3A_4, %dot_general3A_62 {dimension_numbers = #tpu.dot_dimension_numbers<[1], [0], [0], [1], [0, 0, 1, 1], [], []>, transpose_lhs_hint = false} : vector<1024x3xf32>, vector<3x24xf32>, vector<1024x24xf32> -> vector<1024x24xf32>
    %get3A_64 = arith.constant 0 : index
    %get3A_65 = arith.constant 0 : index
    %get3A_66 = vector.load %arg5[%get3A_64, %get3A_65] : memref<1x24xf32, #tpu.memory_space<vmem>>, vector<1x24xf32>
    %add3A_67 = vector.broadcast %get3A_66 : vector<1x24xf32> to vector<1024x24xf32>
    %add3A_68 = arith.addf %dot_general3A_63, %add3A_67 : vector<1024x24xf32>
    %max3A_69 = arith.constant 0.000000e+00 : f32
    %max3A_70 = vector.broadcast %max3A_69 : f32 to vector<1024x24xf32>
    %max3A_71 = arith.maximumf %add3A_68, %max3A_70 : vector<1024x24xf32>
    %slice3A_72 = vector.extract_strided_slice %slice3A_59 {offsets = [0, 0], sizes = [1024, 64], strides = [1, 1]} : vector<1024x80xf32> to vector<1024x64xf32>
    %concatenate3A_73 = tpu.concatenate %max3A_71, %slice3A_72 in 1 : vector<1024x24xf32>, vector<1024x64xf32> -> vector<1024x88xf32>
    %get3A_74 = arith.constant 0 : index
    %get3A_75 = arith.constant 0 : index
    %get3A_76 = vector.load %arg4[%get3A_74, %get3A_75] : memref<88x96xf32, #tpu.memory_space<vmem>>, vector<88x96xf32>
    %dot_general3A_77 = arith.constant dense<0.000000e+00> : vector<1024x96xf32>
    %dot_general3A_78 = tpu.matmul %concatenate3A_73, %get3A_76, %dot_general3A_77 {dimension_numbers = #tpu.dot_dimension_numbers<[1], [0], [0], [1], [0, 0, 1, 1], [], []>, transpose_lhs_hint = false} : vector<1024x88xf32>, vector<88x96xf32>, vector<1024x96xf32> -> vector<1024x96xf32>
    %get3A_79 = arith.constant 0 : index
    %get3A_80 = arith.constant 0 : index
    %get3A_81 = vector.load %arg6[%get3A_79, %get3A_80] : memref<1x96xf32, #tpu.memory_space<vmem>>, vector<1x96xf32>
    %add3A_82 = vector.broadcast %get3A_81 : vector<1x96xf32> to vector<1024x96xf32>
    %add3A_83 = arith.addf %dot_general3A_78, %add3A_82 : vector<1024x96xf32>
    %max3A_84 = arith.constant 0.000000e+00 : f32
    %max3A_85 = vector.broadcast %max3A_84 : f32 to vector<1024x96xf32>
    %max3A_86 = arith.maximumf %add3A_83, %max3A_85 : vector<1024x96xf32>
    %max3A_87 = arith.maximumf %max3A_58, %max3A_86 : vector<1024x96xf32>
    %slice3A_88 = vector.extract_strided_slice %reshape3A {offsets = [0, 240], sizes = [1024, 80], strides = [1, 1]} : vector<1024x640xf32> to vector<1024x80xf32>
    %slice3A_89 = vector.extract_strided_slice %slice3A_88 {offsets = [0, 64], sizes = [1024, 3], strides = [1, 1]} : vector<1024x80xf32> to vector<1024x3xf32>
    %sub3A_90 = arith.subf %slice3A_89, %get3A_1 : vector<1024x3xf32>
    %dot_general3A_91 = arith.constant dense<0.000000e+00> : vector<1024x24xf32>
    %dot_general3A_92 = tpu.matmul %sub3A_90, %get3A_4, %dot_general3A_91 {dimension_numbers = #tpu.dot_dimension_numbers<[1], [0], [0], [1], [0, 0, 1, 1], [], []>, transpose_lhs_hint = false} : vector<1024x3xf32>, vector<3x24xf32>, vector<1024x24xf32> -> vector<1024x24xf32>
    %get3A_93 = arith.constant 0 : index
    %get3A_94 = arith.constant 0 : index
    %get3A_95 = vector.load %arg5[%get3A_93, %get3A_94] : memref<1x24xf32, #tpu.memory_space<vmem>>, vector<1x24xf32>
    %add3A_96 = vector.broadcast %get3A_95 : vector<1x24xf32> to vector<1024x24xf32>
    %add3A_97 = arith.addf %dot_general3A_92, %add3A_96 : vector<1024x24xf32>
    %max3A_98 = arith.constant 0.000000e+00 : f32
    %max3A_99 = vector.broadcast %max3A_98 : f32 to vector<1024x24xf32>
    %max3A_100 = arith.maximumf %add3A_97, %max3A_99 : vector<1024x24xf32>
    %slice3A_101 = vector.extract_strided_slice %slice3A_88 {offsets = [0, 0], sizes = [1024, 64], strides = [1, 1]} : vector<1024x80xf32> to vector<1024x64xf32>
    %concatenate3A_102 = tpu.concatenate %max3A_100, %slice3A_101 in 1 : vector<1024x24xf32>, vector<1024x64xf32> -> vector<1024x88xf32>
    %get3A_103 = arith.constant 0 : index
    %get3A_104 = arith.constant 0 : index
    %get3A_105 = vector.load %arg4[%get3A_103, %get3A_104] : memref<88x96xf32, #tpu.memory_space<vmem>>, vector<88x96xf32>
    %dot_general3A_106 = arith.constant dense<0.000000e+00> : vector<1024x96xf32>
    %dot_general3A_107 = tpu.matmul %concatenate3A_102, %get3A_105, %dot_general3A_106 {dimension_numbers = #tpu.dot_dimension_numbers<[1], [0], [0], [1], [0, 0, 1, 1], [], []>, transpose_lhs_hint = false} : vector<1024x88xf32>, vector<88x96xf32>, vector<1024x96xf32> -> vector<1024x96xf32>
    %get3A_108 = arith.constant 0 : index
    %get3A_109 = arith.constant 0 : index
    %get3A_110 = vector.load %arg6[%get3A_108, %get3A_109] : memref<1x96xf32, #tpu.memory_space<vmem>>, vector<1x96xf32>
    %add3A_111 = vector.broadcast %get3A_110 : vector<1x96xf32> to vector<1024x96xf32>
    %add3A_112 = arith.addf %dot_general3A_107, %add3A_111 : vector<1024x96xf32>
    %max3A_113 = arith.constant 0.000000e+00 : f32
    %max3A_114 = vector.broadcast %max3A_113 : f32 to vector<1024x96xf32>
    %max3A_115 = arith.maximumf %add3A_112, %max3A_114 : vector<1024x96xf32>
    %max3A_116 = arith.maximumf %max3A_87, %max3A_115 : vector<1024x96xf32>
    %slice3A_117 = vector.extract_strided_slice %reshape3A {offsets = [0, 320], sizes = [1024, 80], strides = [1, 1]} : vector<1024x640xf32> to vector<1024x80xf32>
    %slice3A_118 = vector.extract_strided_slice %slice3A_117 {offsets = [0, 64], sizes = [1024, 3], strides = [1, 1]} : vector<1024x80xf32> to vector<1024x3xf32>
    %sub3A_119 = arith.subf %slice3A_118, %get3A_1 : vector<1024x3xf32>
    %dot_general3A_120 = arith.constant dense<0.000000e+00> : vector<1024x24xf32>
    %dot_general3A_121 = tpu.matmul %sub3A_119, %get3A_4, %dot_general3A_120 {dimension_numbers = #tpu.dot_dimension_numbers<[1], [0], [0], [1], [0, 0, 1, 1], [], []>, transpose_lhs_hint = false} : vector<1024x3xf32>, vector<3x24xf32>, vector<1024x24xf32> -> vector<1024x24xf32>
    %get3A_122 = arith.constant 0 : index
    %get3A_123 = arith.constant 0 : index
    %get3A_124 = vector.load %arg5[%get3A_122, %get3A_123] : memref<1x24xf32, #tpu.memory_space<vmem>>, vector<1x24xf32>
    %add3A_125 = vector.broadcast %get3A_124 : vector<1x24xf32> to vector<1024x24xf32>
    %add3A_126 = arith.addf %dot_general3A_121, %add3A_125 : vector<1024x24xf32>
    %max3A_127 = arith.constant 0.000000e+00 : f32
    %max3A_128 = vector.broadcast %max3A_127 : f32 to vector<1024x24xf32>
    %max3A_129 = arith.maximumf %add3A_126, %max3A_128 : vector<1024x24xf32>
    %slice3A_130 = vector.extract_strided_slice %slice3A_117 {offsets = [0, 0], sizes = [1024, 64], strides = [1, 1]} : vector<1024x80xf32> to vector<1024x64xf32>
    %concatenate3A_131 = tpu.concatenate %max3A_129, %slice3A_130 in 1 : vector<1024x24xf32>, vector<1024x64xf32> -> vector<1024x88xf32>
    %get3A_132 = arith.constant 0 : index
    %get3A_133 = arith.constant 0 : index
    %get3A_134 = vector.load %arg4[%get3A_132, %get3A_133] : memref<88x96xf32, #tpu.memory_space<vmem>>, vector<88x96xf32>
    %dot_general3A_135 = arith.constant dense<0.000000e+00> : vector<1024x96xf32>
    %dot_general3A_136 = tpu.matmul %concatenate3A_131, %get3A_134, %dot_general3A_135 {dimension_numbers = #tpu.dot_dimension_numbers<[1], [0], [0], [1], [0, 0, 1, 1], [], []>, transpose_lhs_hint = false} : vector<1024x88xf32>, vector<88x96xf32>, vector<1024x96xf32> -> vector<1024x96xf32>
    %get3A_137 = arith.constant 0 : index
    %get3A_138 = arith.constant 0 : index
    %get3A_139 = vector.load %arg6[%get3A_137, %get3A_138] : memref<1x96xf32, #tpu.memory_space<vmem>>, vector<1x96xf32>
    %add3A_140 = vector.broadcast %get3A_139 : vector<1x96xf32> to vector<1024x96xf32>
    %add3A_141 = arith.addf %dot_general3A_136, %add3A_140 : vector<1024x96xf32>
    %max3A_142 = arith.constant 0.000000e+00 : f32
    %max3A_143 = vector.broadcast %max3A_142 : f32 to vector<1024x96xf32>
    %max3A_144 = arith.maximumf %add3A_141, %max3A_143 : vector<1024x96xf32>
    %max3A_145 = arith.maximumf %max3A_116, %max3A_144 : vector<1024x96xf32>
    %slice3A_146 = vector.extract_strided_slice %reshape3A {offsets = [0, 400], sizes = [1024, 80], strides = [1, 1]} : vector<1024x640xf32> to vector<1024x80xf32>
    %slice3A_147 = vector.extract_strided_slice %slice3A_146 {offsets = [0, 64], sizes = [1024, 3], strides = [1, 1]} : vector<1024x80xf32> to vector<1024x3xf32>
    %sub3A_148 = arith.subf %slice3A_147, %get3A_1 : vector<1024x3xf32>
    %dot_general3A_149 = arith.constant dense<0.000000e+00> : vector<1024x24xf32>
    %dot_general3A_150 = tpu.matmul %sub3A_148, %get3A_4, %dot_general3A_149 {dimension_numbers = #tpu.dot_dimension_numbers<[1], [0], [0], [1], [0, 0, 1, 1], [], []>, transpose_lhs_hint = false} : vector<1024x3xf32>, vector<3x24xf32>, vector<1024x24xf32> -> vector<1024x24xf32>
    %get3A_151 = arith.constant 0 : index
    %get3A_152 = arith.constant 0 : index
    %get3A_153 = vector.load %arg5[%get3A_151, %get3A_152] : memref<1x24xf32, #tpu.memory_space<vmem>>, vector<1x24xf32>
    %add3A_154 = vector.broadcast %get3A_153 : vector<1x24xf32> to vector<1024x24xf32>
    %add3A_155 = arith.addf %dot_general3A_150, %add3A_154 : vector<1024x24xf32>
    %max3A_156 = arith.constant 0.000000e+00 : f32
    %max3A_157 = vector.broadcast %max3A_156 : f32 to vector<1024x24xf32>
    %max3A_158 = arith.maximumf %add3A_155, %max3A_157 : vector<1024x24xf32>
    %slice3A_159 = vector.extract_strided_slice %slice3A_146 {offsets = [0, 0], sizes = [1024, 64], strides = [1, 1]} : vector<1024x80xf32> to vector<1024x64xf32>
    %concatenate3A_160 = tpu.concatenate %max3A_158, %slice3A_159 in 1 : vector<1024x24xf32>, vector<1024x64xf32> -> vector<1024x88xf32>
    %get3A_161 = arith.constant 0 : index
    %get3A_162 = arith.constant 0 : index
    %get3A_163 = vector.load %arg4[%get3A_161, %get3A_162] : memref<88x96xf32, #tpu.memory_space<vmem>>, vector<88x96xf32>
    %dot_general3A_164 = arith.constant dense<0.000000e+00> : vector<1024x96xf32>
    %dot_general3A_165 = tpu.matmul %concatenate3A_160, %get3A_163, %dot_general3A_164 {dimension_numbers = #tpu.dot_dimension_numbers<[1], [0], [0], [1], [0, 0, 1, 1], [], []>, transpose_lhs_hint = false} : vector<1024x88xf32>, vector<88x96xf32>, vector<1024x96xf32> -> vector<1024x96xf32>
    %get3A_166 = arith.constant 0 : index
    %get3A_167 = arith.constant 0 : index
    %get3A_168 = vector.load %arg6[%get3A_166, %get3A_167] : memref<1x96xf32, #tpu.memory_space<vmem>>, vector<1x96xf32>
    %add3A_169 = vector.broadcast %get3A_168 : vector<1x96xf32> to vector<1024x96xf32>
    %add3A_170 = arith.addf %dot_general3A_165, %add3A_169 : vector<1024x96xf32>
    %max3A_171 = arith.constant 0.000000e+00 : f32
    %max3A_172 = vector.broadcast %max3A_171 : f32 to vector<1024x96xf32>
    %max3A_173 = arith.maximumf %add3A_170, %max3A_172 : vector<1024x96xf32>
    %max3A_174 = arith.maximumf %max3A_145, %max3A_173 : vector<1024x96xf32>
    %slice3A_175 = vector.extract_strided_slice %reshape3A {offsets = [0, 480], sizes = [1024, 80], strides = [1, 1]} : vector<1024x640xf32> to vector<1024x80xf32>
    %slice3A_176 = vector.extract_strided_slice %slice3A_175 {offsets = [0, 64], sizes = [1024, 3], strides = [1, 1]} : vector<1024x80xf32> to vector<1024x3xf32>
    %sub3A_177 = arith.subf %slice3A_176, %get3A_1 : vector<1024x3xf32>
    %dot_general3A_178 = arith.constant dense<0.000000e+00> : vector<1024x24xf32>
    %dot_general3A_179 = tpu.matmul %sub3A_177, %get3A_4, %dot_general3A_178 {dimension_numbers = #tpu.dot_dimension_numbers<[1], [0], [0], [1], [0, 0, 1, 1], [], []>, transpose_lhs_hint = false} : vector<1024x3xf32>, vector<3x24xf32>, vector<1024x24xf32> -> vector<1024x24xf32>
    %get3A_180 = arith.constant 0 : index
    %get3A_181 = arith.constant 0 : index
    %get3A_182 = vector.load %arg5[%get3A_180, %get3A_181] : memref<1x24xf32, #tpu.memory_space<vmem>>, vector<1x24xf32>
    %add3A_183 = vector.broadcast %get3A_182 : vector<1x24xf32> to vector<1024x24xf32>
    %add3A_184 = arith.addf %dot_general3A_179, %add3A_183 : vector<1024x24xf32>
    %max3A_185 = arith.constant 0.000000e+00 : f32
    %max3A_186 = vector.broadcast %max3A_185 : f32 to vector<1024x24xf32>
    %max3A_187 = arith.maximumf %add3A_184, %max3A_186 : vector<1024x24xf32>
    %slice3A_188 = vector.extract_strided_slice %slice3A_175 {offsets = [0, 0], sizes = [1024, 64], strides = [1, 1]} : vector<1024x80xf32> to vector<1024x64xf32>
    %concatenate3A_189 = tpu.concatenate %max3A_187, %slice3A_188 in 1 : vector<1024x24xf32>, vector<1024x64xf32> -> vector<1024x88xf32>
    %get3A_190 = arith.constant 0 : index
    %get3A_191 = arith.constant 0 : index
    %get3A_192 = vector.load %arg4[%get3A_190, %get3A_191] : memref<88x96xf32, #tpu.memory_space<vmem>>, vector<88x96xf32>
    %dot_general3A_193 = arith.constant dense<0.000000e+00> : vector<1024x96xf32>
    %dot_general3A_194 = tpu.matmul %concatenate3A_189, %get3A_192, %dot_general3A_193 {dimension_numbers = #tpu.dot_dimension_numbers<[1], [0], [0], [1], [0, 0, 1, 1], [], []>, transpose_lhs_hint = false} : vector<1024x88xf32>, vector<88x96xf32>, vector<1024x96xf32> -> vector<1024x96xf32>
    %get3A_195 = arith.constant 0 : index
    %get3A_196 = arith.constant 0 : index
    %get3A_197 = vector.load %arg6[%get3A_195, %get3A_196] : memref<1x96xf32, #tpu.memory_space<vmem>>, vector<1x96xf32>
    %add3A_198 = vector.broadcast %get3A_197 : vector<1x96xf32> to vector<1024x96xf32>
    %add3A_199 = arith.addf %dot_general3A_194, %add3A_198 : vector<1024x96xf32>
    %max3A_200 = arith.constant 0.000000e+00 : f32
    %max3A_201 = vector.broadcast %max3A_200 : f32 to vector<1024x96xf32>
    %max3A_202 = arith.maximumf %add3A_199, %max3A_201 : vector<1024x96xf32>
    %max3A_203 = arith.maximumf %max3A_174, %max3A_202 : vector<1024x96xf32>
    %slice3A_204 = vector.extract_strided_slice %reshape3A {offsets = [0, 560], sizes = [1024, 80], strides = [1, 1]} : vector<1024x640xf32> to vector<1024x80xf32>
    %slice3A_205 = vector.extract_strided_slice %slice3A_204 {offsets = [0, 64], sizes = [1024, 3], strides = [1, 1]} : vector<1024x80xf32> to vector<1024x3xf32>
    %sub3A_206 = arith.subf %slice3A_205, %get3A_1 : vector<1024x3xf32>
    %dot_general3A_207 = arith.constant dense<0.000000e+00> : vector<1024x24xf32>
    %dot_general3A_208 = tpu.matmul %sub3A_206, %get3A_4, %dot_general3A_207 {dimension_numbers = #tpu.dot_dimension_numbers<[1], [0], [0], [1], [0, 0, 1, 1], [], []>, transpose_lhs_hint = false} : vector<1024x3xf32>, vector<3x24xf32>, vector<1024x24xf32> -> vector<1024x24xf32>
    %get3A_209 = arith.constant 0 : index
    %get3A_210 = arith.constant 0 : index
    %get3A_211 = vector.load %arg5[%get3A_209, %get3A_210] : memref<1x24xf32, #tpu.memory_space<vmem>>, vector<1x24xf32>
    %add3A_212 = vector.broadcast %get3A_211 : vector<1x24xf32> to vector<1024x24xf32>
    %add3A_213 = arith.addf %dot_general3A_208, %add3A_212 : vector<1024x24xf32>
    %max3A_214 = arith.constant 0.000000e+00 : f32
    %max3A_215 = vector.broadcast %max3A_214 : f32 to vector<1024x24xf32>
    %max3A_216 = arith.maximumf %add3A_213, %max3A_215 : vector<1024x24xf32>
    %slice3A_217 = vector.extract_strided_slice %slice3A_204 {offsets = [0, 0], sizes = [1024, 64], strides = [1, 1]} : vector<1024x80xf32> to vector<1024x64xf32>
    %concatenate3A_218 = tpu.concatenate %max3A_216, %slice3A_217 in 1 : vector<1024x24xf32>, vector<1024x64xf32> -> vector<1024x88xf32>
    %get3A_219 = arith.constant 0 : index
    %get3A_220 = arith.constant 0 : index
    %get3A_221 = vector.load %arg4[%get3A_219, %get3A_220] : memref<88x96xf32, #tpu.memory_space<vmem>>, vector<88x96xf32>
    %dot_general3A_222 = arith.constant dense<0.000000e+00> : vector<1024x96xf32>
    %dot_general3A_223 = tpu.matmul %concatenate3A_218, %get3A_221, %dot_general3A_222 {dimension_numbers = #tpu.dot_dimension_numbers<[1], [0], [0], [1], [0, 0, 1, 1], [], []>, transpose_lhs_hint = false} : vector<1024x88xf32>, vector<88x96xf32>, vector<1024x96xf32> -> vector<1024x96xf32>
    %get3A_224 = arith.constant 0 : index
    %get3A_225 = arith.constant 0 : index
    %get3A_226 = vector.load %arg6[%get3A_224, %get3A_225] : memref<1x96xf32, #tpu.memory_space<vmem>>, vector<1x96xf32>
    %add3A_227 = vector.broadcast %get3A_226 : vector<1x96xf32> to vector<1024x96xf32>
    %add3A_228 = arith.addf %dot_general3A_223, %add3A_227 : vector<1024x96xf32>
    %max3A_229 = arith.constant 0.000000e+00 : f32
    %max3A_230 = vector.broadcast %max3A_229 : f32 to vector<1024x96xf32>
    %max3A_231 = arith.maximumf %add3A_228, %max3A_230 : vector<1024x96xf32>
    %max3A_232 = arith.maximumf %max3A_203, %max3A_231 : vector<1024x96xf32>
    %broadcast_in_dim3A = arith.constant 0.000000e+00 : f32
    %broadcast_in_dim3A_233 = vector.broadcast %broadcast_in_dim3A : f32 to vector<1024x29xf32>
    %concatenate3A_234 = tpu.concatenate %max3A_232, %get3A_1, %broadcast_in_dim3A_233 in 1 : vector<1024x96xf32>, vector<1024x3xf32>, vector<1024x29xf32> -> vector<1024x128xf32>
    %swap3A = arith.constant 0 : index
    %swap3A_235 = arith.constant 0 : index
    %swap3A_236 = vector.load %arg7[%swap3A, %swap3A_235] : memref<1024x128xf32, #tpu.memory_space<vmem>>, vector<1024x128xf32>
    tpu.vector_store %arg7[%swap3A, %swap3A_235], %concatenate3A_234 {strides = array<i32>} : memref<1024x128xf32, #tpu.memory_space<vmem>>, vector<1024x128xf32>,
    return
  }
  func.func @transform_0(%arg0: i32) -> (i32, i32) {
    %c0_i32 = arith.constant 0 : i32
    %c0_i32_0 = arith.constant 0 : i32
    return %arg0, %c0_i32 : i32, i32
  }
  func.func @transform_1(%arg0: i32) -> (i32, i32) {
    %c0_i32 = arith.constant 0 : i32
    %c0_i32_0 = arith.constant 0 : i32
    return %arg0, %c0_i32 : i32, i32
  }
  func.func @transform_2(%arg0: i32) -> (i32, i32) {
    %c0_i32 = arith.constant 0 : i32
    %c0_i32_0 = arith.constant 0 : i32
    %c0_i32_1 = arith.constant 0 : i32
    return %c0_i32, %c0_i32_0 : i32, i32
  }
  func.func @transform_3(%arg0: i32) -> (i32, i32) {
    %c0_i32 = arith.constant 0 : i32
    %c0_i32_0 = arith.constant 0 : i32
    %c0_i32_1 = arith.constant 0 : i32
    return %c0_i32, %c0_i32_0 : i32, i32
  }
  func.func @transform_4(%arg0: i32) -> (i32, i32) {
    %c0_i32 = arith.constant 0 : i32
    %c0_i32_0 = arith.constant 0 : i32
    %c0_i32_1 = arith.constant 0 : i32
    return %c0_i32, %c0_i32_0 : i32, i32
  }
  func.func @transform_5(%arg0: i32) -> (i32, i32) {
    %c0_i32 = arith.constant 0 : i32
    %c0_i32_0 = arith.constant 0 : i32
    %c0_i32_1 = arith.constant 0 : i32
    return %c0_i32, %c0_i32_0 : i32, i32
  }
  func.func @transform_6(%arg0: i32) -> (i32, i32) {
    %c0_i32 = arith.constant 0 : i32
    %c0_i32_0 = arith.constant 0 : i32
    return %arg0, %c0_i32 : i32, i32
  }
}

module attributes {stable_mosaic.version = 14 : i64} {
  func.func @_final_body(%arg0: memref<480x3xf32, #tpu.memory_space<vmem>>, %arg1: memref<12x480x128xf32, #tpu.memory_space<vmem>>, %arg2: memref<3x32xf32, #tpu.memory_space<vmem>>, %arg3: memref<128x128xf32, #tpu.memory_space<vmem>>, %arg4: memref<1x32xf32, #tpu.memory_space<vmem>>, %arg5: memref<1x128xf32, #tpu.memory_space<vmem>>, %arg6: memref<3x32xf32, #tpu.memory_space<vmem>>, %arg7: memref<1x32xf32, #tpu.memory_space<vmem>>, %arg8: memref<160x128xf32, #tpu.memory_space<vmem>>, %arg9: memref<1x128xf32, #tpu.memory_space<vmem>>, %arg10: memref<128x64xf32, #tpu.memory_space<vmem>>, %arg11: memref<1x64xf32, #tpu.memory_space<vmem>>, %arg12: memref<64x1xf32, #tpu.memory_space<vmem>>, %arg13: memref<1x1xf32, #tpu.memory_space<vmem>>, %arg14: memref<160x128xf32, #tpu.memory_space<vmem>>, %arg15: memref<1x128xf32, #tpu.memory_space<vmem>>, %arg16: memref<128x64xf32, #tpu.memory_space<vmem>>, %arg17: memref<1x64xf32, #tpu.memory_space<vmem>>, %arg18: memref<64x76xf32, #tpu.memory_space<vmem>>, %arg19: memref<1x76xf32, #tpu.memory_space<vmem>>, %arg20: memref<480x160xf32, #tpu.memory_space<vmem>>, %arg21: memref<480x1xf32, #tpu.memory_space<vmem>>, %arg22: memref<480x76xf32, #tpu.memory_space<vmem>>) attributes {dimension_semantics = [], scalar_prefetch = 0 : i64, scratch_operands = 0 : i64, tpu.core_type = #tpu.core_type<tc>} {
    %get3A = arith.constant 0 : index
    %get3A_0 = arith.constant 0 : index
    %get3A_1 = vector.load %arg0[%get3A, %get3A_0] : memref<480x3xf32, #tpu.memory_space<vmem>>, vector<480x3xf32>
    %get3A_2 = arith.constant 0 : index
    %get3A_3 = arith.constant 0 : index
    %get3A_4 = vector.load %arg2[%get3A_2, %get3A_3] : memref<3x32xf32, #tpu.memory_space<vmem>>, vector<3x32xf32>
    %get3A_5 = arith.constant 0 : index
    %get3A_6 = arith.constant 0 : index
    %get3A_7 = arith.constant 0 : index
    %get3A_8 = vector.load %arg1[%get3A_5, %get3A_6, %get3A_7] : memref<12x480x128xf32, #tpu.memory_space<vmem>>, vector<1x480x128xf32>
    %get3A_9 = vector.shape_cast %get3A_8 : vector<1x480x128xf32> to vector<480x128xf32>
    %slice3A = vector.extract_strided_slice %get3A_9 {offsets = [0, 96], sizes = [480, 3], strides = [1, 1]} : vector<480x128xf32> to vector<480x3xf32>
    %sub3A = arith.subf %slice3A, %get3A_1 : vector<480x3xf32>
    %dot_general3A = arith.constant dense<0.000000e+00> : vector<480x32xf32>
    %dot_general3A_10 = tpu.matmul %sub3A, %get3A_4, %dot_general3A {dimension_numbers = #tpu.dot_dimension_numbers<[1], [0], [0], [1], [0, 0, 1, 1], [], []>, transpose_lhs_hint = false} : vector<480x3xf32>, vector<3x32xf32>, vector<480x32xf32> -> vector<480x32xf32>
    %get3A_11 = arith.constant 0 : index
    %get3A_12 = arith.constant 0 : index
    %get3A_13 = vector.load %arg4[%get3A_11, %get3A_12] : memref<1x32xf32, #tpu.memory_space<vmem>>, vector<1x32xf32>
    %add3A = vector.broadcast %get3A_13 : vector<1x32xf32> to vector<480x32xf32>
    %add3A_14 = arith.addf %dot_general3A_10, %add3A : vector<480x32xf32>
    %max3A = arith.constant 0.000000e+00 : f32
    %max3A_15 = vector.broadcast %max3A : f32 to vector<480x32xf32>
    %max3A_16 = arith.maximumf %add3A_14, %max3A_15 : vector<480x32xf32>
    %slice3A_17 = vector.extract_strided_slice %get3A_9 {offsets = [0, 0], sizes = [480, 96], strides = [1, 1]} : vector<480x128xf32> to vector<480x96xf32>
    %concatenate3A = tpu.concatenate %max3A_16, %slice3A_17 in 1 : vector<480x32xf32>, vector<480x96xf32> -> vector<480x128xf32>
    %get3A_18 = arith.constant 0 : index
    %get3A_19 = arith.constant 0 : index
    %get3A_20 = vector.load %arg3[%get3A_18, %get3A_19] : memref<128x128xf32, #tpu.memory_space<vmem>>, vector<128x128xf32>
    %dot_general3A_21 = arith.constant dense<0.000000e+00> : vector<480x128xf32>
    %dot_general3A_22 = tpu.matmul %concatenate3A, %get3A_20, %dot_general3A_21 {dimension_numbers = #tpu.dot_dimension_numbers<[1], [0], [0], [1], [0, 0, 1, 1], [], []>, transpose_lhs_hint = false} : vector<480x128xf32>, vector<128x128xf32>, vector<480x128xf32> -> vector<480x128xf32>
    %get3A_23 = arith.constant 0 : index
    %get3A_24 = arith.constant 0 : index
    %get3A_25 = vector.load %arg5[%get3A_23, %get3A_24] : memref<1x128xf32, #tpu.memory_space<vmem>>, vector<1x128xf32>
    %add3A_26 = vector.broadcast %get3A_25 : vector<1x128xf32> to vector<480x128xf32>
    %add3A_27 = arith.addf %dot_general3A_22, %add3A_26 : vector<480x128xf32>
    %max3A_28 = arith.constant 0.000000e+00 : f32
    %max3A_29 = vector.broadcast %max3A_28 : f32 to vector<480x128xf32>
    %max3A_30 = arith.maximumf %add3A_27, %max3A_29 : vector<480x128xf32>
    %get3A_31 = arith.constant 1 : index
    %get3A_32 = arith.constant 0 : index
    %get3A_33 = arith.constant 0 : index
    %get3A_34 = vector.load %arg1[%get3A_31, %get3A_32, %get3A_33] : memref<12x480x128xf32, #tpu.memory_space<vmem>>, vector<1x480x128xf32>
    %get3A_35 = vector.shape_cast %get3A_34 : vector<1x480x128xf32> to vector<480x128xf32>
    %slice3A_36 = vector.extract_strided_slice %get3A_35 {offsets = [0, 96], sizes = [480, 3], strides = [1, 1]} : vector<480x128xf32> to vector<480x3xf32>
    %sub3A_37 = arith.subf %slice3A_36, %get3A_1 : vector<480x3xf32>
    %dot_general3A_38 = arith.constant dense<0.000000e+00> : vector<480x32xf32>
    %dot_general3A_39 = tpu.matmul %sub3A_37, %get3A_4, %dot_general3A_38 {dimension_numbers = #tpu.dot_dimension_numbers<[1], [0], [0], [1], [0, 0, 1, 1], [], []>, transpose_lhs_hint = false} : vector<480x3xf32>, vector<3x32xf32>, vector<480x32xf32> -> vector<480x32xf32>
    %get3A_40 = arith.constant 0 : index
    %get3A_41 = arith.constant 0 : index
    %get3A_42 = vector.load %arg4[%get3A_40, %get3A_41] : memref<1x32xf32, #tpu.memory_space<vmem>>, vector<1x32xf32>
    %add3A_43 = vector.broadcast %get3A_42 : vector<1x32xf32> to vector<480x32xf32>
    %add3A_44 = arith.addf %dot_general3A_39, %add3A_43 : vector<480x32xf32>
    %max3A_45 = arith.constant 0.000000e+00 : f32
    %max3A_46 = vector.broadcast %max3A_45 : f32 to vector<480x32xf32>
    %max3A_47 = arith.maximumf %add3A_44, %max3A_46 : vector<480x32xf32>
    %slice3A_48 = vector.extract_strided_slice %get3A_35 {offsets = [0, 0], sizes = [480, 96], strides = [1, 1]} : vector<480x128xf32> to vector<480x96xf32>
    %concatenate3A_49 = tpu.concatenate %max3A_47, %slice3A_48 in 1 : vector<480x32xf32>, vector<480x96xf32> -> vector<480x128xf32>
    %get3A_50 = arith.constant 0 : index
    %get3A_51 = arith.constant 0 : index
    %get3A_52 = vector.load %arg3[%get3A_50, %get3A_51] : memref<128x128xf32, #tpu.memory_space<vmem>>, vector<128x128xf32>
    %dot_general3A_53 = arith.constant dense<0.000000e+00> : vector<480x128xf32>
    %dot_general3A_54 = tpu.matmul %concatenate3A_49, %get3A_52, %dot_general3A_53 {dimension_numbers = #tpu.dot_dimension_numbers<[1], [0], [0], [1], [0, 0, 1, 1], [], []>, transpose_lhs_hint = false} : vector<480x128xf32>, vector<128x128xf32>, vector<480x128xf32> -> vector<480x128xf32>
    %get3A_55 = arith.constant 0 : index
    %get3A_56 = arith.constant 0 : index
    %get3A_57 = vector.load %arg5[%get3A_55, %get3A_56] : memref<1x128xf32, #tpu.memory_space<vmem>>, vector<1x128xf32>
    %add3A_58 = vector.broadcast %get3A_57 : vector<1x128xf32> to vector<480x128xf32>
    %add3A_59 = arith.addf %dot_general3A_54, %add3A_58 : vector<480x128xf32>
    %max3A_60 = arith.constant 0.000000e+00 : f32
    %max3A_61 = vector.broadcast %max3A_60 : f32 to vector<480x128xf32>
    %max3A_62 = arith.maximumf %add3A_59, %max3A_61 : vector<480x128xf32>
    %max3A_63 = arith.maximumf %max3A_30, %max3A_62 : vector<480x128xf32>
    %get3A_64 = arith.constant 2 : index
    %get3A_65 = arith.constant 0 : index
    %get3A_66 = arith.constant 0 : index
    %get3A_67 = vector.load %arg1[%get3A_64, %get3A_65, %get3A_66] : memref<12x480x128xf32, #tpu.memory_space<vmem>>, vector<1x480x128xf32>
    %get3A_68 = vector.shape_cast %get3A_67 : vector<1x480x128xf32> to vector<480x128xf32>
    %slice3A_69 = vector.extract_strided_slice %get3A_68 {offsets = [0, 96], sizes = [480, 3], strides = [1, 1]} : vector<480x128xf32> to vector<480x3xf32>
    %sub3A_70 = arith.subf %slice3A_69, %get3A_1 : vector<480x3xf32>
    %dot_general3A_71 = arith.constant dense<0.000000e+00> : vector<480x32xf32>
    %dot_general3A_72 = tpu.matmul %sub3A_70, %get3A_4, %dot_general3A_71 {dimension_numbers = #tpu.dot_dimension_numbers<[1], [0], [0], [1], [0, 0, 1, 1], [], []>, transpose_lhs_hint = false} : vector<480x3xf32>, vector<3x32xf32>, vector<480x32xf32> -> vector<480x32xf32>
    %get3A_73 = arith.constant 0 : index
    %get3A_74 = arith.constant 0 : index
    %get3A_75 = vector.load %arg4[%get3A_73, %get3A_74] : memref<1x32xf32, #tpu.memory_space<vmem>>, vector<1x32xf32>
    %add3A_76 = vector.broadcast %get3A_75 : vector<1x32xf32> to vector<480x32xf32>
    %add3A_77 = arith.addf %dot_general3A_72, %add3A_76 : vector<480x32xf32>
    %max3A_78 = arith.constant 0.000000e+00 : f32
    %max3A_79 = vector.broadcast %max3A_78 : f32 to vector<480x32xf32>
    %max3A_80 = arith.maximumf %add3A_77, %max3A_79 : vector<480x32xf32>
    %slice3A_81 = vector.extract_strided_slice %get3A_68 {offsets = [0, 0], sizes = [480, 96], strides = [1, 1]} : vector<480x128xf32> to vector<480x96xf32>
    %concatenate3A_82 = tpu.concatenate %max3A_80, %slice3A_81 in 1 : vector<480x32xf32>, vector<480x96xf32> -> vector<480x128xf32>
    %get3A_83 = arith.constant 0 : index
    %get3A_84 = arith.constant 0 : index
    %get3A_85 = vector.load %arg3[%get3A_83, %get3A_84] : memref<128x128xf32, #tpu.memory_space<vmem>>, vector<128x128xf32>
    %dot_general3A_86 = arith.constant dense<0.000000e+00> : vector<480x128xf32>
    %dot_general3A_87 = tpu.matmul %concatenate3A_82, %get3A_85, %dot_general3A_86 {dimension_numbers = #tpu.dot_dimension_numbers<[1], [0], [0], [1], [0, 0, 1, 1], [], []>, transpose_lhs_hint = false} : vector<480x128xf32>, vector<128x128xf32>, vector<480x128xf32> -> vector<480x128xf32>
    %get3A_88 = arith.constant 0 : index
    %get3A_89 = arith.constant 0 : index
    %get3A_90 = vector.load %arg5[%get3A_88, %get3A_89] : memref<1x128xf32, #tpu.memory_space<vmem>>, vector<1x128xf32>
    %add3A_91 = vector.broadcast %get3A_90 : vector<1x128xf32> to vector<480x128xf32>
    %add3A_92 = arith.addf %dot_general3A_87, %add3A_91 : vector<480x128xf32>
    %max3A_93 = arith.constant 0.000000e+00 : f32
    %max3A_94 = vector.broadcast %max3A_93 : f32 to vector<480x128xf32>
    %max3A_95 = arith.maximumf %add3A_92, %max3A_94 : vector<480x128xf32>
    %max3A_96 = arith.maximumf %max3A_63, %max3A_95 : vector<480x128xf32>
    %get3A_97 = arith.constant 3 : index
    %get3A_98 = arith.constant 0 : index
    %get3A_99 = arith.constant 0 : index
    %get3A_100 = vector.load %arg1[%get3A_97, %get3A_98, %get3A_99] : memref<12x480x128xf32, #tpu.memory_space<vmem>>, vector<1x480x128xf32>
    %get3A_101 = vector.shape_cast %get3A_100 : vector<1x480x128xf32> to vector<480x128xf32>
    %slice3A_102 = vector.extract_strided_slice %get3A_101 {offsets = [0, 96], sizes = [480, 3], strides = [1, 1]} : vector<480x128xf32> to vector<480x3xf32>
    %sub3A_103 = arith.subf %slice3A_102, %get3A_1 : vector<480x3xf32>
    %dot_general3A_104 = arith.constant dense<0.000000e+00> : vector<480x32xf32>
    %dot_general3A_105 = tpu.matmul %sub3A_103, %get3A_4, %dot_general3A_104 {dimension_numbers = #tpu.dot_dimension_numbers<[1], [0], [0], [1], [0, 0, 1, 1], [], []>, transpose_lhs_hint = false} : vector<480x3xf32>, vector<3x32xf32>, vector<480x32xf32> -> vector<480x32xf32>
    %get3A_106 = arith.constant 0 : index
    %get3A_107 = arith.constant 0 : index
    %get3A_108 = vector.load %arg4[%get3A_106, %get3A_107] : memref<1x32xf32, #tpu.memory_space<vmem>>, vector<1x32xf32>
    %add3A_109 = vector.broadcast %get3A_108 : vector<1x32xf32> to vector<480x32xf32>
    %add3A_110 = arith.addf %dot_general3A_105, %add3A_109 : vector<480x32xf32>
    %max3A_111 = arith.constant 0.000000e+00 : f32
    %max3A_112 = vector.broadcast %max3A_111 : f32 to vector<480x32xf32>
    %max3A_113 = arith.maximumf %add3A_110, %max3A_112 : vector<480x32xf32>
    %slice3A_114 = vector.extract_strided_slice %get3A_101 {offsets = [0, 0], sizes = [480, 96], strides = [1, 1]} : vector<480x128xf32> to vector<480x96xf32>
    %concatenate3A_115 = tpu.concatenate %max3A_113, %slice3A_114 in 1 : vector<480x32xf32>, vector<480x96xf32> -> vector<480x128xf32>
    %get3A_116 = arith.constant 0 : index
    %get3A_117 = arith.constant 0 : index
    %get3A_118 = vector.load %arg3[%get3A_116, %get3A_117] : memref<128x128xf32, #tpu.memory_space<vmem>>, vector<128x128xf32>
    %dot_general3A_119 = arith.constant dense<0.000000e+00> : vector<480x128xf32>
    %dot_general3A_120 = tpu.matmul %concatenate3A_115, %get3A_118, %dot_general3A_119 {dimension_numbers = #tpu.dot_dimension_numbers<[1], [0], [0], [1], [0, 0, 1, 1], [], []>, transpose_lhs_hint = false} : vector<480x128xf32>, vector<128x128xf32>, vector<480x128xf32> -> vector<480x128xf32>
    %get3A_121 = arith.constant 0 : index
    %get3A_122 = arith.constant 0 : index
    %get3A_123 = vector.load %arg5[%get3A_121, %get3A_122] : memref<1x128xf32, #tpu.memory_space<vmem>>, vector<1x128xf32>
    %add3A_124 = vector.broadcast %get3A_123 : vector<1x128xf32> to vector<480x128xf32>
    %add3A_125 = arith.addf %dot_general3A_120, %add3A_124 : vector<480x128xf32>
    %max3A_126 = arith.constant 0.000000e+00 : f32
    %max3A_127 = vector.broadcast %max3A_126 : f32 to vector<480x128xf32>
    %max3A_128 = arith.maximumf %add3A_125, %max3A_127 : vector<480x128xf32>
    %max3A_129 = arith.maximumf %max3A_96, %max3A_128 : vector<480x128xf32>
    %get3A_130 = arith.constant 4 : index
    %get3A_131 = arith.constant 0 : index
    %get3A_132 = arith.constant 0 : index
    %get3A_133 = vector.load %arg1[%get3A_130, %get3A_131, %get3A_132] : memref<12x480x128xf32, #tpu.memory_space<vmem>>, vector<1x480x128xf32>
    %get3A_134 = vector.shape_cast %get3A_133 : vector<1x480x128xf32> to vector<480x128xf32>
    %slice3A_135 = vector.extract_strided_slice %get3A_134 {offsets = [0, 96], sizes = [480, 3], strides = [1, 1]} : vector<480x128xf32> to vector<480x3xf32>
    %sub3A_136 = arith.subf %slice3A_135, %get3A_1 : vector<480x3xf32>
    %dot_general3A_137 = arith.constant dense<0.000000e+00> : vector<480x32xf32>
    %dot_general3A_138 = tpu.matmul %sub3A_136, %get3A_4, %dot_general3A_137 {dimension_numbers = #tpu.dot_dimension_numbers<[1], [0], [0], [1], [0, 0, 1, 1], [], []>, transpose_lhs_hint = false} : vector<480x3xf32>, vector<3x32xf32>, vector<480x32xf32> -> vector<480x32xf32>
    %get3A_139 = arith.constant 0 : index
    %get3A_140 = arith.constant 0 : index
    %get3A_141 = vector.load %arg4[%get3A_139, %get3A_140] : memref<1x32xf32, #tpu.memory_space<vmem>>, vector<1x32xf32>
    %add3A_142 = vector.broadcast %get3A_141 : vector<1x32xf32> to vector<480x32xf32>
    %add3A_143 = arith.addf %dot_general3A_138, %add3A_142 : vector<480x32xf32>
    %max3A_144 = arith.constant 0.000000e+00 : f32
    %max3A_145 = vector.broadcast %max3A_144 : f32 to vector<480x32xf32>
    %max3A_146 = arith.maximumf %add3A_143, %max3A_145 : vector<480x32xf32>
    %slice3A_147 = vector.extract_strided_slice %get3A_134 {offsets = [0, 0], sizes = [480, 96], strides = [1, 1]} : vector<480x128xf32> to vector<480x96xf32>
    %concatenate3A_148 = tpu.concatenate %max3A_146, %slice3A_147 in 1 : vector<480x32xf32>, vector<480x96xf32> -> vector<480x128xf32>
    %get3A_149 = arith.constant 0 : index
    %get3A_150 = arith.constant 0 : index
    %get3A_151 = vector.load %arg3[%get3A_149, %get3A_150] : memref<128x128xf32, #tpu.memory_space<vmem>>, vector<128x128xf32>
    %dot_general3A_152 = arith.constant dense<0.000000e+00> : vector<480x128xf32>
    %dot_general3A_153 = tpu.matmul %concatenate3A_148, %get3A_151, %dot_general3A_152 {dimension_numbers = #tpu.dot_dimension_numbers<[1], [0], [0], [1], [0, 0, 1, 1], [], []>, transpose_lhs_hint = false} : vector<480x128xf32>, vector<128x128xf32>, vector<480x128xf32> -> vector<480x128xf32>
    %get3A_154 = arith.constant 0 : index
    %get3A_155 = arith.constant 0 : index
    %get3A_156 = vector.load %arg5[%get3A_154, %get3A_155] : memref<1x128xf32, #tpu.memory_space<vmem>>, vector<1x128xf32>
    %add3A_157 = vector.broadcast %get3A_156 : vector<1x128xf32> to vector<480x128xf32>
    %add3A_158 = arith.addf %dot_general3A_153, %add3A_157 : vector<480x128xf32>
    %max3A_159 = arith.constant 0.000000e+00 : f32
    %max3A_160 = vector.broadcast %max3A_159 : f32 to vector<480x128xf32>
    %max3A_161 = arith.maximumf %add3A_158, %max3A_160 : vector<480x128xf32>
    %max3A_162 = arith.maximumf %max3A_129, %max3A_161 : vector<480x128xf32>
    %get3A_163 = arith.constant 5 : index
    %get3A_164 = arith.constant 0 : index
    %get3A_165 = arith.constant 0 : index
    %get3A_166 = vector.load %arg1[%get3A_163, %get3A_164, %get3A_165] : memref<12x480x128xf32, #tpu.memory_space<vmem>>, vector<1x480x128xf32>
    %get3A_167 = vector.shape_cast %get3A_166 : vector<1x480x128xf32> to vector<480x128xf32>
    %slice3A_168 = vector.extract_strided_slice %get3A_167 {offsets = [0, 96], sizes = [480, 3], strides = [1, 1]} : vector<480x128xf32> to vector<480x3xf32>
    %sub3A_169 = arith.subf %slice3A_168, %get3A_1 : vector<480x3xf32>
    %dot_general3A_170 = arith.constant dense<0.000000e+00> : vector<480x32xf32>
    %dot_general3A_171 = tpu.matmul %sub3A_169, %get3A_4, %dot_general3A_170 {dimension_numbers = #tpu.dot_dimension_numbers<[1], [0], [0], [1], [0, 0, 1, 1], [], []>, transpose_lhs_hint = false} : vector<480x3xf32>, vector<3x32xf32>, vector<480x32xf32> -> vector<480x32xf32>
    %get3A_172 = arith.constant 0 : index
    %get3A_173 = arith.constant 0 : index
    %get3A_174 = vector.load %arg4[%get3A_172, %get3A_173] : memref<1x32xf32, #tpu.memory_space<vmem>>, vector<1x32xf32>
    %add3A_175 = vector.broadcast %get3A_174 : vector<1x32xf32> to vector<480x32xf32>
    %add3A_176 = arith.addf %dot_general3A_171, %add3A_175 : vector<480x32xf32>
    %max3A_177 = arith.constant 0.000000e+00 : f32
    %max3A_178 = vector.broadcast %max3A_177 : f32 to vector<480x32xf32>
    %max3A_179 = arith.maximumf %add3A_176, %max3A_178 : vector<480x32xf32>
    %slice3A_180 = vector.extract_strided_slice %get3A_167 {offsets = [0, 0], sizes = [480, 96], strides = [1, 1]} : vector<480x128xf32> to vector<480x96xf32>
    %concatenate3A_181 = tpu.concatenate %max3A_179, %slice3A_180 in 1 : vector<480x32xf32>, vector<480x96xf32> -> vector<480x128xf32>
    %get3A_182 = arith.constant 0 : index
    %get3A_183 = arith.constant 0 : index
    %get3A_184 = vector.load %arg3[%get3A_182, %get3A_183] : memref<128x128xf32, #tpu.memory_space<vmem>>, vector<128x128xf32>
    %dot_general3A_185 = arith.constant dense<0.000000e+00> : vector<480x128xf32>
    %dot_general3A_186 = tpu.matmul %concatenate3A_181, %get3A_184, %dot_general3A_185 {dimension_numbers = #tpu.dot_dimension_numbers<[1], [0], [0], [1], [0, 0, 1, 1], [], []>, transpose_lhs_hint = false} : vector<480x128xf32>, vector<128x128xf32>, vector<480x128xf32> -> vector<480x128xf32>
    %get3A_187 = arith.constant 0 : index
    %get3A_188 = arith.constant 0 : index
    %get3A_189 = vector.load %arg5[%get3A_187, %get3A_188] : memref<1x128xf32, #tpu.memory_space<vmem>>, vector<1x128xf32>
    %add3A_190 = vector.broadcast %get3A_189 : vector<1x128xf32> to vector<480x128xf32>
    %add3A_191 = arith.addf %dot_general3A_186, %add3A_190 : vector<480x128xf32>
    %max3A_192 = arith.constant 0.000000e+00 : f32
    %max3A_193 = vector.broadcast %max3A_192 : f32 to vector<480x128xf32>
    %max3A_194 = arith.maximumf %add3A_191, %max3A_193 : vector<480x128xf32>
    %max3A_195 = arith.maximumf %max3A_162, %max3A_194 : vector<480x128xf32>
    %get3A_196 = arith.constant 6 : index
    %get3A_197 = arith.constant 0 : index
    %get3A_198 = arith.constant 0 : index
    %get3A_199 = vector.load %arg1[%get3A_196, %get3A_197, %get3A_198] : memref<12x480x128xf32, #tpu.memory_space<vmem>>, vector<1x480x128xf32>
    %get3A_200 = vector.shape_cast %get3A_199 : vector<1x480x128xf32> to vector<480x128xf32>
    %slice3A_201 = vector.extract_strided_slice %get3A_200 {offsets = [0, 96], sizes = [480, 3], strides = [1, 1]} : vector<480x128xf32> to vector<480x3xf32>
    %sub3A_202 = arith.subf %slice3A_201, %get3A_1 : vector<480x3xf32>
    %dot_general3A_203 = arith.constant dense<0.000000e+00> : vector<480x32xf32>
    %dot_general3A_204 = tpu.matmul %sub3A_202, %get3A_4, %dot_general3A_203 {dimension_numbers = #tpu.dot_dimension_numbers<[1], [0], [0], [1], [0, 0, 1, 1], [], []>, transpose_lhs_hint = false} : vector<480x3xf32>, vector<3x32xf32>, vector<480x32xf32> -> vector<480x32xf32>
    %get3A_205 = arith.constant 0 : index
    %get3A_206 = arith.constant 0 : index
    %get3A_207 = vector.load %arg4[%get3A_205, %get3A_206] : memref<1x32xf32, #tpu.memory_space<vmem>>, vector<1x32xf32>
    %add3A_208 = vector.broadcast %get3A_207 : vector<1x32xf32> to vector<480x32xf32>
    %add3A_209 = arith.addf %dot_general3A_204, %add3A_208 : vector<480x32xf32>
    %max3A_210 = arith.constant 0.000000e+00 : f32
    %max3A_211 = vector.broadcast %max3A_210 : f32 to vector<480x32xf32>
    %max3A_212 = arith.maximumf %add3A_209, %max3A_211 : vector<480x32xf32>
    %slice3A_213 = vector.extract_strided_slice %get3A_200 {offsets = [0, 0], sizes = [480, 96], strides = [1, 1]} : vector<480x128xf32> to vector<480x96xf32>
    %concatenate3A_214 = tpu.concatenate %max3A_212, %slice3A_213 in 1 : vector<480x32xf32>, vector<480x96xf32> -> vector<480x128xf32>
    %get3A_215 = arith.constant 0 : index
    %get3A_216 = arith.constant 0 : index
    %get3A_217 = vector.load %arg3[%get3A_215, %get3A_216] : memref<128x128xf32, #tpu.memory_space<vmem>>, vector<128x128xf32>
    %dot_general3A_218 = arith.constant dense<0.000000e+00> : vector<480x128xf32>
    %dot_general3A_219 = tpu.matmul %concatenate3A_214, %get3A_217, %dot_general3A_218 {dimension_numbers = #tpu.dot_dimension_numbers<[1], [0], [0], [1], [0, 0, 1, 1], [], []>, transpose_lhs_hint = false} : vector<480x128xf32>, vector<128x128xf32>, vector<480x128xf32> -> vector<480x128xf32>
    %get3A_220 = arith.constant 0 : index
    %get3A_221 = arith.constant 0 : index
    %get3A_222 = vector.load %arg5[%get3A_220, %get3A_221] : memref<1x128xf32, #tpu.memory_space<vmem>>, vector<1x128xf32>
    %add3A_223 = vector.broadcast %get3A_222 : vector<1x128xf32> to vector<480x128xf32>
    %add3A_224 = arith.addf %dot_general3A_219, %add3A_223 : vector<480x128xf32>
    %max3A_225 = arith.constant 0.000000e+00 : f32
    %max3A_226 = vector.broadcast %max3A_225 : f32 to vector<480x128xf32>
    %max3A_227 = arith.maximumf %add3A_224, %max3A_226 : vector<480x128xf32>
    %max3A_228 = arith.maximumf %max3A_195, %max3A_227 : vector<480x128xf32>
    %get3A_229 = arith.constant 7 : index
    %get3A_230 = arith.constant 0 : index
    %get3A_231 = arith.constant 0 : index
    %get3A_232 = vector.load %arg1[%get3A_229, %get3A_230, %get3A_231] : memref<12x480x128xf32, #tpu.memory_space<vmem>>, vector<1x480x128xf32>
    %get3A_233 = vector.shape_cast %get3A_232 : vector<1x480x128xf32> to vector<480x128xf32>
    %slice3A_234 = vector.extract_strided_slice %get3A_233 {offsets = [0, 96], sizes = [480, 3], strides = [1, 1]} : vector<480x128xf32> to vector<480x3xf32>
    %sub3A_235 = arith.subf %slice3A_234, %get3A_1 : vector<480x3xf32>
    %dot_general3A_236 = arith.constant dense<0.000000e+00> : vector<480x32xf32>
    %dot_general3A_237 = tpu.matmul %sub3A_235, %get3A_4, %dot_general3A_236 {dimension_numbers = #tpu.dot_dimension_numbers<[1], [0], [0], [1], [0, 0, 1, 1], [], []>, transpose_lhs_hint = false} : vector<480x3xf32>, vector<3x32xf32>, vector<480x32xf32> -> vector<480x32xf32>
    %get3A_238 = arith.constant 0 : index
    %get3A_239 = arith.constant 0 : index
    %get3A_240 = vector.load %arg4[%get3A_238, %get3A_239] : memref<1x32xf32, #tpu.memory_space<vmem>>, vector<1x32xf32>
    %add3A_241 = vector.broadcast %get3A_240 : vector<1x32xf32> to vector<480x32xf32>
    %add3A_242 = arith.addf %dot_general3A_237, %add3A_241 : vector<480x32xf32>
    %max3A_243 = arith.constant 0.000000e+00 : f32
    %max3A_244 = vector.broadcast %max3A_243 : f32 to vector<480x32xf32>
    %max3A_245 = arith.maximumf %add3A_242, %max3A_244 : vector<480x32xf32>
    %slice3A_246 = vector.extract_strided_slice %get3A_233 {offsets = [0, 0], sizes = [480, 96], strides = [1, 1]} : vector<480x128xf32> to vector<480x96xf32>
    %concatenate3A_247 = tpu.concatenate %max3A_245, %slice3A_246 in 1 : vector<480x32xf32>, vector<480x96xf32> -> vector<480x128xf32>
    %get3A_248 = arith.constant 0 : index
    %get3A_249 = arith.constant 0 : index
    %get3A_250 = vector.load %arg3[%get3A_248, %get3A_249] : memref<128x128xf32, #tpu.memory_space<vmem>>, vector<128x128xf32>
    %dot_general3A_251 = arith.constant dense<0.000000e+00> : vector<480x128xf32>
    %dot_general3A_252 = tpu.matmul %concatenate3A_247, %get3A_250, %dot_general3A_251 {dimension_numbers = #tpu.dot_dimension_numbers<[1], [0], [0], [1], [0, 0, 1, 1], [], []>, transpose_lhs_hint = false} : vector<480x128xf32>, vector<128x128xf32>, vector<480x128xf32> -> vector<480x128xf32>
    %get3A_253 = arith.constant 0 : index
    %get3A_254 = arith.constant 0 : index
    %get3A_255 = vector.load %arg5[%get3A_253, %get3A_254] : memref<1x128xf32, #tpu.memory_space<vmem>>, vector<1x128xf32>
    %add3A_256 = vector.broadcast %get3A_255 : vector<1x128xf32> to vector<480x128xf32>
    %add3A_257 = arith.addf %dot_general3A_252, %add3A_256 : vector<480x128xf32>
    %max3A_258 = arith.constant 0.000000e+00 : f32
    %max3A_259 = vector.broadcast %max3A_258 : f32 to vector<480x128xf32>
    %max3A_260 = arith.maximumf %add3A_257, %max3A_259 : vector<480x128xf32>
    %max3A_261 = arith.maximumf %max3A_228, %max3A_260 : vector<480x128xf32>
    %get3A_262 = arith.constant 8 : index
    %get3A_263 = arith.constant 0 : index
    %get3A_264 = arith.constant 0 : index
    %get3A_265 = vector.load %arg1[%get3A_262, %get3A_263, %get3A_264] : memref<12x480x128xf32, #tpu.memory_space<vmem>>, vector<1x480x128xf32>
    %get3A_266 = vector.shape_cast %get3A_265 : vector<1x480x128xf32> to vector<480x128xf32>
    %slice3A_267 = vector.extract_strided_slice %get3A_266 {offsets = [0, 96], sizes = [480, 3], strides = [1, 1]} : vector<480x128xf32> to vector<480x3xf32>
    %sub3A_268 = arith.subf %slice3A_267, %get3A_1 : vector<480x3xf32>
    %dot_general3A_269 = arith.constant dense<0.000000e+00> : vector<480x32xf32>
    %dot_general3A_270 = tpu.matmul %sub3A_268, %get3A_4, %dot_general3A_269 {dimension_numbers = #tpu.dot_dimension_numbers<[1], [0], [0], [1], [0, 0, 1, 1], [], []>, transpose_lhs_hint = false} : vector<480x3xf32>, vector<3x32xf32>, vector<480x32xf32> -> vector<480x32xf32>
    %get3A_271 = arith.constant 0 : index
    %get3A_272 = arith.constant 0 : index
    %get3A_273 = vector.load %arg4[%get3A_271, %get3A_272] : memref<1x32xf32, #tpu.memory_space<vmem>>, vector<1x32xf32>
    %add3A_274 = vector.broadcast %get3A_273 : vector<1x32xf32> to vector<480x32xf32>
    %add3A_275 = arith.addf %dot_general3A_270, %add3A_274 : vector<480x32xf32>
    %max3A_276 = arith.constant 0.000000e+00 : f32
    %max3A_277 = vector.broadcast %max3A_276 : f32 to vector<480x32xf32>
    %max3A_278 = arith.maximumf %add3A_275, %max3A_277 : vector<480x32xf32>
    %slice3A_279 = vector.extract_strided_slice %get3A_266 {offsets = [0, 0], sizes = [480, 96], strides = [1, 1]} : vector<480x128xf32> to vector<480x96xf32>
    %concatenate3A_280 = tpu.concatenate %max3A_278, %slice3A_279 in 1 : vector<480x32xf32>, vector<480x96xf32> -> vector<480x128xf32>
    %get3A_281 = arith.constant 0 : index
    %get3A_282 = arith.constant 0 : index
    %get3A_283 = vector.load %arg3[%get3A_281, %get3A_282] : memref<128x128xf32, #tpu.memory_space<vmem>>, vector<128x128xf32>
    %dot_general3A_284 = arith.constant dense<0.000000e+00> : vector<480x128xf32>
    %dot_general3A_285 = tpu.matmul %concatenate3A_280, %get3A_283, %dot_general3A_284 {dimension_numbers = #tpu.dot_dimension_numbers<[1], [0], [0], [1], [0, 0, 1, 1], [], []>, transpose_lhs_hint = false} : vector<480x128xf32>, vector<128x128xf32>, vector<480x128xf32> -> vector<480x128xf32>
    %get3A_286 = arith.constant 0 : index
    %get3A_287 = arith.constant 0 : index
    %get3A_288 = vector.load %arg5[%get3A_286, %get3A_287] : memref<1x128xf32, #tpu.memory_space<vmem>>, vector<1x128xf32>
    %add3A_289 = vector.broadcast %get3A_288 : vector<1x128xf32> to vector<480x128xf32>
    %add3A_290 = arith.addf %dot_general3A_285, %add3A_289 : vector<480x128xf32>
    %max3A_291 = arith.constant 0.000000e+00 : f32
    %max3A_292 = vector.broadcast %max3A_291 : f32 to vector<480x128xf32>
    %max3A_293 = arith.maximumf %add3A_290, %max3A_292 : vector<480x128xf32>
    %max3A_294 = arith.maximumf %max3A_261, %max3A_293 : vector<480x128xf32>
    %get3A_295 = arith.constant 9 : index
    %get3A_296 = arith.constant 0 : index
    %get3A_297 = arith.constant 0 : index
    %get3A_298 = vector.load %arg1[%get3A_295, %get3A_296, %get3A_297] : memref<12x480x128xf32, #tpu.memory_space<vmem>>, vector<1x480x128xf32>
    %get3A_299 = vector.shape_cast %get3A_298 : vector<1x480x128xf32> to vector<480x128xf32>
    %slice3A_300 = vector.extract_strided_slice %get3A_299 {offsets = [0, 96], sizes = [480, 3], strides = [1, 1]} : vector<480x128xf32> to vector<480x3xf32>
    %sub3A_301 = arith.subf %slice3A_300, %get3A_1 : vector<480x3xf32>
    %dot_general3A_302 = arith.constant dense<0.000000e+00> : vector<480x32xf32>
    %dot_general3A_303 = tpu.matmul %sub3A_301, %get3A_4, %dot_general3A_302 {dimension_numbers = #tpu.dot_dimension_numbers<[1], [0], [0], [1], [0, 0, 1, 1], [], []>, transpose_lhs_hint = false} : vector<480x3xf32>, vector<3x32xf32>, vector<480x32xf32> -> vector<480x32xf32>
    %get3A_304 = arith.constant 0 : index
    %get3A_305 = arith.constant 0 : index
    %get3A_306 = vector.load %arg4[%get3A_304, %get3A_305] : memref<1x32xf32, #tpu.memory_space<vmem>>, vector<1x32xf32>
    %add3A_307 = vector.broadcast %get3A_306 : vector<1x32xf32> to vector<480x32xf32>
    %add3A_308 = arith.addf %dot_general3A_303, %add3A_307 : vector<480x32xf32>
    %max3A_309 = arith.constant 0.000000e+00 : f32
    %max3A_310 = vector.broadcast %max3A_309 : f32 to vector<480x32xf32>
    %max3A_311 = arith.maximumf %add3A_308, %max3A_310 : vector<480x32xf32>
    %slice3A_312 = vector.extract_strided_slice %get3A_299 {offsets = [0, 0], sizes = [480, 96], strides = [1, 1]} : vector<480x128xf32> to vector<480x96xf32>
    %concatenate3A_313 = tpu.concatenate %max3A_311, %slice3A_312 in 1 : vector<480x32xf32>, vector<480x96xf32> -> vector<480x128xf32>
    %get3A_314 = arith.constant 0 : index
    %get3A_315 = arith.constant 0 : index
    %get3A_316 = vector.load %arg3[%get3A_314, %get3A_315] : memref<128x128xf32, #tpu.memory_space<vmem>>, vector<128x128xf32>
    %dot_general3A_317 = arith.constant dense<0.000000e+00> : vector<480x128xf32>
    %dot_general3A_318 = tpu.matmul %concatenate3A_313, %get3A_316, %dot_general3A_317 {dimension_numbers = #tpu.dot_dimension_numbers<[1], [0], [0], [1], [0, 0, 1, 1], [], []>, transpose_lhs_hint = false} : vector<480x128xf32>, vector<128x128xf32>, vector<480x128xf32> -> vector<480x128xf32>
    %get3A_319 = arith.constant 0 : index
    %get3A_320 = arith.constant 0 : index
    %get3A_321 = vector.load %arg5[%get3A_319, %get3A_320] : memref<1x128xf32, #tpu.memory_space<vmem>>, vector<1x128xf32>
    %add3A_322 = vector.broadcast %get3A_321 : vector<1x128xf32> to vector<480x128xf32>
    %add3A_323 = arith.addf %dot_general3A_318, %add3A_322 : vector<480x128xf32>
    %max3A_324 = arith.constant 0.000000e+00 : f32
    %max3A_325 = vector.broadcast %max3A_324 : f32 to vector<480x128xf32>
    %max3A_326 = arith.maximumf %add3A_323, %max3A_325 : vector<480x128xf32>
    %max3A_327 = arith.maximumf %max3A_294, %max3A_326 : vector<480x128xf32>
    %get3A_328 = arith.constant 10 : index
    %get3A_329 = arith.constant 0 : index
    %get3A_330 = arith.constant 0 : index
    %get3A_331 = vector.load %arg1[%get3A_328, %get3A_329, %get3A_330] : memref<12x480x128xf32, #tpu.memory_space<vmem>>, vector<1x480x128xf32>
    %get3A_332 = vector.shape_cast %get3A_331 : vector<1x480x128xf32> to vector<480x128xf32>
    %slice3A_333 = vector.extract_strided_slice %get3A_332 {offsets = [0, 96], sizes = [480, 3], strides = [1, 1]} : vector<480x128xf32> to vector<480x3xf32>
    %sub3A_334 = arith.subf %slice3A_333, %get3A_1 : vector<480x3xf32>
    %dot_general3A_335 = arith.constant dense<0.000000e+00> : vector<480x32xf32>
    %dot_general3A_336 = tpu.matmul %sub3A_334, %get3A_4, %dot_general3A_335 {dimension_numbers = #tpu.dot_dimension_numbers<[1], [0], [0], [1], [0, 0, 1, 1], [], []>, transpose_lhs_hint = false} : vector<480x3xf32>, vector<3x32xf32>, vector<480x32xf32> -> vector<480x32xf32>
    %get3A_337 = arith.constant 0 : index
    %get3A_338 = arith.constant 0 : index
    %get3A_339 = vector.load %arg4[%get3A_337, %get3A_338] : memref<1x32xf32, #tpu.memory_space<vmem>>, vector<1x32xf32>
    %add3A_340 = vector.broadcast %get3A_339 : vector<1x32xf32> to vector<480x32xf32>
    %add3A_341 = arith.addf %dot_general3A_336, %add3A_340 : vector<480x32xf32>
    %max3A_342 = arith.constant 0.000000e+00 : f32
    %max3A_343 = vector.broadcast %max3A_342 : f32 to vector<480x32xf32>
    %max3A_344 = arith.maximumf %add3A_341, %max3A_343 : vector<480x32xf32>
    %slice3A_345 = vector.extract_strided_slice %get3A_332 {offsets = [0, 0], sizes = [480, 96], strides = [1, 1]} : vector<480x128xf32> to vector<480x96xf32>
    %concatenate3A_346 = tpu.concatenate %max3A_344, %slice3A_345 in 1 : vector<480x32xf32>, vector<480x96xf32> -> vector<480x128xf32>
    %get3A_347 = arith.constant 0 : index
    %get3A_348 = arith.constant 0 : index
    %get3A_349 = vector.load %arg3[%get3A_347, %get3A_348] : memref<128x128xf32, #tpu.memory_space<vmem>>, vector<128x128xf32>
    %dot_general3A_350 = arith.constant dense<0.000000e+00> : vector<480x128xf32>
    %dot_general3A_351 = tpu.matmul %concatenate3A_346, %get3A_349, %dot_general3A_350 {dimension_numbers = #tpu.dot_dimension_numbers<[1], [0], [0], [1], [0, 0, 1, 1], [], []>, transpose_lhs_hint = false} : vector<480x128xf32>, vector<128x128xf32>, vector<480x128xf32> -> vector<480x128xf32>
    %get3A_352 = arith.constant 0 : index
    %get3A_353 = arith.constant 0 : index
    %get3A_354 = vector.load %arg5[%get3A_352, %get3A_353] : memref<1x128xf32, #tpu.memory_space<vmem>>, vector<1x128xf32>
    %add3A_355 = vector.broadcast %get3A_354 : vector<1x128xf32> to vector<480x128xf32>
    %add3A_356 = arith.addf %dot_general3A_351, %add3A_355 : vector<480x128xf32>
    %max3A_357 = arith.constant 0.000000e+00 : f32
    %max3A_358 = vector.broadcast %max3A_357 : f32 to vector<480x128xf32>
    %max3A_359 = arith.maximumf %add3A_356, %max3A_358 : vector<480x128xf32>
    %max3A_360 = arith.maximumf %max3A_327, %max3A_359 : vector<480x128xf32>
    %get3A_361 = arith.constant 11 : index
    %get3A_362 = arith.constant 0 : index
    %get3A_363 = arith.constant 0 : index
    %get3A_364 = vector.load %arg1[%get3A_361, %get3A_362, %get3A_363] : memref<12x480x128xf32, #tpu.memory_space<vmem>>, vector<1x480x128xf32>
    %get3A_365 = vector.shape_cast %get3A_364 : vector<1x480x128xf32> to vector<480x128xf32>
    %slice3A_366 = vector.extract_strided_slice %get3A_365 {offsets = [0, 96], sizes = [480, 3], strides = [1, 1]} : vector<480x128xf32> to vector<480x3xf32>
    %sub3A_367 = arith.subf %slice3A_366, %get3A_1 : vector<480x3xf32>
    %dot_general3A_368 = arith.constant dense<0.000000e+00> : vector<480x32xf32>
    %dot_general3A_369 = tpu.matmul %sub3A_367, %get3A_4, %dot_general3A_368 {dimension_numbers = #tpu.dot_dimension_numbers<[1], [0], [0], [1], [0, 0, 1, 1], [], []>, transpose_lhs_hint = false} : vector<480x3xf32>, vector<3x32xf32>, vector<480x32xf32> -> vector<480x32xf32>
    %get3A_370 = arith.constant 0 : index
    %get3A_371 = arith.constant 0 : index
    %get3A_372 = vector.load %arg4[%get3A_370, %get3A_371] : memref<1x32xf32, #tpu.memory_space<vmem>>, vector<1x32xf32>
    %add3A_373 = vector.broadcast %get3A_372 : vector<1x32xf32> to vector<480x32xf32>
    %add3A_374 = arith.addf %dot_general3A_369, %add3A_373 : vector<480x32xf32>
    %max3A_375 = arith.constant 0.000000e+00 : f32
    %max3A_376 = vector.broadcast %max3A_375 : f32 to vector<480x32xf32>
    %max3A_377 = arith.maximumf %add3A_374, %max3A_376 : vector<480x32xf32>
    %slice3A_378 = vector.extract_strided_slice %get3A_365 {offsets = [0, 0], sizes = [480, 96], strides = [1, 1]} : vector<480x128xf32> to vector<480x96xf32>
    %concatenate3A_379 = tpu.concatenate %max3A_377, %slice3A_378 in 1 : vector<480x32xf32>, vector<480x96xf32> -> vector<480x128xf32>
    %get3A_380 = arith.constant 0 : index
    %get3A_381 = arith.constant 0 : index
    %get3A_382 = vector.load %arg3[%get3A_380, %get3A_381] : memref<128x128xf32, #tpu.memory_space<vmem>>, vector<128x128xf32>
    %dot_general3A_383 = arith.constant dense<0.000000e+00> : vector<480x128xf32>
    %dot_general3A_384 = tpu.matmul %concatenate3A_379, %get3A_382, %dot_general3A_383 {dimension_numbers = #tpu.dot_dimension_numbers<[1], [0], [0], [1], [0, 0, 1, 1], [], []>, transpose_lhs_hint = false} : vector<480x128xf32>, vector<128x128xf32>, vector<480x128xf32> -> vector<480x128xf32>
    %get3A_385 = arith.constant 0 : index
    %get3A_386 = arith.constant 0 : index
    %get3A_387 = vector.load %arg5[%get3A_385, %get3A_386] : memref<1x128xf32, #tpu.memory_space<vmem>>, vector<1x128xf32>
    %add3A_388 = vector.broadcast %get3A_387 : vector<1x128xf32> to vector<480x128xf32>
    %add3A_389 = arith.addf %dot_general3A_384, %add3A_388 : vector<480x128xf32>
    %max3A_390 = arith.constant 0.000000e+00 : f32
    %max3A_391 = vector.broadcast %max3A_390 : f32 to vector<480x128xf32>
    %max3A_392 = arith.maximumf %add3A_389, %max3A_391 : vector<480x128xf32>
    %max3A_393 = arith.maximumf %max3A_360, %max3A_392 : vector<480x128xf32>
    %get3A_394 = arith.constant 0 : index
    %get3A_395 = arith.constant 0 : index
    %get3A_396 = vector.load %arg6[%get3A_394, %get3A_395] : memref<3x32xf32, #tpu.memory_space<vmem>>, vector<3x32xf32>
    %dot_general3A_397 = arith.constant dense<0.000000e+00> : vector<480x32xf32>
    %dot_general3A_398 = tpu.matmul %get3A_1, %get3A_396, %dot_general3A_397 {dimension_numbers = #tpu.dot_dimension_numbers<[1], [0], [0], [1], [0, 0, 1, 1], [], []>, transpose_lhs_hint = false} : vector<480x3xf32>, vector<3x32xf32>, vector<480x32xf32> -> vector<480x32xf32>
    %get3A_399 = arith.constant 0 : index
    %get3A_400 = arith.constant 0 : index
    %get3A_401 = vector.load %arg7[%get3A_399, %get3A_400] : memref<1x32xf32, #tpu.memory_space<vmem>>, vector<1x32xf32>
    %add3A_402 = vector.broadcast %get3A_401 : vector<1x32xf32> to vector<480x32xf32>
    %add3A_403 = arith.addf %dot_general3A_398, %add3A_402 : vector<480x32xf32>
    %max3A_404 = arith.constant 0.000000e+00 : f32
    %max3A_405 = vector.broadcast %max3A_404 : f32 to vector<480x32xf32>
    %max3A_406 = arith.maximumf %add3A_403, %max3A_405 : vector<480x32xf32>
    %concatenate3A_407 = tpu.concatenate %max3A_393, %max3A_406 in 1 : vector<480x128xf32>, vector<480x32xf32> -> vector<480x160xf32>
    %swap3A = arith.constant 0 : index
    %swap3A_408 = arith.constant 0 : index
    %swap3A_409 = vector.load %arg20[%swap3A, %swap3A_408] : memref<480x160xf32, #tpu.memory_space<vmem>>, vector<480x160xf32>
    tpu.vector_store %arg20[%swap3A, %swap3A_408], %concatenate3A_407 {strides = array<i32>} : memref<480x160xf32, #tpu.memory_space<vmem>>, vector<480x160xf32>,
    %get3A_410 = arith.constant 0 : index
    %get3A_411 = arith.constant 0 : index
    %get3A_412 = vector.load %arg8[%get3A_410, %get3A_411] : memref<160x128xf32, #tpu.memory_space<vmem>>, vector<160x128xf32>
    %dot_general3A_413 = arith.constant dense<0.000000e+00> : vector<480x128xf32>
    %dot_general3A_414 = tpu.matmul %concatenate3A_407, %get3A_412, %dot_general3A_413 {dimension_numbers = #tpu.dot_dimension_numbers<[1], [0], [0], [1], [0, 0, 1, 1], [], []>, transpose_lhs_hint = false} : vector<480x160xf32>, vector<160x128xf32>, vector<480x128xf32> -> vector<480x128xf32>
    %get3A_415 = arith.constant 0 : index
    %get3A_416 = arith.constant 0 : index
    %get3A_417 = vector.load %arg9[%get3A_415, %get3A_416] : memref<1x128xf32, #tpu.memory_space<vmem>>, vector<1x128xf32>
    %add3A_418 = vector.broadcast %get3A_417 : vector<1x128xf32> to vector<480x128xf32>
    %add3A_419 = arith.addf %dot_general3A_414, %add3A_418 : vector<480x128xf32>
    %max3A_420 = arith.constant 0.000000e+00 : f32
    %max3A_421 = vector.broadcast %max3A_420 : f32 to vector<480x128xf32>
    %max3A_422 = arith.maximumf %add3A_419, %max3A_421 : vector<480x128xf32>
    %get3A_423 = arith.constant 0 : index
    %get3A_424 = arith.constant 0 : index
    %get3A_425 = vector.load %arg10[%get3A_423, %get3A_424] : memref<128x64xf32, #tpu.memory_space<vmem>>, vector<128x64xf32>
    %dot_general3A_426 = arith.constant dense<0.000000e+00> : vector<480x64xf32>
    %dot_general3A_427 = tpu.matmul %max3A_422, %get3A_425, %dot_general3A_426 {dimension_numbers = #tpu.dot_dimension_numbers<[1], [0], [0], [1], [0, 0, 1, 1], [], []>, transpose_lhs_hint = false} : vector<480x128xf32>, vector<128x64xf32>, vector<480x64xf32> -> vector<480x64xf32>
    %get3A_428 = arith.constant 0 : index
    %get3A_429 = arith.constant 0 : index
    %get3A_430 = vector.load %arg11[%get3A_428, %get3A_429] : memref<1x64xf32, #tpu.memory_space<vmem>>, vector<1x64xf32>
    %add3A_431 = vector.broadcast %get3A_430 : vector<1x64xf32> to vector<480x64xf32>
    %add3A_432 = arith.addf %dot_general3A_427, %add3A_431 : vector<480x64xf32>
    %max3A_433 = arith.constant 0.000000e+00 : f32
    %max3A_434 = vector.broadcast %max3A_433 : f32 to vector<480x64xf32>
    %max3A_435 = arith.maximumf %add3A_432, %max3A_434 : vector<480x64xf32>
    %get3A_436 = arith.constant 0 : index
    %get3A_437 = arith.constant 0 : index
    %get3A_438 = vector.load %arg12[%get3A_436, %get3A_437] : memref<64x1xf32, #tpu.memory_space<vmem>>, vector<64x1xf32>
    %dot_general3A_439 = arith.constant dense<0.000000e+00> : vector<480x1xf32>
    %dot_general3A_440 = tpu.matmul %max3A_435, %get3A_438, %dot_general3A_439 {dimension_numbers = #tpu.dot_dimension_numbers<[1], [0], [0], [1], [0, 0, 1, 1], [], []>, transpose_lhs_hint = false} : vector<480x64xf32>, vector<64x1xf32>, vector<480x1xf32> -> vector<480x1xf32>
    %get3A_441 = arith.constant 0 : index
    %get3A_442 = arith.constant 0 : index
    %get3A_443 = vector.load %arg13[%get3A_441, %get3A_442] : memref<1x1xf32, #tpu.memory_space<vmem>>, vector<1x1xf32>
    %add3A_444 = vector.broadcast %get3A_443 : vector<1x1xf32> to vector<480x1xf32>
    %add3A_445 = arith.addf %dot_general3A_440, %add3A_444 : vector<480x1xf32>
    %swap3A_446 = arith.constant 0 : index
    %swap3A_447 = arith.constant 0 : index
    %swap3A_448 = vector.load %arg21[%swap3A_446, %swap3A_447] : memref<480x1xf32, #tpu.memory_space<vmem>>, vector<480x1xf32>
    tpu.vector_store %arg21[%swap3A_446, %swap3A_447], %add3A_445 {strides = array<i32>} : memref<480x1xf32, #tpu.memory_space<vmem>>, vector<480x1xf32>,
    %get3A_449 = arith.constant 0 : index
    %get3A_450 = arith.constant 0 : index
    %get3A_451 = vector.load %arg14[%get3A_449, %get3A_450] : memref<160x128xf32, #tpu.memory_space<vmem>>, vector<160x128xf32>
    %dot_general3A_452 = arith.constant dense<0.000000e+00> : vector<480x128xf32>
    %dot_general3A_453 = tpu.matmul %concatenate3A_407, %get3A_451, %dot_general3A_452 {dimension_numbers = #tpu.dot_dimension_numbers<[1], [0], [0], [1], [0, 0, 1, 1], [], []>, transpose_lhs_hint = false} : vector<480x160xf32>, vector<160x128xf32>, vector<480x128xf32> -> vector<480x128xf32>
    %get3A_454 = arith.constant 0 : index
    %get3A_455 = arith.constant 0 : index
    %get3A_456 = vector.load %arg15[%get3A_454, %get3A_455] : memref<1x128xf32, #tpu.memory_space<vmem>>, vector<1x128xf32>
    %add3A_457 = vector.broadcast %get3A_456 : vector<1x128xf32> to vector<480x128xf32>
    %add3A_458 = arith.addf %dot_general3A_453, %add3A_457 : vector<480x128xf32>
    %max3A_459 = arith.constant 0.000000e+00 : f32
    %max3A_460 = vector.broadcast %max3A_459 : f32 to vector<480x128xf32>
    %max3A_461 = arith.maximumf %add3A_458, %max3A_460 : vector<480x128xf32>
    %get3A_462 = arith.constant 0 : index
    %get3A_463 = arith.constant 0 : index
    %get3A_464 = vector.load %arg16[%get3A_462, %get3A_463] : memref<128x64xf32, #tpu.memory_space<vmem>>, vector<128x64xf32>
    %dot_general3A_465 = arith.constant dense<0.000000e+00> : vector<480x64xf32>
    %dot_general3A_466 = tpu.matmul %max3A_461, %get3A_464, %dot_general3A_465 {dimension_numbers = #tpu.dot_dimension_numbers<[1], [0], [0], [1], [0, 0, 1, 1], [], []>, transpose_lhs_hint = false} : vector<480x128xf32>, vector<128x64xf32>, vector<480x64xf32> -> vector<480x64xf32>
    %get3A_467 = arith.constant 0 : index
    %get3A_468 = arith.constant 0 : index
    %get3A_469 = vector.load %arg17[%get3A_467, %get3A_468] : memref<1x64xf32, #tpu.memory_space<vmem>>, vector<1x64xf32>
    %add3A_470 = vector.broadcast %get3A_469 : vector<1x64xf32> to vector<480x64xf32>
    %add3A_471 = arith.addf %dot_general3A_466, %add3A_470 : vector<480x64xf32>
    %max3A_472 = arith.constant 0.000000e+00 : f32
    %max3A_473 = vector.broadcast %max3A_472 : f32 to vector<480x64xf32>
    %max3A_474 = arith.maximumf %add3A_471, %max3A_473 : vector<480x64xf32>
    %get3A_475 = arith.constant 0 : index
    %get3A_476 = arith.constant 0 : index
    %get3A_477 = vector.load %arg18[%get3A_475, %get3A_476] : memref<64x76xf32, #tpu.memory_space<vmem>>, vector<64x76xf32>
    %dot_general3A_478 = arith.constant dense<0.000000e+00> : vector<480x76xf32>
    %dot_general3A_479 = tpu.matmul %max3A_474, %get3A_477, %dot_general3A_478 {dimension_numbers = #tpu.dot_dimension_numbers<[1], [0], [0], [1], [0, 0, 1, 1], [], []>, transpose_lhs_hint = false} : vector<480x64xf32>, vector<64x76xf32>, vector<480x76xf32> -> vector<480x76xf32>
    %get3A_480 = arith.constant 0 : index
    %get3A_481 = arith.constant 0 : index
    %get3A_482 = vector.load %arg19[%get3A_480, %get3A_481] : memref<1x76xf32, #tpu.memory_space<vmem>>, vector<1x76xf32>
    %add3A_483 = vector.broadcast %get3A_482 : vector<1x76xf32> to vector<480x76xf32>
    %add3A_484 = arith.addf %dot_general3A_479, %add3A_483 : vector<480x76xf32>
    %swap3A_485 = arith.constant 0 : index
    %swap3A_486 = arith.constant 0 : index
    %swap3A_487 = vector.load %arg22[%swap3A_485, %swap3A_486] : memref<480x76xf32, #tpu.memory_space<vmem>>, vector<480x76xf32>
    tpu.vector_store %arg22[%swap3A_485, %swap3A_486], %add3A_484 {strides = array<i32>} : memref<480x76xf32, #tpu.memory_space<vmem>>, vector<480x76xf32>,
    return
  }
}

</mosaic_0001>

<sc_bundles>
// kernel: kernel.10.cloned.1.call-start
scs
__scs_entry_jumppad:
0x0: {  	(pc) =	sbr.rel $0x88, $3  }
0x1: {  	(tag) =	ssettag $0x0;
	lr =	simm.s32 $0x1  }
0x2: {  	[smem:$0x3F7E] =	sst lr;
	_ =	strace $0xD0000000  }
0x3: {  	_ = 	snop  }
0x4: {  	_ = 	snop  }
0x5: {  	_ = 	snop  }
0x6: {  	_ = 	snop  }
0x7: {  	_ = 	snop  }
__scs_overlays_trampoline_lowered:
0x8: {  	[smem:$0x3F8D] =	sst s0  }
0x9: {  	[smem:$0x3F8E] =	sst s1  }
0xa: {  	[smem:$0x3F8F] =	sst s2  }
0xb: {  	[smem:$0x3F90] =	sst s3  }
0xc: {  	[smem:$0x3F91] =	sst s4  }
0xd: {  	[smem:$0x3F92] =	sst s5  }
0xe: {  	[smem:$0x3F93] =	sst s6  }
0xf: {  	[smem:$0x3F94] =	sst s7  }
0x10: {  	[smem:$0x3F95] =	sst s8  }
0x11: {  	[smem:$0x3F96] =	sst s9;
	s0 =	simm.s32 @!p0 $0x0  }
0x12: {  	s1 =	sld [smem:$0x3F7C];
	s0 =	simm.s32 @p0 $0x1  }
0x13: {  	[smem:$0x3F97] =	sst s0;
	s0 =	simm.s32 @!p1 $0x0  }
0x14: {  	s2 =	sld [smem:$0x3F7B];
	s0 =	simm.s32 @p1 $0x1  }
0x15: {  	[smem:$0x3F98] =	sst s0;
	s0 =	simm.s32 @!p2 $0x0  }
0x16: {  	s3 =	sld [smem:$0x3FDB];
	s0 =	simm.s32 @p2 $0x1  }
0x17: {  	s4 =	simm.s32 $0x1BF5;
	[smem:$0x3F9A] =	sst s0  }
0x18: {  	s0 =	sld [smem:$0x3F7D];
	_ =	swait.ge [sflag:s4], $0x0  }
0x19: {  	s7 =	sld [smem:$0x3F7E]  }
0x1a: {  	s8 =	sadd.s32 $0xFFFFE003, lr  }
0x1b: {  	s9 =	sadd.s32 $0xFFFFFEF7, lr;
	s5 =	simm.s32 $0xFFFFFFFF;
	p2 =	slt.u32 s8, $0xFFFFF086  }
0x1c: {  	p1 =	slt.u32 s9, $0xF7A;
	s5 =	simm.s32 @!p2 $0x0  }
0x1d: {  	s5 =	simm.s32 @p1 $0x1;
	p0 =	seq.s32 s7, s2  }
0x1e: {  	s7 =	smul.u32 @!p0 $0xF7A, s2;
	p2 =	seq.s32 @!p0 s5, $0x0  }
0x1f: {  	s9 =	smul.u32 $0xF7A, s1;
	s8 =	simm.s32 @!p0 $0x1BF5;
	p2 =	por !p2, p0  }
0x20: {  	[sflag:s8] =	ssyncset.s32 @!p0 $0xFFFFF086;
	s6 =	sadd.s32 @!p0 s3, s7;
	s7 =	simm.s32 @!p0 $0x108  }
0x21: {  	s3 =	sadd.s32 s3, s9;
	s6 =	sadd.s32 @!p0 $0x88, s6;
	s7 =	simm.s32 @p2 $0x1082  }
0x22: {  	[simem:s7], [sflag:s8] =	dma.local @!p0 [hbm:s6], $0xF7A  }
0x23: {  	s9 =	sor.u32 $0xD0000000, s2;
	s6 =	simm.s32 $0x108;
	_ =	swait.ge @!p0 [sflag:s8], $0x0  }
0x24: {  	s3 =	sadd.s32 $0x88, s3;
	s6 =	simm.s32 @!p1 $0x1082;
	[sflag:s4] =	ssyncset.s32 $0xFFFFF086  }
0x25: {  	[simem:s6], [sflag:s4] =	dma.local [hbm:s3], $0xF7A  }
0x26: {  	[smem:$0x3F7E] =	sst s1;
	(tag) =	ssettag s2;
	_ =	strace s9  }
0x27: {  	s1 =	sld [smem:$0x3F8E]  }
0x28: {  	s2 =	sld [smem:$0x3F8F]  }
0x29: {  	s4 =	sld [smem:$0x3F91]  }
0x2a: {  	p0 =	seq.s32 s5, $0x0;
	s5 =	sld [smem:$0x3F92]  }
0x2b: {  	s6 =	sld [smem:$0x3F93]  }
0x2c: {  	s7 =	sld [smem:$0x3F94]  }
0x2d: {  	s3 =	simm.s32 $0x108;
	s8 =	sld [smem:$0x3F95]  }
0x2e: {  	s3 =	simm.s32 @!p0 $0x1082;
	s9 =	sld [smem:$0x3F96]  }
0x2f: {  	lr =	sadd.s32 s0, s3;
	s0 =	sld [smem:$0x3F8D]  }
0x30: {  	s3 =	sld [smem:$0x3F90]  }
0x31: {  	[smem:$0x3F99] =	sst s10  }
0x32: {  	s10 =	sld [smem:$0x3F97];
	_ =	sdelay $0x3  }
0x33: {  	p0 =	seq.s32 s10, $0x1;
	s10 =	sld [smem:$0x3F99];
	_ =	sdelay $0x3  }
0x34: {  	[smem:$0x3F99] =	sst s10  }
0x35: {  	s10 =	sld [smem:$0x3F98];
	_ =	sdelay $0x3  }
0x36: {  	p1 =	seq.s32 s10, $0x1;
	s10 =	sld [smem:$0x3F99];
	_ =	sdelay $0x3  }
0x37: {  	[smem:$0x3F99] =	sst s10  }
0x38: {  	s10 =	sld [smem:$0x3F9A]  }
0x39: {  	_ = 	snop;
	(pc) =	sbr.ind lr, $3  }
0x3a: {  	_ = 	snop  }
0x3b: {  	_ = 	snop  }
0x3c: {  	p2 =	seq.s32 s10, $0x1;
	s10 =	sld [smem:$0x3F99]  }
0x3d: {  	_ =	shalt  }
0x3e: {  	_ =	shalt  }
0x3f: {  	_ =	shalt  }
0x40: {  	_ =	shalt  }
0x41: {  	_ =	shalt  }
0x42: {  	_ =	shalt  }
0x43: {  	_ =	shalt  }
0x44: {  	_ =	shalt  }
0x45: {  	_ =	shalt  }
0x46: {  	_ =	shalt  }
0x47: {  	_ =	shalt  }
0x48: {  	_ =	shalt  }
0x49: {  	_ =	shalt  }
0x4a: {  	_ =	shalt  }
0x4b: {  	_ =	shalt  }
0x4c: {  	_ =	shalt  }
0x4d: {  	_ =	shalt  }
0x4e: {  	_ =	shalt  }
0x4f: {  	_ =	shalt  }
0x50: {  	_ =	shalt  }
0x51: {  	_ =	shalt  }
0x52: {  	_ =	shalt  }
0x53: {  	_ =	shalt  }
0x54: {  	_ =	shalt  }
0x55: {  	_ =	shalt  }
0x56: {  	_ =	shalt  }
0x57: {  	_ =	shalt  }
0x58: {  	_ =	shalt  }
0x59: {  	_ =	shalt  }
0x5a: {  	_ =	shalt  }
0x5b: {  	_ =	shalt  }
0x5c: {  	_ =	shalt  }
0x5d: {  	_ =	shalt  }
0x5e: {  	_ =	shalt  }
0x5f: {  	_ =	shalt  }
0x60: {  	_ =	shalt  }
0x61: {  	_ =	shalt  }
0x62: {  	_ =	shalt  }
0x63: {  	_ =	shalt  }
0x64: {  	_ =	shalt  }
0x65: {  	_ =	shalt  }
0x66: {  	_ =	shalt  }
0x67: {  	_ =	shalt  }
0x68: {  	_ =	shalt  }
0x69: {  	_ =	shalt  }
0x6a: {  	_ =	shalt  }
0x6b: {  	_ =	shalt  }
0x6c: {  	_ =	shalt  }
0x6d: {  	_ =	shalt  }
0x6e: {  	_ =	shalt  }
0x6f: {  	_ =	shalt  }
0x70: {  	_ =	shalt  }
0x71: {  	_ =	shalt  }
0x72: {  	_ =	shalt  }
0x73: {  	_ =	shalt  }
0x74: {  	_ =	shalt  }
0x75: {  	_ =	shalt  }
0x76: {  	_ =	shalt  }
0x77: {  	_ =	shalt  }
0x78: {  	_ =	shalt  }
0x79: {  	_ =	shalt  }
0x7a: {  	_ =	shalt  }
0x7b: {  	_ =	shalt  }
0x7c: {  	_ =	shalt  }
0x7d: {  	_ =	shalt  }
0x7e: {  	_ =	shalt  }
0x7f: {  	_ =	shalt  }
0x80: {  	_ =	shalt  }
0x81: {  	_ =	shalt  }
0x82: {  	_ =	shalt  }
0x83: {  	_ =	shalt  }
0x84: {  	_ =	shalt  }
0x85: {  	_ =	shalt  }
0x86: {  	_ =	shalt  }
0x87: {  	_ =	shalt  }
.Lfunc_end0:
.L_simem_size_0:
called_computation_lowered:
.L_overlay_start_0:
0x88: {  	s2 =	sld [smem:$0x3FD9]  }
0x89: {  	s3 =	sld [smem:$0x3FFE];
	_ =	sdelay $0x1  }
0x8a: {  	s1 =	srdreg.scid  }
0x8b: {  	s0 =	sand.u32 $0x1, s1  }
0x8c: {  	s16 =	sshll.u32 s0, $0xA;
	s2 =	sadd.s32 s3, s2  }
0x8d: {  	s2 =	sadd.s32 s2, s16  }
0x8e: {  	[smem:$0x3FA5] =	sst s2  }
0x8f: {  	_ = 	snop  }
0x90: {  	(tm) =	ssettm $0x1  }
0x91: {  	s17 =	sld [smem:$0x3FFB];
	_ =	sdelay $0x3  }
0x92: {  	_ =	strace s17  }
0x93: {  	s2 =	sld [smem:$0x3FFC];
	_ =	sdelay $0x3  }
0x94: {  	_ =	strace s2  }
0x95: {  	s2 =	sld [smem:$0x3FFD];
	_ =	sdelay $0x3  }
0x96: {  	_ =	strace s2  }
0x97: {  	_ =	strace $0x8FFFFFFF  }
0x98: {  	s18 =	sld [smem:$0x3FDB];
	_ =	sdelay $0x1  }
0x99: {  	s19 =	simm.s32 $_scs_section_size  }
0x9a: {  	s4 =	simm.s32 $_size__tile_overlayer_lowered;
	s5 =	simm.s32 $_tile_overlayer_lowered  }
0x9b: {  	s22 =	simm.s32 $0x1BFF;
	s21 =	sshll.u32 s5, $0x1;
	s2 =	sadd.s32 s19, s18  }
0x9c: {  	s6 =	simm.s32 $0x0;
	s20 =	sshll.u32 s4, $0x1;
	s4 =	sadd.s32 s21, s2  }
0x9d: {  	[timem:s6], [sflag:s22] =	dma.local [hbm:s4], s20  }
0x9e: {  	_ =	swait.ge [sflag:s22], s20  }
0x9f: {  	s3 =	ssub.s32 $0x0, s20;
	[sflag:s22] =	ssyncset.done $0x0  }
0xa0: {  	[sflag:s22] =	ssyncadd.s32 s3;
	_ =	sdelay $0x1  }
0xa1: {  	s23 =	simm.s32 $0x1B8B  }
0xa2: {  	_ =	swait.ge [sflag:s23], $0x1  }
0xa3: {  	[sflag:s23] =	ssyncset.done $0x0  }
0xa4: {  	s25 =	simm.s32 $0x1B8E;
	s24 =	sld [smem:$0x3FFE];
	[sflag:s23] =	ssyncadd.s32 $0xFFFFFFFF  }
0xa5: {  	s26 =	simm.s32 $execute0_lowered;
	[smem:$0x3FD2] =	sst s25  }
0xa6: {  	s4 =	sshll.u32 s26, $0x1;
	_ =	strace $0x80000046;
	[dreg:$0x1] =	wrdreg $0xFFFFFFFF  }
0xa7: {  	s28 =	simm.s32 $_size_execute0_lowered;
	s2 =	sadd.s32 s2, s4;
	[dreg:$0x0] =	wrdreg $0x0  }
0xa8: {  	s4 =	sshll.u32 s28, $0x1;
	[dreg:$0x2] =	wrdreg s2  }
0xa9: {  	[dreg:$0x3] =	wrdreg s4  }
0xaa: {  	[dreg:$0x4] =	wrdreg $0xC0  }
0xab: {  	_ =	task [dreg:s6], $0x5FFFF  }
0xac: {  	[dreg:$0x1] =	wrdreg $0xFFFFFFFF  }
0xad: {  	[dreg:$0x0] =	wrdreg $0x60  }
0xae: {  	[dreg:$0x2] =	wrdreg s24  }
0xaf: {  	[dreg:$0x3] =	wrdreg $0x9  }
0xb0: {  	_ =	task.clear_ibuf [dreg:s6], $0x4FFFF;
	_ =	strace $0x90000046  }
0xb1: {  	s29 =	simm.s32 $0x9;
	_ =	strace $0x80000048  }
0xb2: {  	_ =	swait.ge [sflag:s29], $0x1  }
0xb3: {  	[sflag:s29] =	ssyncadd.s32 $0xFFFFFFFF  }
0xb4: {  	_ =	strace $0x90000048  }
0xb5: {  	_ =	sfence  }
0xb6: {  	s30 =	sld [smem:$0x0];
	_ =	sdelay $0x2  }
0xb7: {  	s31 =	sshll.u32 s1, $0xD;
	s1 =	sshrl.u32 s1, $0x2  }
0xb8: {  	s3 =	sand.u32 $0x4000, s31;
	s1 =	sadd.s32 s1, s30  }
0xb9: {  	s0 =	sor.u32 s3, s0;
	s1 =	sshll.u32 s1, $0x11  }
0xba: {  	s0 =	sor.u32 s1, s0  }
0xbb: {  	s0 =	sadd.s32 $0x8F2B, s0  }
0xbc: {  	[sflag:s0] =	ssyncadd.remote.s32 $0x1  }
0xbd: {  	_ =	sfence.sel $0xFFFF  }
0xbe: {  	[dreg:$0x0] =	wrdreg $0xFFFFFFFF;
	(pc) =	sbr.abs _section_cstart, $3  }
0xbf: {  	[dreg:$0x1] =	wrdreg $0xFFFFFFFF  }
0xc0: {  	_ =	task.clear_ibuf [dreg:s6], $0x2FFFF;
	_ =	strace $0x9FFFFFFF  }
0xc1: {  	(tm) =	ssettm $0x7FFFFFFF  }
tec
execute0_lowered:
.L_overlay_start_1:
0x0: {  	(tag) =	ssettag $0x1  }
0x1: {  	s4 =	rddreg [dreg:$0x0];
	s2 =	srdreg.scid  }
0x2: {  	s0 =	rddreg [dreg:$0x1];
	s1 =	stileid.u32  }
0x3: {  	s13 =	simm.s32 $0x4000;
	s14 =	simm.s32 $0x4800;
	s15 =	simm.s32 $0x100  }
0x4: {  	s16 =	simm.s32 $0x5000;
	s17 =	simm.s32 $0x5800;
	s18 =	simm.s32 $0x1  }
0x5: {  	s19 =	simm.s32 $0x3F80;
	s20 =	simm.s32 $0x0;
	s9 =	sand.u32 $0x1, s2  }
0x6: {  	s2 =	simm.s32 $0x0;
	s3 =	sshll.u32 s1, $0xF;
	s10 =	sadd.s32 $0x225A00, s4  }
0x7: {  	s12 =	sshll.u32 s1, $0x10;
	s5 =	sshll.u32 s9, $0xE;
	[smem:$0x7FF] =	sst s2  }
0x8: {  	s7 =	ssub.s32 $0x2, s9;
	s31 =	sshll.u32 s9, $0xF;
	s5 =	sor.u32 s5, s3  }
0x9: {  	_ =	strace $0x80000047;
	s3 =	sadd.s32 $0x205A00, s4;
	s8 =	sshrl.u32 s7, $0x1  }
0xa: {  	s6 =	sshrl.u32 s5, $0x3;
	s7 =	ssub.s32 s7, s8;
	s5 =	sshll.u32 s5, $0x1  }
0xb: {  	s6 =	sadd.s32 s6, s4;
	s11 =	sadd.s32 s10, s5;
	s5 =	smax.u32 s7, $0x1  }
0xc: {  	s10 =	sadd.s32 s12, s10;
	s12 =	simm.s32 $0x80;
	s4 =	sadd.s32 $0x115A00, s6  }
0xd: {  	s6 =	sadd.s32 $0x7C00, s11;
	s7 =	sadd.s32 $0x7D00, s11;
	s8 =	sadd.s32 $0x7E00, s11  }
0xe: {  	s9 =	sadd.s32 $0x7F00, s11;
	s10 =	sadd.s32 s31, s10;
	s11 =	simm.s32 $0x2  }
.LBB2_1:
0xf: {  	[tilespmem:s2], [sflag:$0x2] =	stream.linear.gather [hbm4b:s4+s2], $0x4000, $0x38;
	[tilespmem:$0x6000] =	vst v63  }
0x10: {  	_ =	swait.ge [sflag:s11], $0x4000  }
0x11: {  	[sflag:s11] =	ssyncset.done $0x0  }
0x12: {  	[sflag:s11] =	ssyncadd.s32 $0xFFFFC000  }
0x13: {  	[tilespmem:s13], [sflag:$0x1] =	stream.indirect.gather [hbm4b:s3+s12], $0x10, s2, s12, $0xb8;
	[tilespmem:$0x6000] =	vst v63  }
0x14: {  	_ = 	snop  }
0x15: {  	[tilespmem:s14], [sflag:$0x1] =	stream.indirect.gather [hbm4b:s3+s12], $0x10, s12, s12, $0xb8;
	[tilespmem:$0x6000] =	vst v63  }
0x16: {  	_ = 	snop  }
0x17: {  	[tilespmem:s16], [sflag:$0x1] =	stream.indirect.gather [hbm4b:s3+s12], $0x10, s15, s12, $0xb8;
	[tilespmem:$0x6000] =	vst v63  }
0x18: {  	s21 =	simm.s32 $0x180  }
0x19: {  	[tilespmem:s17], [sflag:$0x1] =	stream.indirect.gather [hbm4b:s3+s12], $0x10, s21, s12, $0xb8;
	[tilespmem:$0x6000] =	vst v63  }
0x1a: {  	_ =	swait.ge [sflag:s18], $0x800  }
0x1b: {  	[sflag:s18] =	ssyncset.done $0x0  }
0x1c: {  	s22 =	sadd.s32 $0x0, s10;
	[sflag:s18] =	ssyncadd.s32 $0xFFFFF800  }
0x1d: {  	[hbm4b:s22+s2] =	stream.linear.scatter [tilespmem:s13], [sflag:$0x2], $0x800, $0x38;
	[tilespmem:$0x6000] =	vst v63  }
0x1e: {  	_ =	swait.ge [sflag:s11], $0x800  }
0x1f: {  	[sflag:s11] =	ssyncset.done $0x0  }
0x20: {  	s23 =	simm.s32 $0x200;
	[sflag:s11] =	ssyncadd.s32 $0xFFFFF800  }
0x21: {  	[tilespmem:s13], [sflag:$0x1] =	stream.indirect.gather [hbm4b:s3+s12], $0x10, s23, s12, $0xb8;
	[tilespmem:$0x6000] =	vst v63  }
0x22: {  	_ =	swait.ge [sflag:s18], $0x800  }
0x23: {  	[sflag:s18] =	ssyncset.done $0x0  }
0x24: {  	s28 =	sadd.s32 $0x100, s22;
	[sflag:s18] =	ssyncadd.s32 $0xFFFFF800  }
0x25: {  	[hbm4b:s28+s2] =	stream.linear.scatter [tilespmem:s14], [sflag:$0x2], $0x800, $0x38;
	[tilespmem:$0x6000] =	vst v63  }
0x26: {  	_ =	swait.ge [sflag:s11], $0x800  }
0x27: {  	[sflag:s11] =	ssyncset.done $0x0  }
0x28: {  	s29 =	simm.s32 $0x280;
	[sflag:s11] =	ssyncadd.s32 $0xFFFFF800  }
0x29: {  	[tilespmem:s14], [sflag:$0x1] =	stream.indirect.gather [hbm4b:s3+s12], $0x10, s29, s12, $0xb8;
	[tilespmem:$0x6000] =	vst v63  }
0x2a: {  	_ =	swait.ge [sflag:s18], $0x800  }
0x2b: {  	[sflag:s18] =	ssyncset.done $0x0  }
0x2c: {  	s30 =	sadd.s32 $0x200, s22;
	[sflag:s18] =	ssyncadd.s32 $0xFFFFF800  }
0x2d: {  	[hbm4b:s30+s2] =	stream.linear.scatter [tilespmem:s16], [sflag:$0x2], $0x800, $0x38;
	[tilespmem:$0x6000] =	vst v63  }
0x2e: {  	_ =	swait.ge [sflag:s11], $0x800  }
0x2f: {  	[sflag:s11] =	ssyncset.done $0x0  }
0x30: {  	s31 =	simm.s32 $0x300;
	[sflag:s11] =	ssyncadd.s32 $0xFFFFF800  }
0x31: {  	[tilespmem:s16], [sflag:$0x1] =	stream.indirect.gather [hbm4b:s3+s12], $0x10, s31, s12, $0xb8;
	[tilespmem:$0x6000] =	vst v63  }
0x32: {  	_ =	swait.ge [sflag:s18], $0x800  }
0x33: {  	[sflag:s18] =	ssyncset.done $0x0  }
0x34: {  	s22 =	sadd.s32 $0x300, s22;
	[sflag:s18] =	ssyncadd.s32 $0xFFFFF800  }
0x35: {  	[hbm4b:s22+s2] =	stream.linear.scatter [tilespmem:s17], [sflag:$0x2], $0x800, $0x38;
	[tilespmem:$0x6000] =	vst v63  }
0x36: {  	_ =	swait.ge [sflag:s11], $0x800  }
0x37: {  	s22 =	simm.s32 $0x400;
	[sflag:s11] =	ssyncset.done $0x0  }
.LBB2_2:
0x38: {  	p0 =	sne.s32 s22, $0x7800;
	[sflag:s11] =	ssyncadd.s32 $0xFFFFF800;
	s21 =	sadd.s32 $0x200, s21  }
0x39: {  	[tilespmem:s17], [sflag:$0x1] =	stream.indirect.gather [hbm4b:s3+s12], $0x10, s21, s12, $0xb8;
	[tilespmem:$0x6000] =	vst v63  }
0x3a: {  	s23 =	smov.u32 s22;
	s22 =	sadd.s32 $0x400, s22;
	_ =	swait.ge [sflag:s18], $0x800  }
0x3b: {  	[sflag:s18] =	ssyncset.done $0x0  }
0x3c: {  	s23 =	sadd.s32 s23, s10;
	[sflag:s18] =	ssyncadd.s32 $0xFFFFF800  }
0x3d: {  	[hbm4b:s23+s2] =	stream.linear.scatter [tilespmem:s13], [sflag:$0x2], $0x800, $0x38;
	[tilespmem:$0x6000] =	vst v63  }
0x3e: {  	_ =	swait.ge [sflag:s11], $0x800  }
0x3f: {  	[sflag:s11] =	ssyncset.done $0x0  }
0x40: {  	s24 =	sadd.s32 $0x80, s21;
	[sflag:s11] =	ssyncadd.s32 $0xFFFFF800  }
0x41: {  	[tilespmem:s13], [sflag:$0x1] =	stream.indirect.gather [hbm4b:s3+s12], $0x10, s24, s12, $0xb8;
	[tilespmem:$0x6000] =	vst v63  }
0x42: {  	_ =	swait.ge [sflag:s18], $0x800  }
0x43: {  	[sflag:s18] =	ssyncset.done $0x0  }
0x44: {  	s24 =	sadd.s32 $0x100, s23;
	[sflag:s18] =	ssyncadd.s32 $0xFFFFF800  }
0x45: {  	[hbm4b:s24+s2] =	stream.linear.scatter [tilespmem:s14], [sflag:$0x2], $0x800, $0x38;
	[tilespmem:$0x6000] =	vst v63  }
0x46: {  	_ =	swait.ge [sflag:s11], $0x800  }
0x47: {  	[sflag:s11] =	ssyncset.done $0x0  }
0x48: {  	s24 =	sadd.s32 $0x100, s21;
	[sflag:s11] =	ssyncadd.s32 $0xFFFFF800  }
0x49: {  	[tilespmem:s14], [sflag:$0x1] =	stream.indirect.gather [hbm4b:s3+s12], $0x10, s24, s12, $0xb8;
	[tilespmem:$0x6000] =	vst v63  }
0x4a: {  	_ =	swait.ge [sflag:s18], $0x800  }
0x4b: {  	[sflag:s18] =	ssyncset.done $0x0  }
0x4c: {  	s24 =	sadd.s32 $0x200, s23;
	[sflag:s18] =	ssyncadd.s32 $0xFFFFF800  }
0x4d: {  	[hbm4b:s24+s2] =	stream.linear.scatter [tilespmem:s16], [sflag:$0x2], $0x800, $0x38;
	[tilespmem:$0x6000] =	vst v63  }
0x4e: {  	_ =	swait.ge [sflag:s11], $0x800  }
0x4f: {  	[sflag:s11] =	ssyncset.done $0x0  }
0x50: {  	s24 =	sadd.s32 $0x180, s21;
	[sflag:s11] =	ssyncadd.s32 $0xFFFFF800  }
0x51: {  	[tilespmem:s16], [sflag:$0x1] =	stream.indirect.gather [hbm4b:s3+s12], $0x10, s24, s12, $0xb8;
	[tilespmem:$0x6000] =	vst v63  }
0x52: {  	_ =	swait.ge [sflag:s18], $0x800  }
.Ltmp0:
0x53: {  	[sflag:s18] =	ssyncset.done $0x0;
	(pc) =	sbr.rel @p0 .LBB2_2-.Ltmp0, $4  }
0x54: {  	s23 =	sadd.s32 $0x300, s23;
	[sflag:s18] =	ssyncadd.s32 $0xFFFFF800  }
0x55: {  	[hbm4b:s23+s2] =	stream.linear.scatter [tilespmem:s17], [sflag:$0x2], $0x800, $0x38;
	[tilespmem:$0x6000] =	vst v63  }
0x56: {  	_ =	swait.ge [sflag:s11], $0x800  }
0x57: {  	[sflag:s11] =	ssyncset.done $0x0  }
0x58: {  	[sflag:s11] =	ssyncadd.s32 $0xFFFFF800  }
0x59: {  	[tilespmem:s17], [sflag:$0x1] =	stream.indirect.gather [hbm4b:s3+s12], $0x10, s19, s12, $0xb8;
	[tilespmem:$0x6000] =	vst v63  }
0x5a: {  	_ =	swait.ge [sflag:s18], $0x800  }
0x5b: {  	[sflag:s18] =	ssyncset.done $0x0  }
0x5c: {  	[sflag:s18] =	ssyncadd.s32 $0xFFFFF800  }
0x5d: {  	[hbm4b:s6+s2] =	stream.linear.scatter [tilespmem:s13], [sflag:$0x2], $0x800, $0x38;
	[tilespmem:$0x6000] =	vst v63  }
0x5e: {  	_ =	swait.ge [sflag:s11], $0x800  }
0x5f: {  	[sflag:s11] =	ssyncset.done $0x0  }
0x60: {  	[sflag:s11] =	ssyncadd.s32 $0xFFFFF800  }
0x61: {  	_ =	swait.ge [sflag:s18], $0x800  }
0x62: {  	[sflag:s18] =	ssyncset.done $0x0  }
0x63: {  	[sflag:s18] =	ssyncadd.s32 $0xFFFFF800  }
0x64: {  	[hbm4b:s7+s2] =	stream.linear.scatter [tilespmem:s14], [sflag:$0x2], $0x800, $0x38;
	[tilespmem:$0x6000] =	vst v63  }
0x65: {  	_ =	swait.ge [sflag:s11], $0x800  }
0x66: {  	[sflag:s11] =	ssyncset.done $0x0  }
0x67: {  	[sflag:s11] =	ssyncadd.s32 $0xFFFFF800  }
0x68: {  	_ =	swait.ge [sflag:s18], $0x800  }
0x69: {  	[sflag:s18] =	ssyncset.done $0x0  }
0x6a: {  	[sflag:s18] =	ssyncadd.s32 $0xFFFFF800  }
0x6b: {  	[hbm4b:s8+s2] =	stream.linear.scatter [tilespmem:s16], [sflag:$0x2], $0x800, $0x38;
	[tilespmem:$0x6000] =	vst v63  }
0x6c: {  	_ =	swait.ge [sflag:s11], $0x800  }
0x6d: {  	[sflag:s11] =	ssyncset.done $0x0  }
0x6e: {  	[sflag:s11] =	ssyncadd.s32 $0xFFFFF800  }
0x6f: {  	s20 =	sadd.s32 $0x1, s20;
	_ =	swait.ge [sflag:s18], $0x800  }
0x70: {  	p0 =	sne.s32 s20, s5;
	[sflag:s18] =	ssyncset.done $0x0  }
.Ltmp1:
0x71: {  	[sflag:s18] =	ssyncadd.s32 $0xFFFFF800;
	(pc) =	sbr.rel @p0 .LBB2_1-.Ltmp1, $4  }
0x72: {  	[hbm4b:s9+s2] =	stream.linear.scatter [tilespmem:s17], [sflag:$0x2], $0x800, $0x38;
	[tilespmem:$0x6000] =	vst v63  }
0x73: {  	_ =	swait.ge [sflag:s11], $0x800  }
0x74: {  	[sflag:s11] =	ssyncset.done $0x0  }
0x75: {  	[sflag:s11] =	ssyncadd.s32 $0xFFFFF800  }
0x76: {  	_ =	sfence.sel $0x180000  }
0x77: {  	[bflag:$0x0] =	sbarrier.arrive $0xFFFF  }
0x78: {  	p0 =	sne.s32 s1, $0x0;
	_ =	strace $0x90000047  }
0x79: {  	s0 =	sadd.s32 @!p0 $0x100000, s0;
	[bflag:$0x2] =	sbarrier.arrive $0xFFFF  }
0x7a: {  	[sflag:s0] =	ssyncadd.tile.s32 @!p0 $0x1;
	_ =	shalt  }
.Lfunc_end2:
_tile_overlayer_lowered:
.L_overlay_start_2:
0x7b: {  	(tag) =	ssettag $0x2  }
0x7c: {  	s0 =	rddreg [dreg:$0x0];
	s2 =	stileid.u32  }
0x7d: {  	s1 =	rddreg [dreg:$0x1];
	p0 =	sne.s32 s2, $0x0  }
0x7e: {  	s3 =	rddreg [dreg:$0x2];
	[bflag:$0x3] =	sbarrier.arrive $0xFFFF;
	s2 =	simm.s32 @!p0 $0x1C02  }
0x7f: {  	[timem:s3], [sflag:s2] =	dma.local @!p0 [hbm:s0], s1  }
0x80: {  	s0 =	simm.s32 @!p0 $0x2  }
0x81: {  	_ =	swait.ge @!p0 [sflag:s0], s1  }
0x82: {  	s1 =	ssub.s32 @!p0 $0x0, s1;
	[sflag:s0] =	ssyncset.done @!p0 $0x0  }
0x83: {  	[sflag:s0] =	ssyncadd.s32 @!p0 s1  }
0x84: {  	[bflag:$0x3] =	sbarrier.arrive $0xFFFF  }
0x85: {  	_ =	shalt  }

// kernel: kernel.13.cloned.1.call-start
scs
__scs_entry_jumppad:
0x0: {  	(pc) =	sbr.rel $0x88, $3  }
0x1: {  	(tag) =	ssettag $0x0;
	lr =	simm.s32 $0x1  }
0x2: {  	[smem:$0x3F7E] =	sst lr;
	_ =	strace $0xD0000000  }
0x3: {  	_ = 	snop  }
0x4: {  	_ = 	snop  }
0x5: {  	_ = 	snop  }
0x6: {  	_ = 	snop  }
0x7: {  	_ = 	snop  }
__scs_overlays_trampoline_lowered:
0x8: {  	[smem:$0x3F8D] =	sst s0  }
0x9: {  	[smem:$0x3F8E] =	sst s1  }
0xa: {  	[smem:$0x3F8F] =	sst s2  }
0xb: {  	[smem:$0x3F90] =	sst s3  }
0xc: {  	[smem:$0x3F91] =	sst s4  }
0xd: {  	[smem:$0x3F92] =	sst s5  }
0xe: {  	[smem:$0x3F93] =	sst s6  }
0xf: {  	[smem:$0x3F94] =	sst s7  }
0x10: {  	[smem:$0x3F95] =	sst s8  }
0x11: {  	[smem:$0x3F96] =	sst s9;
	s0 =	simm.s32 @!p0 $0x0  }
0x12: {  	s1 =	sld [smem:$0x3F7C];
	s0 =	simm.s32 @p0 $0x1  }
0x13: {  	[smem:$0x3F97] =	sst s0;
	s0 =	simm.s32 @!p1 $0x0  }
0x14: {  	s2 =	sld [smem:$0x3F7B];
	s0 =	simm.s32 @p1 $0x1  }
0x15: {  	[smem:$0x3F98] =	sst s0;
	s0 =	simm.s32 @!p2 $0x0  }
0x16: {  	s3 =	sld [smem:$0x3FDB];
	s0 =	simm.s32 @p2 $0x1  }
0x17: {  	s4 =	simm.s32 $0x1BF5;
	[smem:$0x3F9A] =	sst s0  }
0x18: {  	s0 =	sld [smem:$0x3F7D];
	_ =	swait.ge [sflag:s4], $0x0  }
0x19: {  	s7 =	sld [smem:$0x3F7E]  }
0x1a: {  	s8 =	sadd.s32 $0xFFFFE003, lr  }
0x1b: {  	s9 =	sadd.s32 $0xFFFFFEF7, lr;
	s5 =	simm.s32 $0xFFFFFFFF;
	p2 =	slt.u32 s8, $0xFFFFF086  }
0x1c: {  	p1 =	slt.u32 s9, $0xF7A;
	s5 =	simm.s32 @!p2 $0x0  }
0x1d: {  	s5 =	simm.s32 @p1 $0x1;
	p0 =	seq.s32 s7, s2  }
0x1e: {  	s7 =	smul.u32 @!p0 $0xF7A, s2;
	p2 =	seq.s32 @!p0 s5, $0x0  }
0x1f: {  	s9 =	smul.u32 $0xF7A, s1;
	s8 =	simm.s32 @!p0 $0x1BF5;
	p2 =	por !p2, p0  }
0x20: {  	[sflag:s8] =	ssyncset.s32 @!p0 $0xFFFFF086;
	s6 =	sadd.s32 @!p0 s3, s7;
	s7 =	simm.s32 @!p0 $0x108  }
0x21: {  	s3 =	sadd.s32 s3, s9;
	s6 =	sadd.s32 @!p0 $0x88, s6;
	s7 =	simm.s32 @p2 $0x1082  }
0x22: {  	[simem:s7], [sflag:s8] =	dma.local @!p0 [hbm:s6], $0xF7A  }
0x23: {  	s9 =	sor.u32 $0xD0000000, s2;
	s6 =	simm.s32 $0x108;
	_ =	swait.ge @!p0 [sflag:s8], $0x0  }
0x24: {  	s3 =	sadd.s32 $0x88, s3;
	s6 =	simm.s32 @!p1 $0x1082;
	[sflag:s4] =	ssyncset.s32 $0xFFFFF086  }
0x25: {  	[simem:s6], [sflag:s4] =	dma.local [hbm:s3], $0xF7A  }
0x26: {  	[smem:$0x3F7E] =	sst s1;
	(tag) =	ssettag s2;
	_ =	strace s9  }
0x27: {  	s1 =	sld [smem:$0x3F8E]  }
0x28: {  	s2 =	sld [smem:$0x3F8F]  }
0x29: {  	s4 =	sld [smem:$0x3F91]  }
0x2a: {  	p0 =	seq.s32 s5, $0x0;
	s5 =	sld [smem:$0x3F92]  }
0x2b: {  	s6 =	sld [smem:$0x3F93]  }
0x2c: {  	s7 =	sld [smem:$0x3F94]  }
0x2d: {  	s3 =	simm.s32 $0x108;
	s8 =	sld [smem:$0x3F95]  }
0x2e: {  	s3 =	simm.s32 @!p0 $0x1082;
	s9 =	sld [smem:$0x3F96]  }
0x2f: {  	lr =	sadd.s32 s0, s3;
	s0 =	sld [smem:$0x3F8D]  }
0x30: {  	s3 =	sld [smem:$0x3F90]  }
0x31: {  	[smem:$0x3F99] =	sst s10  }
0x32: {  	s10 =	sld [smem:$0x3F97];
	_ =	sdelay $0x3  }
0x33: {  	p0 =	seq.s32 s10, $0x1;
	s10 =	sld [smem:$0x3F99];
	_ =	sdelay $0x3  }
0x34: {  	[smem:$0x3F99] =	sst s10  }
0x35: {  	s10 =	sld [smem:$0x3F98];
	_ =	sdelay $0x3  }
0x36: {  	p1 =	seq.s32 s10, $0x1;
	s10 =	sld [smem:$0x3F99];
	_ =	sdelay $0x3  }
0x37: {  	[smem:$0x3F99] =	sst s10  }
0x38: {  	s10 =	sld [smem:$0x3F9A]  }
0x39: {  	_ = 	snop;
	(pc) =	sbr.ind lr, $3  }
0x3a: {  	_ = 	snop  }
0x3b: {  	_ = 	snop  }
0x3c: {  	p2 =	seq.s32 s10, $0x1;
	s10 =	sld [smem:$0x3F99]  }
0x3d: {  	_ =	shalt  }
0x3e: {  	_ =	shalt  }
0x3f: {  	_ =	shalt  }
0x40: {  	_ =	shalt  }
0x41: {  	_ =	shalt  }
0x42: {  	_ =	shalt  }
0x43: {  	_ =	shalt  }
0x44: {  	_ =	shalt  }
0x45: {  	_ =	shalt  }
0x46: {  	_ =	shalt  }
0x47: {  	_ =	shalt  }
0x48: {  	_ =	shalt  }
0x49: {  	_ =	shalt  }
0x4a: {  	_ =	shalt  }
0x4b: {  	_ =	shalt  }
0x4c: {  	_ =	shalt  }
0x4d: {  	_ =	shalt  }
0x4e: {  	_ =	shalt  }
0x4f: {  	_ =	shalt  }
0x50: {  	_ =	shalt  }
0x51: {  	_ =	shalt  }
0x52: {  	_ =	shalt  }
0x53: {  	_ =	shalt  }
0x54: {  	_ =	shalt  }
0x55: {  	_ =	shalt  }
0x56: {  	_ =	shalt  }
0x57: {  	_ =	shalt  }
0x58: {  	_ =	shalt  }
0x59: {  	_ =	shalt  }
0x5a: {  	_ =	shalt  }
0x5b: {  	_ =	shalt  }
0x5c: {  	_ =	shalt  }
0x5d: {  	_ =	shalt  }
0x5e: {  	_ =	shalt  }
0x5f: {  	_ =	shalt  }
0x60: {  	_ =	shalt  }
0x61: {  	_ =	shalt  }
0x62: {  	_ =	shalt  }
0x63: {  	_ =	shalt  }
0x64: {  	_ =	shalt  }
0x65: {  	_ =	shalt  }
0x66: {  	_ =	shalt  }
0x67: {  	_ =	shalt  }
0x68: {  	_ =	shalt  }
0x69: {  	_ =	shalt  }
0x6a: {  	_ =	shalt  }
0x6b: {  	_ =	shalt  }
0x6c: {  	_ =	shalt  }
0x6d: {  	_ =	shalt  }
0x6e: {  	_ =	shalt  }
0x6f: {  	_ =	shalt  }
0x70: {  	_ =	shalt  }
0x71: {  	_ =	shalt  }
0x72: {  	_ =	shalt  }
0x73: {  	_ =	shalt  }
0x74: {  	_ =	shalt  }
0x75: {  	_ =	shalt  }
0x76: {  	_ =	shalt  }
0x77: {  	_ =	shalt  }
0x78: {  	_ =	shalt  }
0x79: {  	_ =	shalt  }
0x7a: {  	_ =	shalt  }
0x7b: {  	_ =	shalt  }
0x7c: {  	_ =	shalt  }
0x7d: {  	_ =	shalt  }
0x7e: {  	_ =	shalt  }
0x7f: {  	_ =	shalt  }
0x80: {  	_ =	shalt  }
0x81: {  	_ =	shalt  }
0x82: {  	_ =	shalt  }
0x83: {  	_ =	shalt  }
0x84: {  	_ =	shalt  }
0x85: {  	_ =	shalt  }
0x86: {  	_ =	shalt  }
0x87: {  	_ =	shalt  }
.Lfunc_end0:
.L_simem_size_0:
called_computation.1_lowered:
.L_overlay_start_0:
0x88: {  	s2 =	sld [smem:$0x3FD9]  }
0x89: {  	s3 =	sld [smem:$0x3FFE];
	_ =	sdelay $0x1  }
0x8a: {  	s1 =	srdreg.scid  }
0x8b: {  	s0 =	sand.u32 $0x1, s1  }
0x8c: {  	s16 =	sshll.u32 s0, $0xA;
	s2 =	sadd.s32 s3, s2  }
0x8d: {  	s2 =	sadd.s32 s2, s16  }
0x8e: {  	[smem:$0x3FA5] =	sst s2  }
0x8f: {  	_ = 	snop  }
0x90: {  	(tm) =	ssettm $0x1  }
0x91: {  	s17 =	sld [smem:$0x3FFB];
	_ =	sdelay $0x3  }
0x92: {  	_ =	strace s17  }
0x93: {  	s2 =	sld [smem:$0x3FFC];
	_ =	sdelay $0x3  }
0x94: {  	_ =	strace s2  }
0x95: {  	s2 =	sld [smem:$0x3FFD];
	_ =	sdelay $0x3  }
0x96: {  	_ =	strace s2  }
0x97: {  	_ =	strace $0x8FFFFFFF  }
0x98: {  	s18 =	sld [smem:$0x3FDB];
	_ =	sdelay $0x1  }
0x99: {  	s19 =	simm.s32 $_scs_section_size  }
0x9a: {  	s4 =	simm.s32 $_size__tile_overlayer_lowered;
	s5 =	simm.s32 $_tile_overlayer_lowered  }
0x9b: {  	s22 =	simm.s32 $0x1BFF;
	s21 =	sshll.u32 s5, $0x1;
	s2 =	sadd.s32 s19, s18  }
0x9c: {  	s6 =	simm.s32 $0x0;
	s20 =	sshll.u32 s4, $0x1;
	s4 =	sadd.s32 s21, s2  }
0x9d: {  	[timem:s6], [sflag:s22] =	dma.local [hbm:s4], s20  }
0x9e: {  	_ =	swait.ge [sflag:s22], s20  }
0x9f: {  	s3 =	ssub.s32 $0x0, s20;
	[sflag:s22] =	ssyncset.done $0x0  }
0xa0: {  	[sflag:s22] =	ssyncadd.s32 s3;
	_ =	sdelay $0x1  }
0xa1: {  	s23 =	simm.s32 $0x1B8B  }
0xa2: {  	_ =	swait.ge [sflag:s23], $0x1  }
0xa3: {  	[sflag:s23] =	ssyncset.done $0x0  }
0xa4: {  	s25 =	simm.s32 $0x1B8E;
	s24 =	sld [smem:$0x3FFE];
	[sflag:s23] =	ssyncadd.s32 $0xFFFFFFFF  }
0xa5: {  	s26 =	simm.s32 $execute0_lowered;
	[smem:$0x3FD2] =	sst s25  }
0xa6: {  	s4 =	sshll.u32 s26, $0x1;
	_ =	strace $0x80000049;
	[dreg:$0x1] =	wrdreg $0xFFFFFFFF  }
0xa7: {  	s28 =	simm.s32 $_size_execute0_lowered;
	s2 =	sadd.s32 s2, s4;
	[dreg:$0x0] =	wrdreg $0x0  }
0xa8: {  	s4 =	sshll.u32 s28, $0x1;
	[dreg:$0x2] =	wrdreg s2  }
0xa9: {  	[dreg:$0x3] =	wrdreg s4  }
0xaa: {  	[dreg:$0x4] =	wrdreg $0xC0  }
0xab: {  	_ =	task [dreg:s6], $0x5FFFF  }
0xac: {  	[dreg:$0x1] =	wrdreg $0xFFFFFFFF  }
0xad: {  	[dreg:$0x0] =	wrdreg $0x60  }
0xae: {  	[dreg:$0x2] =	wrdreg s24  }
0xaf: {  	[dreg:$0x3] =	wrdreg $0x9  }
0xb0: {  	_ =	task.clear_ibuf [dreg:s6], $0x4FFFF;
	_ =	strace $0x90000049  }
0xb1: {  	s29 =	simm.s32 $0x9;
	_ =	strace $0x8000004B  }
0xb2: {  	_ =	swait.ge [sflag:s29], $0x1  }
0xb3: {  	[sflag:s29] =	ssyncadd.s32 $0xFFFFFFFF  }
0xb4: {  	_ =	strace $0x9000004B  }
0xb5: {  	_ =	sfence  }
0xb6: {  	s30 =	sld [smem:$0x0];
	_ =	sdelay $0x2  }
0xb7: {  	s31 =	sshll.u32 s1, $0xD;
	s1 =	sshrl.u32 s1, $0x2  }
0xb8: {  	s3 =	sand.u32 $0x4000, s31;
	s1 =	sadd.s32 s1, s30  }
0xb9: {  	s0 =	sor.u32 s3, s0;
	s1 =	sshll.u32 s1, $0x11  }
0xba: {  	s0 =	sor.u32 s1, s0  }
0xbb: {  	s0 =	sadd.s32 $0x8F2B, s0  }
0xbc: {  	[sflag:s0] =	ssyncadd.remote.s32 $0x1  }
0xbd: {  	_ =	sfence.sel $0xFFFF  }
0xbe: {  	[dreg:$0x0] =	wrdreg $0xFFFFFFFF;
	(pc) =	sbr.abs _section_cstart, $3  }
0xbf: {  	[dreg:$0x1] =	wrdreg $0xFFFFFFFF  }
0xc0: {  	_ =	task.clear_ibuf [dreg:s6], $0x2FFFF;
	_ =	strace $0x9FFFFFFF  }
0xc1: {  	(tm) =	ssettm $0x7FFFFFFF  }
tec
execute0_lowered:
.L_overlay_start_1:
0x0: {  	(tag) =	ssettag $0x1  }
0x1: {  	s4 =	rddreg [dreg:$0x0]  }
0x2: {  	s0 =	rddreg [dreg:$0x1];
	s1 =	simm.s32 $0x0  }
0x3: {  	s5 =	srdreg.scid;
	s2 =	stileid.u32;
	s10 =	simm.s32 $0x5800  }
0x4: {  	s11 =	simm.s32 $0x100;
	s12 =	simm.s32 $0x7000;
	s13 =	simm.s32 $0x8800  }
0x5: {  	s14 =	simm.s32 $0x1;
	s15 =	simm.s32 $0x0;
	[smem:$0x7FF] =	sst s1  }
0x6: {  	s3 =	sadd.s32 $0x135A00, s4;
	s5 =	sand.u32 $0x1, s5;
	s6 =	sshll.u32 s2, $0xF  }
0x7: {  	s8 =	smul.u32 $0x30000, s2;
	_ =	strace $0x8000004A;
	s7 =	sshll.u32 s5, $0xE  }
0x8: {  	s29 =	ssub.s32 $0x2, s5;
	s5 =	smul.u32 $0x18000, s5;
	s6 =	sor.u32 s7, s6  }
0x9: {  	s8 =	sadd.s32 s8, s4;
	s9 =	sshrl.u32 s29, $0x1;
	s7 =	simm.s32 $0x2  }
0xa: {  	s6 =	sshrl.u32 s6, $0x3;
	s30 =	ssub.s32 s29, s9;
	s31 =	sadd.s32 s5, s8  }
0xb: {  	s8 =	simm.s32 $0x80;
	s9 =	simm.s32 $0x4000;
	s4 =	sadd.s32 s6, s4  }
0xc: {  	s5 =	smax.u32 s30, $0x1;
	s6 =	sadd.s32 $0x195A00, s31;
	s4 =	sadd.s32 $0x125A00, s4  }
.LBB2_1:
0xd: {  	[tilespmem:s1], [sflag:$0x2] =	stream.linear.gather [hbm4b:s4+s1], $0x4000, $0x38;
	[tilespmem:$0xA000] =	vst v63  }
0xe: {  	_ =	swait.ge [sflag:s7], $0x4000  }
0xf: {  	[sflag:s7] =	ssyncset.done $0x0  }
0x10: {  	[sflag:s7] =	ssyncadd.s32 $0xFFFFC000  }
0x11: {  	[tilespmem:s9], [sflag:$0x1] =	stream.indirect.gather [hbm4b:s3+s8], $0x30, s1, s8, $0xb8;
	[tilespmem:$0xA000] =	vst v63  }
0x12: {  	_ = 	snop  }
0x13: {  	[tilespmem:s10], [sflag:$0x1] =	stream.indirect.gather [hbm4b:s3+s8], $0x30, s8, s8, $0xb8;
	[tilespmem:$0xA000] =	vst v63  }
0x14: {  	_ = 	snop  }
0x15: {  	[tilespmem:s12], [sflag:$0x1] =	stream.indirect.gather [hbm4b:s3+s8], $0x30, s11, s8, $0xb8;
	[tilespmem:$0xA000] =	vst v63  }
0x16: {  	s16 =	simm.s32 $0x180  }
0x17: {  	[tilespmem:s13], [sflag:$0x1] =	stream.indirect.gather [hbm4b:s3+s8], $0x30, s16, s8, $0xb8;
	[tilespmem:$0xA000] =	vst v63  }
0x18: {  	_ =	swait.ge [sflag:s14], $0x1800  }
0x19: {  	[sflag:s14] =	ssyncset.done $0x0  }
0x1a: {  	[sflag:s14] =	ssyncadd.s32 $0xFFFFE800  }
0x1b: {  	[hbm4b:s6+s1] =	stream.linear.scatter [tilespmem:s9], [sflag:$0x2], $0x1800, $0x38;
	[tilespmem:$0xA000] =	vst v63  }
0x1c: {  	p0 =	por $0x0, $0x0;
	_ =	swait.ge [sflag:s7], $0x1800  }
0x1d: {  	s17 =	simm.s32 @!p0 $0x200;
	[sflag:s7] =	ssyncset.done $0x0  }
0x1e: {  	s18 =	simm.s32 @!p0 $0x80;
	s16 =	simm.s32 @!p0 $0x4000;
	[sflag:s7] =	ssyncadd.s32 $0xFFFFE800  }
0x1f: {  	[tilespmem:s16], [sflag:$0x1] =	stream.indirect.gather @!p0 [hbm4b:s3+s18], $0x30, s17, s18, $0xb8;
	[tilespmem:$0xA000] =	vst v63  }
0x20: {  	_ =	swait.ge [sflag:s14], $0x1800  }
0x21: {  	[sflag:s14] =	ssyncset.done $0x0  }
0x22: {  	s29 =	sadd.s32 $0x300, s6;
	[sflag:s14] =	ssyncadd.s32 $0xFFFFE800  }
0x23: {  	[hbm4b:s29+s1] =	stream.linear.scatter [tilespmem:s10], [sflag:$0x2], $0x1800, $0x38;
	[tilespmem:$0xA000] =	vst v63  }
0x24: {  	_ =	swait.ge [sflag:s7], $0x1800  }
0x25: {  	[sflag:s7] =	ssyncset.done $0x0  }
0x26: {  	s16 =	simm.s32 @!p0 $0x280;
	s17 =	simm.s32 @!p0 $0x5800;
	[sflag:s7] =	ssyncadd.s32 $0xFFFFE800  }
0x27: {  	[tilespmem:s17], [sflag:$0x1] =	stream.indirect.gather @!p0 [hbm4b:s3+s18], $0x30, s16, s18, $0xb8;
	[tilespmem:$0xA000] =	vst v63  }
0x28: {  	_ =	swait.ge [sflag:s14], $0x1800  }
0x29: {  	[sflag:s14] =	ssyncset.done $0x0  }
0x2a: {  	s30 =	sadd.s32 $0x600, s6;
	[sflag:s14] =	ssyncadd.s32 $0xFFFFE800  }
0x2b: {  	[hbm4b:s30+s1] =	stream.linear.scatter [tilespmem:s12], [sflag:$0x2], $0x1800, $0x38;
	[tilespmem:$0xA000] =	vst v63  }
0x2c: {  	_ =	swait.ge [sflag:s7], $0x1800  }
0x2d: {  	[sflag:s7] =	ssyncset.done $0x0  }
0x2e: {  	s16 =	simm.s32 @!p0 $0x300;
	s17 =	simm.s32 @!p0 $0x7000;
	[sflag:s7] =	ssyncadd.s32 $0xFFFFE800  }
0x2f: {  	[tilespmem:s17], [sflag:$0x1] =	stream.indirect.gather @!p0 [hbm4b:s3+s18], $0x30, s16, s18, $0xb8;
	[tilespmem:$0xA000] =	vst v63  }
0x30: {  	_ =	swait.ge [sflag:s14], $0x1800  }
0x31: {  	[sflag:s14] =	ssyncset.done $0x0  }
0x32: {  	s31 =	sadd.s32 $0x900, s6;
	[sflag:s14] =	ssyncadd.s32 $0xFFFFE800  }
0x33: {  	[hbm4b:s31+s1] =	stream.linear.scatter [tilespmem:s13], [sflag:$0x2], $0x1800, $0x38;
	[tilespmem:$0xA000] =	vst v63  }
0x34: {  	s19 =	simm.s32 $0x200;
	s18 =	simm.s32 $0x800;
	_ =	swait.ge [sflag:s7], $0x1800  }
0x35: {  	s17 =	simm.s32 $0x1000;
	s16 =	sadd.s32 $0xC00, s6;
	[sflag:s7] =	ssyncset.done $0x0  }
.LBB2_2:
0x36: {  	s19 =	sadd.s32 $0x180, s19  }
0x37: {  	[sflag:s7] =	ssyncadd.s32 $0xFFFFE800;
	s20 =	smov.u32 s17;
	s17 =	sadd.s32 $0x800, s17  }
0x38: {  	[tilespmem:s13], [sflag:$0x1] =	stream.indirect.gather [hbm4b:s3+s8], $0x30, s19, s8, $0xb8;
	[tilespmem:$0xA000] =	vst v63  }
0x39: {  	p0 =	sne.s32 s17, $0x10000;
	_ =	swait.ge [sflag:s14], $0x1800  }
0x3a: {  	[sflag:s14] =	ssyncset.done $0x0  }
0x3b: {  	[sflag:s14] =	ssyncadd.s32 $0xFFFFE800  }
0x3c: {  	[hbm4b:s16+s1] =	stream.linear.scatter [tilespmem:s9], [sflag:$0x2], $0x1800, $0x38;
	[tilespmem:$0xA000] =	vst v63  }
0x3d: {  	p1 =	seq.s32 s18, $0xF800;
	_ =	swait.ge [sflag:s7], $0x1800  }
0x3e: {  	s18 =	sshra.s32 @!p1 s18, $0x2;
	s19 =	simm.s32 @!p1 $0x4000;
	[sflag:s7] =	ssyncset.done $0x0  }
0x3f: {  	s22 =	simm.s32 @!p1 $0x80;
	s21 =	sadd.s32 @!p1 $0x200, s18;
	[sflag:s7] =	ssyncadd.s32 $0xFFFFE800  }
0x40: {  	[tilespmem:s19], [sflag:$0x1] =	stream.indirect.gather @!p1 [hbm4b:s3+s22], $0x30, s21, s22, $0xb8;
	[tilespmem:$0xA000] =	vst v63  }
0x41: {  	s19 =	sadd.s32 @!p1 $0x280, s18;
	s21 =	sadd.s32 @!p1 $0x300, s18;
	_ =	swait.ge [sflag:s14], $0x1800  }
0x42: {  	s18 =	smov.u32 s20;
	[sflag:s14] =	ssyncset.done $0x0  }
0x43: {  	s20 =	sadd.s32 $0x300, s16;
	[sflag:s14] =	ssyncadd.s32 $0xFFFFE800  }
0x44: {  	[hbm4b:s20+s1] =	stream.linear.scatter [tilespmem:s10], [sflag:$0x2], $0x1800, $0x38;
	[tilespmem:$0xA000] =	vst v63  }
0x45: {  	_ =	swait.ge [sflag:s7], $0x1800  }
0x46: {  	[sflag:s7] =	ssyncset.done $0x0  }
0x47: {  	s20 =	simm.s32 @!p1 $0x5800;
	[sflag:s7] =	ssyncadd.s32 $0xFFFFE800  }
0x48: {  	[tilespmem:s20], [sflag:$0x1] =	stream.indirect.gather @!p1 [hbm4b:s3+s22], $0x30, s19, s22, $0xb8;
	[tilespmem:$0xA000] =	vst v63  }
0x49: {  	_ =	swait.ge [sflag:s14], $0x1800  }
0x4a: {  	[sflag:s14] =	ssyncset.done $0x0  }
0x4b: {  	s19 =	sadd.s32 $0x600, s16;
	[sflag:s14] =	ssyncadd.s32 $0xFFFFE800  }
0x4c: {  	[hbm4b:s19+s1] =	stream.linear.scatter [tilespmem:s12], [sflag:$0x2], $0x1800, $0x38;
	[tilespmem:$0xA000] =	vst v63  }
0x4d: {  	_ =	swait.ge [sflag:s7], $0x1800  }
0x4e: {  	[sflag:s7] =	ssyncset.done $0x0  }
0x4f: {  	s19 =	simm.s32 @!p1 $0x7000;
	[sflag:s7] =	ssyncadd.s32 $0xFFFFE800  }
0x50: {  	[tilespmem:s19], [sflag:$0x1] =	stream.indirect.gather @!p1 [hbm4b:s3+s22], $0x30, s21, s22, $0xb8;
	[tilespmem:$0xA000] =	vst v63  }
0x51: {  	_ =	swait.ge [sflag:s14], $0x1800  }
.Ltmp0:
0x52: {  	[sflag:s14] =	ssyncset.done $0x0;
	(pc) =	sbr.rel @p0 .LBB2_2-.Ltmp0, $4  }
0x53: {  	s19 =	sadd.s32 $0x900, s16;
	[sflag:s14] =	ssyncadd.s32 $0xFFFFE800  }
0x54: {  	[hbm4b:s19+s1] =	stream.linear.scatter [tilespmem:s13], [sflag:$0x2], $0x1800, $0x38;
	[tilespmem:$0xA000] =	vst v63  }
0x55: {  	_ =	swait.ge [sflag:s7], $0x1800  }
0x56: {  	s16 =	sadd.s32 $0xC00, s16;
	s19 =	sshra.s32 s18, $0x2;
	[sflag:s7] =	ssyncset.done $0x0  }
0x57: {  	s17 =	sadd.s32 $0x180, s19;
	[sflag:s7] =	ssyncadd.s32 $0xFFFFE800  }
0x58: {  	[tilespmem:s13], [sflag:$0x1] =	stream.indirect.gather [hbm4b:s3+s8], $0x30, s17, s8, $0xb8;
	[tilespmem:$0xA000] =	vst v63  }
0x59: {  	_ =	swait.ge [sflag:s14], $0x1800  }
0x5a: {  	[sflag:s14] =	ssyncset.done $0x0  }
0x5b: {  	[sflag:s14] =	ssyncadd.s32 $0xFFFFE800  }
0x5c: {  	[hbm4b:s16+s1] =	stream.linear.scatter [tilespmem:s9], [sflag:$0x2], $0x1800, $0x38;
	[tilespmem:$0xA000] =	vst v63  }
0x5d: {  	p0 =	seq.s32 s18, $0xF800;
	_ =	swait.ge [sflag:s7], $0x1800  }
0x5e: {  	s17 =	sshra.s32 @!p0 s18, $0x2;
	s18 =	simm.s32 @!p0 $0x4000;
	[sflag:s7] =	ssyncset.done $0x0  }
0x5f: {  	s20 =	simm.s32 @!p0 $0x80;
	s19 =	sadd.s32 @!p0 $0x200, s17;
	[sflag:s7] =	ssyncadd.s32 $0xFFFFE800  }
0x60: {  	[tilespmem:s18], [sflag:$0x1] =	stream.indirect.gather @!p0 [hbm4b:s3+s20], $0x30, s19, s20, $0xb8;
	[tilespmem:$0xA000] =	vst v63  }
0x61: {  	_ =	swait.ge [sflag:s14], $0x1800  }
0x62: {  	[sflag:s14] =	ssyncset.done $0x0  }
0x63: {  	s29 =	sadd.s32 $0x300, s16;
	[sflag:s14] =	ssyncadd.s32 $0xFFFFE800  }
0x64: {  	[hbm4b:s29+s1] =	stream.linear.scatter [tilespmem:s10], [sflag:$0x2], $0x1800, $0x38;
	[tilespmem:$0xA000] =	vst v63  }
0x65: {  	_ =	swait.ge [sflag:s7], $0x1800  }
0x66: {  	[sflag:s7] =	ssyncset.done $0x0  }
0x67: {  	s18 =	sadd.s32 @!p0 $0x280, s17;
	s19 =	simm.s32 @!p0 $0x5800;
	[sflag:s7] =	ssyncadd.s32 $0xFFFFE800  }
0x68: {  	[tilespmem:s19], [sflag:$0x1] =	stream.indirect.gather @!p0 [hbm4b:s3+s20], $0x30, s18, s20, $0xb8;
	[tilespmem:$0xA000] =	vst v63  }
0x69: {  	_ =	swait.ge [sflag:s14], $0x1800  }
0x6a: {  	[sflag:s14] =	ssyncset.done $0x0  }
0x6b: {  	s30 =	sadd.s32 $0x600, s16;
	[sflag:s14] =	ssyncadd.s32 $0xFFFFE800  }
0x6c: {  	[hbm4b:s30+s1] =	stream.linear.scatter [tilespmem:s12], [sflag:$0x2], $0x1800, $0x38;
	[tilespmem:$0xA000] =	vst v63  }
0x6d: {  	_ =	swait.ge [sflag:s7], $0x1800  }
0x6e: {  	[sflag:s7] =	ssyncset.done $0x0  }
0x6f: {  	s17 =	sadd.s32 @!p0 $0x300, s17;
	s18 =	simm.s32 @!p0 $0x7000;
	[sflag:s7] =	ssyncadd.s32 $0xFFFFE800  }
0x70: {  	[tilespmem:s18], [sflag:$0x1] =	stream.indirect.gather @!p0 [hbm4b:s3+s20], $0x30, s17, s20, $0xb8;
	[tilespmem:$0xA000] =	vst v63  }
0x71: {  	s15 =	sadd.s32 $0x1, s15;
	_ =	swait.ge [sflag:s14], $0x1800  }
0x72: {  	p0 =	sne.s32 s15, s5;
	[sflag:s14] =	ssyncset.done $0x0  }
.Ltmp1:
0x73: {  	s31 =	sadd.s32 $0x900, s16;
	[sflag:s14] =	ssyncadd.s32 $0xFFFFE800;
	(pc) =	sbr.rel @p0 .LBB2_1-.Ltmp1, $4  }
0x74: {  	[hbm4b:s31+s1] =	stream.linear.scatter [tilespmem:s13], [sflag:$0x2], $0x1800, $0x38;
	[tilespmem:$0xA000] =	vst v63  }
0x75: {  	_ =	swait.ge [sflag:s7], $0x1800  }
0x76: {  	[sflag:s7] =	ssyncset.done $0x0  }
0x77: {  	[sflag:s7] =	ssyncadd.s32 $0xFFFFE800  }
0x78: {  	_ =	sfence.sel $0x180000  }
0x79: {  	[bflag:$0x0] =	sbarrier.arrive $0xFFFF  }
0x7a: {  	p0 =	sne.s32 s2, $0x0;
	_ =	strace $0x9000004A  }
0x7b: {  	s0 =	sadd.s32 @!p0 $0x100000, s0;
	[bflag:$0x2] =	sbarrier.arrive $0xFFFF  }
0x7c: {  	[sflag:s0] =	ssyncadd.tile.s32 @!p0 $0x1;
	_ =	shalt  }
.Lfunc_end2:
_tile_overlayer_lowered:
.L_overlay_start_2:
0x7d: {  	(tag) =	ssettag $0x2  }
0x7e: {  	s0 =	rddreg [dreg:$0x0];
	s2 =	stileid.u32  }
0x7f: {  	s1 =	rddreg [dreg:$0x1];
	p0 =	sne.s32 s2, $0x0  }
0x80: {  	s3 =	rddreg [dreg:$0x2];
	[bflag:$0x3] =	sbarrier.arrive $0xFFFF;
	s2 =	simm.s32 @!p0 $0x1C02  }
0x81: {  	[timem:s3], [sflag:s2] =	dma.local @!p0 [hbm:s0], s1  }
0x82: {  	s0 =	simm.s32 @!p0 $0x2  }
0x83: {  	_ =	swait.ge @!p0 [sflag:s0], s1  }
0x84: {  	s1 =	ssub.s32 @!p0 $0x0, s1;
	[sflag:s0] =	ssyncset.done @!p0 $0x0  }
0x85: {  	[sflag:s0] =	ssyncadd.s32 @!p0 s1  }
0x86: {  	[bflag:$0x3] =	sbarrier.arrive $0xFFFF  }
0x87: {  	_ =	shalt  }

// kernel: kernel.16.cloned.1.call-start
scs
__scs_entry_jumppad:
0x0: {  	(pc) =	sbr.rel $0x88, $3  }
0x1: {  	(tag) =	ssettag $0x0;
	lr =	simm.s32 $0x1  }
0x2: {  	[smem:$0x3F7E] =	sst lr;
	_ =	strace $0xD0000000  }
0x3: {  	_ = 	snop  }
0x4: {  	_ = 	snop  }
0x5: {  	_ = 	snop  }
0x6: {  	_ = 	snop  }
0x7: {  	_ = 	snop  }
__scs_overlays_trampoline_lowered:
0x8: {  	[smem:$0x3F8D] =	sst s0  }
0x9: {  	[smem:$0x3F8E] =	sst s1  }
0xa: {  	[smem:$0x3F8F] =	sst s2  }
0xb: {  	[smem:$0x3F90] =	sst s3  }
0xc: {  	[smem:$0x3F91] =	sst s4  }
0xd: {  	[smem:$0x3F92] =	sst s5  }
0xe: {  	[smem:$0x3F93] =	sst s6  }
0xf: {  	[smem:$0x3F94] =	sst s7  }
0x10: {  	[smem:$0x3F95] =	sst s8  }
0x11: {  	[smem:$0x3F96] =	sst s9;
	s0 =	simm.s32 @!p0 $0x0  }
0x12: {  	s1 =	sld [smem:$0x3F7C];
	s0 =	simm.s32 @p0 $0x1  }
0x13: {  	[smem:$0x3F97] =	sst s0;
	s0 =	simm.s32 @!p1 $0x0  }
0x14: {  	s2 =	sld [smem:$0x3F7B];
	s0 =	simm.s32 @p1 $0x1  }
0x15: {  	[smem:$0x3F98] =	sst s0;
	s0 =	simm.s32 @!p2 $0x0  }
0x16: {  	s3 =	sld [smem:$0x3FDB];
	s0 =	simm.s32 @p2 $0x1  }
0x17: {  	s4 =	simm.s32 $0x1BF5;
	[smem:$0x3F9A] =	sst s0  }
0x18: {  	s0 =	sld [smem:$0x3F7D];
	_ =	swait.ge [sflag:s4], $0x0  }
0x19: {  	s7 =	sld [smem:$0x3F7E]  }
0x1a: {  	s8 =	sadd.s32 $0xFFFFE003, lr  }
0x1b: {  	s9 =	sadd.s32 $0xFFFFFEF7, lr;
	s5 =	simm.s32 $0xFFFFFFFF;
	p2 =	slt.u32 s8, $0xFFFFF086  }
0x1c: {  	p1 =	slt.u32 s9, $0xF7A;
	s5 =	simm.s32 @!p2 $0x0  }
0x1d: {  	s5 =	simm.s32 @p1 $0x1;
	p0 =	seq.s32 s7, s2  }
0x1e: {  	s7 =	smul.u32 @!p0 $0xF7A, s2;
	p2 =	seq.s32 @!p0 s5, $0x0  }
0x1f: {  	s9 =	smul.u32 $0xF7A, s1;
	s8 =	simm.s32 @!p0 $0x1BF5;
	p2 =	por !p2, p0  }
0x20: {  	[sflag:s8] =	ssyncset.s32 @!p0 $0xFFFFF086;
	s6 =	sadd.s32 @!p0 s3, s7;
	s7 =	simm.s32 @!p0 $0x108  }
0x21: {  	s3 =	sadd.s32 s3, s9;
	s6 =	sadd.s32 @!p0 $0x88, s6;
	s7 =	simm.s32 @p2 $0x1082  }
0x22: {  	[simem:s7], [sflag:s8] =	dma.local @!p0 [hbm:s6], $0xF7A  }
0x23: {  	s9 =	sor.u32 $0xD0000000, s2;
	s6 =	simm.s32 $0x108;
	_ =	swait.ge @!p0 [sflag:s8], $0x0  }
0x24: {  	s3 =	sadd.s32 $0x88, s3;
	s6 =	simm.s32 @!p1 $0x1082;
	[sflag:s4] =	ssyncset.s32 $0xFFFFF086  }
0x25: {  	[simem:s6], [sflag:s4] =	dma.local [hbm:s3], $0xF7A  }
0x26: {  	[smem:$0x3F7E] =	sst s1;
	(tag) =	ssettag s2;
	_ =	strace s9  }
0x27: {  	s1 =	sld [smem:$0x3F8E]  }
0x28: {  	s2 =	sld [smem:$0x3F8F]  }
0x29: {  	s4 =	sld [smem:$0x3F91]  }
0x2a: {  	p0 =	seq.s32 s5, $0x0;
	s5 =	sld [smem:$0x3F92]  }
0x2b: {  	s6 =	sld [smem:$0x3F93]  }
0x2c: {  	s7 =	sld [smem:$0x3F94]  }
0x2d: {  	s3 =	simm.s32 $0x108;
	s8 =	sld [smem:$0x3F95]  }
0x2e: {  	s3 =	simm.s32 @!p0 $0x1082;
	s9 =	sld [smem:$0x3F96]  }
0x2f: {  	lr =	sadd.s32 s0, s3;
	s0 =	sld [smem:$0x3F8D]  }
0x30: {  	s3 =	sld [smem:$0x3F90]  }
0x31: {  	[smem:$0x3F99] =	sst s10  }
0x32: {  	s10 =	sld [smem:$0x3F97];
	_ =	sdelay $0x3  }
0x33: {  	p0 =	seq.s32 s10, $0x1;
	s10 =	sld [smem:$0x3F99];
	_ =	sdelay $0x3  }
0x34: {  	[smem:$0x3F99] =	sst s10  }
0x35: {  	s10 =	sld [smem:$0x3F98];
	_ =	sdelay $0x3  }
0x36: {  	p1 =	seq.s32 s10, $0x1;
	s10 =	sld [smem:$0x3F99];
	_ =	sdelay $0x3  }
0x37: {  	[smem:$0x3F99] =	sst s10  }
0x38: {  	s10 =	sld [smem:$0x3F9A]  }
0x39: {  	_ = 	snop;
	(pc) =	sbr.ind lr, $3  }
0x3a: {  	_ = 	snop  }
0x3b: {  	_ = 	snop  }
0x3c: {  	p2 =	seq.s32 s10, $0x1;
	s10 =	sld [smem:$0x3F99]  }
0x3d: {  	_ =	shalt  }
0x3e: {  	_ =	shalt  }
0x3f: {  	_ =	shalt  }
0x40: {  	_ =	shalt  }
0x41: {  	_ =	shalt  }
0x42: {  	_ =	shalt  }
0x43: {  	_ =	shalt  }
0x44: {  	_ =	shalt  }
0x45: {  	_ =	shalt  }
0x46: {  	_ =	shalt  }
0x47: {  	_ =	shalt  }
0x48: {  	_ =	shalt  }
0x49: {  	_ =	shalt  }
0x4a: {  	_ =	shalt  }
0x4b: {  	_ =	shalt  }
0x4c: {  	_ =	shalt  }
0x4d: {  	_ =	shalt  }
0x4e: {  	_ =	shalt  }
0x4f: {  	_ =	shalt  }
0x50: {  	_ =	shalt  }
0x51: {  	_ =	shalt  }
0x52: {  	_ =	shalt  }
0x53: {  	_ =	shalt  }
0x54: {  	_ =	shalt  }
0x55: {  	_ =	shalt  }
0x56: {  	_ =	shalt  }
0x57: {  	_ =	shalt  }
0x58: {  	_ =	shalt  }
0x59: {  	_ =	shalt  }
0x5a: {  	_ =	shalt  }
0x5b: {  	_ =	shalt  }
0x5c: {  	_ =	shalt  }
0x5d: {  	_ =	shalt  }
0x5e: {  	_ =	shalt  }
0x5f: {  	_ =	shalt  }
0x60: {  	_ =	shalt  }
0x61: {  	_ =	shalt  }
0x62: {  	_ =	shalt  }
0x63: {  	_ =	shalt  }
0x64: {  	_ =	shalt  }
0x65: {  	_ =	shalt  }
0x66: {  	_ =	shalt  }
0x67: {  	_ =	shalt  }
0x68: {  	_ =	shalt  }
0x69: {  	_ =	shalt  }
0x6a: {  	_ =	shalt  }
0x6b: {  	_ =	shalt  }
0x6c: {  	_ =	shalt  }
0x6d: {  	_ =	shalt  }
0x6e: {  	_ =	shalt  }
0x6f: {  	_ =	shalt  }
0x70: {  	_ =	shalt  }
0x71: {  	_ =	shalt  }
0x72: {  	_ =	shalt  }
0x73: {  	_ =	shalt  }
0x74: {  	_ =	shalt  }
0x75: {  	_ =	shalt  }
0x76: {  	_ =	shalt  }
0x77: {  	_ =	shalt  }
0x78: {  	_ =	shalt  }
0x79: {  	_ =	shalt  }
0x7a: {  	_ =	shalt  }
0x7b: {  	_ =	shalt  }
0x7c: {  	_ =	shalt  }
0x7d: {  	_ =	shalt  }
0x7e: {  	_ =	shalt  }
0x7f: {  	_ =	shalt  }
0x80: {  	_ =	shalt  }
0x81: {  	_ =	shalt  }
0x82: {  	_ =	shalt  }
0x83: {  	_ =	shalt  }
0x84: {  	_ =	shalt  }
0x85: {  	_ =	shalt  }
0x86: {  	_ =	shalt  }
0x87: {  	_ =	shalt  }
.Lfunc_end0:
.L_simem_size_0:
called_computation.2_lowered:
.L_overlay_start_0:
0x88: {  	s2 =	sld [smem:$0x3FD9]  }
0x89: {  	s3 =	sld [smem:$0x3FFE];
	_ =	sdelay $0x1  }
0x8a: {  	s1 =	srdreg.scid  }
0x8b: {  	s0 =	sand.u32 $0x1, s1  }
0x8c: {  	s16 =	sshll.u32 s0, $0xA;
	s2 =	sadd.s32 s3, s2  }
0x8d: {  	s2 =	sadd.s32 s2, s16  }
0x8e: {  	[smem:$0x3FA5] =	sst s2  }
0x8f: {  	_ = 	snop  }
0x90: {  	(tm) =	ssettm $0x1  }
0x91: {  	s17 =	sld [smem:$0x3FFB];
	_ =	sdelay $0x3  }
0x92: {  	_ =	strace s17  }
0x93: {  	s2 =	sld [smem:$0x3FFC];
	_ =	sdelay $0x3  }
0x94: {  	_ =	strace s2  }
0x95: {  	s2 =	sld [smem:$0x3FFD];
	_ =	sdelay $0x3  }
0x96: {  	_ =	strace s2  }
0x97: {  	_ =	strace $0x8FFFFFFF  }
0x98: {  	s18 =	sld [smem:$0x3FDB];
	_ =	sdelay $0x1  }
0x99: {  	s19 =	simm.s32 $_scs_section_size  }
0x9a: {  	s4 =	simm.s32 $_size__tile_overlayer_lowered;
	s5 =	simm.s32 $_tile_overlayer_lowered  }
0x9b: {  	s22 =	simm.s32 $0x1BFF;
	s21 =	sshll.u32 s5, $0x1;
	s2 =	sadd.s32 s19, s18  }
0x9c: {  	s6 =	simm.s32 $0x0;
	s20 =	sshll.u32 s4, $0x1;
	s4 =	sadd.s32 s21, s2  }
0x9d: {  	[timem:s6], [sflag:s22] =	dma.local [hbm:s4], s20  }
0x9e: {  	_ =	swait.ge [sflag:s22], s20  }
0x9f: {  	s3 =	ssub.s32 $0x0, s20;
	[sflag:s22] =	ssyncset.done $0x0  }
0xa0: {  	[sflag:s22] =	ssyncadd.s32 s3;
	_ =	sdelay $0x1  }
0xa1: {  	s23 =	simm.s32 $0x1B8B  }
0xa2: {  	_ =	swait.ge [sflag:s23], $0x1  }
0xa3: {  	[sflag:s23] =	ssyncset.done $0x0  }
0xa4: {  	s25 =	simm.s32 $0x1B8E;
	s24 =	sld [smem:$0x3FFE];
	[sflag:s23] =	ssyncadd.s32 $0xFFFFFFFF  }
0xa5: {  	s26 =	simm.s32 $execute0_lowered;
	[smem:$0x3FD2] =	sst s25  }
0xa6: {  	s4 =	sshll.u32 s26, $0x1;
	_ =	strace $0x8000004C;
	[dreg:$0x1] =	wrdreg $0xFFFFFFFF  }
0xa7: {  	s28 =	simm.s32 $_size_execute0_lowered;
	s2 =	sadd.s32 s2, s4;
	[dreg:$0x0] =	wrdreg $0x0  }
0xa8: {  	s4 =	sshll.u32 s28, $0x1;
	[dreg:$0x2] =	wrdreg s2  }
0xa9: {  	[dreg:$0x3] =	wrdreg s4  }
0xaa: {  	[dreg:$0x4] =	wrdreg $0xC0  }
0xab: {  	_ =	task [dreg:s6], $0x5FFFF  }
0xac: {  	[dreg:$0x1] =	wrdreg $0xFFFFFFFF  }
0xad: {  	[dreg:$0x0] =	wrdreg $0x60  }
0xae: {  	[dreg:$0x2] =	wrdreg s24  }
0xaf: {  	[dreg:$0x3] =	wrdreg $0x9  }
0xb0: {  	_ =	task.clear_ibuf [dreg:s6], $0x4FFFF;
	_ =	strace $0x9000004C  }
0xb1: {  	s29 =	simm.s32 $0x9;
	_ =	strace $0x8000004E  }
0xb2: {  	_ =	swait.ge [sflag:s29], $0x1  }
0xb3: {  	[sflag:s29] =	ssyncadd.s32 $0xFFFFFFFF  }
0xb4: {  	_ =	strace $0x9000004E  }
0xb5: {  	_ =	sfence  }
0xb6: {  	s30 =	sld [smem:$0x0];
	_ =	sdelay $0x2  }
0xb7: {  	s31 =	sshll.u32 s1, $0xD;
	s1 =	sshrl.u32 s1, $0x2  }
0xb8: {  	s3 =	sand.u32 $0x4000, s31;
	s1 =	sadd.s32 s1, s30  }
0xb9: {  	s0 =	sor.u32 s3, s0;
	s1 =	sshll.u32 s1, $0x11  }
0xba: {  	s0 =	sor.u32 s1, s0  }
0xbb: {  	s0 =	sadd.s32 $0x8F2B, s0  }
0xbc: {  	[sflag:s0] =	ssyncadd.remote.s32 $0x1  }
0xbd: {  	_ =	sfence.sel $0xFFFF  }
0xbe: {  	[dreg:$0x0] =	wrdreg $0xFFFFFFFF;
	(pc) =	sbr.abs _section_cstart, $3  }
0xbf: {  	[dreg:$0x1] =	wrdreg $0xFFFFFFFF  }
0xc0: {  	_ =	task.clear_ibuf [dreg:s6], $0x2FFFF;
	_ =	strace $0x9FFFFFFF  }
0xc1: {  	(tm) =	ssettm $0x7FFFFFFF  }
tec
execute0_lowered:
.L_overlay_start_1:
0x0: {  	(tag) =	ssettag $0x1  }
0x1: {  	s4 =	rddreg [dreg:$0x0]  }
0x2: {  	s0 =	rddreg [dreg:$0x1];
	s1 =	simm.s32 $0x0  }
0x3: {  	s5 =	srdreg.scid;
	s2 =	stileid.u32;
	s10 =	simm.s32 $0x6800  }
0x4: {  	s11 =	simm.s32 $0x100;
	s12 =	simm.s32 $0x9000;
	s13 =	simm.s32 $0xB800  }
0x5: {  	s14 =	simm.s32 $0x1;
	s15 =	simm.s32 $0x0;
	[smem:$0x7FF] =	sst s1  }
0x6: {  	s3 =	sadd.s32 $0x115A00, s4;
	s5 =	sand.u32 $0x1, s5;
	s6 =	sshll.u32 s2, $0xF  }
0x7: {  	s8 =	smul.u32 $0x50000, s2;
	_ =	strace $0x8000004D;
	s7 =	sshll.u32 s5, $0xE  }
0x8: {  	s29 =	ssub.s32 $0x2, s5;
	s5 =	smul.u32 $0x28000, s5;
	s6 =	sor.u32 s7, s6  }
0x9: {  	s8 =	sadd.s32 s8, s4;
	s9 =	sshrl.u32 s29, $0x1;
	s7 =	simm.s32 $0x2  }
0xa: {  	s6 =	sshrl.u32 s6, $0x3;
	s30 =	ssub.s32 s29, s9;
	s31 =	sadd.s32 s5, s8  }
0xb: {  	s8 =	simm.s32 $0x80;
	s9 =	simm.s32 $0x4000;
	s4 =	sadd.s32 s6, s4  }
0xc: {  	s5 =	smax.u32 s30, $0x1;
	s6 =	sadd.s32 $0x1B5A00, s31;
	s4 =	sadd.s32 $0x105A00, s4  }
.LBB2_1:
0xd: {  	[tilespmem:s1], [sflag:$0x2] =	stream.linear.gather [hbm4b:s4+s1], $0x4000, $0x38;
	[tilespmem:$0xE000] =	vst v63  }
0xe: {  	_ =	swait.ge [sflag:s7], $0x4000  }
0xf: {  	[sflag:s7] =	ssyncset.done $0x0  }
0x10: {  	[sflag:s7] =	ssyncadd.s32 $0xFFFFC000  }
0x11: {  	[tilespmem:s9], [sflag:$0x1] =	stream.indirect.gather [hbm4b:s3+s8], $0x50, s1, s8, $0xb8;
	[tilespmem:$0xE000] =	vst v63  }
0x12: {  	_ = 	snop  }
0x13: {  	[tilespmem:s10], [sflag:$0x1] =	stream.indirect.gather [hbm4b:s3+s8], $0x50, s8, s8, $0xb8;
	[tilespmem:$0xE000] =	vst v63  }
0x14: {  	_ = 	snop  }
0x15: {  	[tilespmem:s12], [sflag:$0x1] =	stream.indirect.gather [hbm4b:s3+s8], $0x50, s11, s8, $0xb8;
	[tilespmem:$0xE000] =	vst v63  }
0x16: {  	s16 =	simm.s32 $0x180  }
0x17: {  	[tilespmem:s13], [sflag:$0x1] =	stream.indirect.gather [hbm4b:s3+s8], $0x50, s16, s8, $0xb8;
	[tilespmem:$0xE000] =	vst v63  }
0x18: {  	_ =	swait.ge [sflag:s14], $0x2800  }
0x19: {  	[sflag:s14] =	ssyncset.done $0x0  }
0x1a: {  	[sflag:s14] =	ssyncadd.s32 $0xFFFFD800  }
0x1b: {  	[hbm4b:s6+s1] =	stream.linear.scatter [tilespmem:s9], [sflag:$0x2], $0x2800, $0x38;
	[tilespmem:$0xE000] =	vst v63  }
0x1c: {  	p0 =	por $0x0, $0x0;
	_ =	swait.ge [sflag:s7], $0x2800  }
0x1d: {  	s17 =	simm.s32 @!p0 $0x200;
	[sflag:s7] =	ssyncset.done $0x0  }
0x1e: {  	s18 =	simm.s32 @!p0 $0x80;
	s16 =	simm.s32 @!p0 $0x4000;
	[sflag:s7] =	ssyncadd.s32 $0xFFFFD800  }
0x1f: {  	[tilespmem:s16], [sflag:$0x1] =	stream.indirect.gather @!p0 [hbm4b:s3+s18], $0x50, s17, s18, $0xb8;
	[tilespmem:$0xE000] =	vst v63  }
0x20: {  	_ =	swait.ge [sflag:s14], $0x2800  }
0x21: {  	[sflag:s14] =	ssyncset.done $0x0  }
0x22: {  	s29 =	sadd.s32 $0x500, s6;
	[sflag:s14] =	ssyncadd.s32 $0xFFFFD800  }
0x23: {  	[hbm4b:s29+s1] =	stream.linear.scatter [tilespmem:s10], [sflag:$0x2], $0x2800, $0x38;
	[tilespmem:$0xE000] =	vst v63  }
0x24: {  	_ =	swait.ge [sflag:s7], $0x2800  }
0x25: {  	[sflag:s7] =	ssyncset.done $0x0  }
0x26: {  	s16 =	simm.s32 @!p0 $0x280;
	s17 =	simm.s32 @!p0 $0x6800;
	[sflag:s7] =	ssyncadd.s32 $0xFFFFD800  }
0x27: {  	[tilespmem:s17], [sflag:$0x1] =	stream.indirect.gather @!p0 [hbm4b:s3+s18], $0x50, s16, s18, $0xb8;
	[tilespmem:$0xE000] =	vst v63  }
0x28: {  	_ =	swait.ge [sflag:s14], $0x2800  }
0x29: {  	[sflag:s14] =	ssyncset.done $0x0  }
0x2a: {  	s30 =	sadd.s32 $0xA00, s6;
	[sflag:s14] =	ssyncadd.s32 $0xFFFFD800  }
0x2b: {  	[hbm4b:s30+s1] =	stream.linear.scatter [tilespmem:s12], [sflag:$0x2], $0x2800, $0x38;
	[tilespmem:$0xE000] =	vst v63  }
0x2c: {  	_ =	swait.ge [sflag:s7], $0x2800  }
0x2d: {  	[sflag:s7] =	ssyncset.done $0x0  }
0x2e: {  	s16 =	simm.s32 @!p0 $0x300;
	s17 =	simm.s32 @!p0 $0x9000;
	[sflag:s7] =	ssyncadd.s32 $0xFFFFD800  }
0x2f: {  	[tilespmem:s17], [sflag:$0x1] =	stream.indirect.gather @!p0 [hbm4b:s3+s18], $0x50, s16, s18, $0xb8;
	[tilespmem:$0xE000] =	vst v63  }
0x30: {  	_ =	swait.ge [sflag:s14], $0x2800  }
0x31: {  	[sflag:s14] =	ssyncset.done $0x0  }
0x32: {  	s31 =	sadd.s32 $0xF00, s6;
	[sflag:s14] =	ssyncadd.s32 $0xFFFFD800  }
0x33: {  	[hbm4b:s31+s1] =	stream.linear.scatter [tilespmem:s13], [sflag:$0x2], $0x2800, $0x38;
	[tilespmem:$0xE000] =	vst v63  }
0x34: {  	s19 =	simm.s32 $0x200;
	s18 =	simm.s32 $0x800;
	_ =	swait.ge [sflag:s7], $0x2800  }
0x35: {  	s17 =	simm.s32 $0x1000;
	s16 =	sadd.s32 $0x1400, s6;
	[sflag:s7] =	ssyncset.done $0x0  }
.LBB2_2:
0x36: {  	s19 =	sadd.s32 $0x180, s19  }
0x37: {  	[sflag:s7] =	ssyncadd.s32 $0xFFFFD800;
	s20 =	smov.u32 s17;
	s17 =	sadd.s32 $0x800, s17  }
0x38: {  	[tilespmem:s13], [sflag:$0x1] =	stream.indirect.gather [hbm4b:s3+s8], $0x50, s19, s8, $0xb8;
	[tilespmem:$0xE000] =	vst v63  }
0x39: {  	p0 =	sne.s32 s17, $0x10000;
	_ =	swait.ge [sflag:s14], $0x2800  }
0x3a: {  	[sflag:s14] =	ssyncset.done $0x0  }
0x3b: {  	[sflag:s14] =	ssyncadd.s32 $0xFFFFD800  }
0x3c: {  	[hbm4b:s16+s1] =	stream.linear.scatter [tilespmem:s9], [sflag:$0x2], $0x2800, $0x38;
	[tilespmem:$0xE000] =	vst v63  }
0x3d: {  	p1 =	seq.s32 s18, $0xF800;
	_ =	swait.ge [sflag:s7], $0x2800  }
0x3e: {  	s18 =	sshra.s32 @!p1 s18, $0x2;
	s19 =	simm.s32 @!p1 $0x4000;
	[sflag:s7] =	ssyncset.done $0x0  }
0x3f: {  	s22 =	simm.s32 @!p1 $0x80;
	s21 =	sadd.s32 @!p1 $0x200, s18;
	[sflag:s7] =	ssyncadd.s32 $0xFFFFD800  }
0x40: {  	[tilespmem:s19], [sflag:$0x1] =	stream.indirect.gather @!p1 [hbm4b:s3+s22], $0x50, s21, s22, $0xb8;
	[tilespmem:$0xE000] =	vst v63  }
0x41: {  	s19 =	sadd.s32 @!p1 $0x280, s18;
	s21 =	sadd.s32 @!p1 $0x300, s18;
	_ =	swait.ge [sflag:s14], $0x2800  }
0x42: {  	s18 =	smov.u32 s20;
	[sflag:s14] =	ssyncset.done $0x0  }
0x43: {  	s20 =	sadd.s32 $0x500, s16;
	[sflag:s14] =	ssyncadd.s32 $0xFFFFD800  }
0x44: {  	[hbm4b:s20+s1] =	stream.linear.scatter [tilespmem:s10], [sflag:$0x2], $0x2800, $0x38;
	[tilespmem:$0xE000] =	vst v63  }
0x45: {  	_ =	swait.ge [sflag:s7], $0x2800  }
0x46: {  	[sflag:s7] =	ssyncset.done $0x0  }
0x47: {  	s20 =	simm.s32 @!p1 $0x6800;
	[sflag:s7] =	ssyncadd.s32 $0xFFFFD800  }
0x48: {  	[tilespmem:s20], [sflag:$0x1] =	stream.indirect.gather @!p1 [hbm4b:s3+s22], $0x50, s19, s22, $0xb8;
	[tilespmem:$0xE000] =	vst v63  }
0x49: {  	_ =	swait.ge [sflag:s14], $0x2800  }
0x4a: {  	[sflag:s14] =	ssyncset.done $0x0  }
0x4b: {  	s19 =	sadd.s32 $0xA00, s16;
	[sflag:s14] =	ssyncadd.s32 $0xFFFFD800  }
0x4c: {  	[hbm4b:s19+s1] =	stream.linear.scatter [tilespmem:s12], [sflag:$0x2], $0x2800, $0x38;
	[tilespmem:$0xE000] =	vst v63  }
0x4d: {  	_ =	swait.ge [sflag:s7], $0x2800  }
0x4e: {  	[sflag:s7] =	ssyncset.done $0x0  }
0x4f: {  	s19 =	simm.s32 @!p1 $0x9000;
	[sflag:s7] =	ssyncadd.s32 $0xFFFFD800  }
0x50: {  	[tilespmem:s19], [sflag:$0x1] =	stream.indirect.gather @!p1 [hbm4b:s3+s22], $0x50, s21, s22, $0xb8;
	[tilespmem:$0xE000] =	vst v63  }
0x51: {  	_ =	swait.ge [sflag:s14], $0x2800  }
.Ltmp0:
0x52: {  	[sflag:s14] =	ssyncset.done $0x0;
	(pc) =	sbr.rel @p0 .LBB2_2-.Ltmp0, $4  }
0x53: {  	s19 =	sadd.s32 $0xF00, s16;
	[sflag:s14] =	ssyncadd.s32 $0xFFFFD800  }
0x54: {  	[hbm4b:s19+s1] =	stream.linear.scatter [tilespmem:s13], [sflag:$0x2], $0x2800, $0x38;
	[tilespmem:$0xE000] =	vst v63  }
0x55: {  	_ =	swait.ge [sflag:s7], $0x2800  }
0x56: {  	s16 =	sadd.s32 $0x1400, s16;
	s19 =	sshra.s32 s18, $0x2;
	[sflag:s7] =	ssyncset.done $0x0  }
0x57: {  	s17 =	sadd.s32 $0x180, s19;
	[sflag:s7] =	ssyncadd.s32 $0xFFFFD800  }
0x58: {  	[tilespmem:s13], [sflag:$0x1] =	stream.indirect.gather [hbm4b:s3+s8], $0x50, s17, s8, $0xb8;
	[tilespmem:$0xE000] =	vst v63  }
0x59: {  	_ =	swait.ge [sflag:s14], $0x2800  }
0x5a: {  	[sflag:s14] =	ssyncset.done $0x0  }
0x5b: {  	[sflag:s14] =	ssyncadd.s32 $0xFFFFD800  }
0x5c: {  	[hbm4b:s16+s1] =	stream.linear.scatter [tilespmem:s9], [sflag:$0x2], $0x2800, $0x38;
	[tilespmem:$0xE000] =	vst v63  }
0x5d: {  	p0 =	seq.s32 s18, $0xF800;
	_ =	swait.ge [sflag:s7], $0x2800  }
0x5e: {  	s17 =	sshra.s32 @!p0 s18, $0x2;
	s18 =	simm.s32 @!p0 $0x4000;
	[sflag:s7] =	ssyncset.done $0x0  }
0x5f: {  	s20 =	simm.s32 @!p0 $0x80;
	s19 =	sadd.s32 @!p0 $0x200, s17;
	[sflag:s7] =	ssyncadd.s32 $0xFFFFD800  }
0x60: {  	[tilespmem:s18], [sflag:$0x1] =	stream.indirect.gather @!p0 [hbm4b:s3+s20], $0x50, s19, s20, $0xb8;
	[tilespmem:$0xE000] =	vst v63  }
0x61: {  	_ =	swait.ge [sflag:s14], $0x2800  }
0x62: {  	[sflag:s14] =	ssyncset.done $0x0  }
0x63: {  	s29 =	sadd.s32 $0x500, s16;
	[sflag:s14] =	ssyncadd.s32 $0xFFFFD800  }
0x64: {  	[hbm4b:s29+s1] =	stream.linear.scatter [tilespmem:s10], [sflag:$0x2], $0x2800, $0x38;
	[tilespmem:$0xE000] =	vst v63  }
0x65: {  	_ =	swait.ge [sflag:s7], $0x2800  }
0x66: {  	[sflag:s7] =	ssyncset.done $0x0  }
0x67: {  	s18 =	sadd.s32 @!p0 $0x280, s17;
	s19 =	simm.s32 @!p0 $0x6800;
	[sflag:s7] =	ssyncadd.s32 $0xFFFFD800  }
0x68: {  	[tilespmem:s19], [sflag:$0x1] =	stream.indirect.gather @!p0 [hbm4b:s3+s20], $0x50, s18, s20, $0xb8;
	[tilespmem:$0xE000] =	vst v63  }
0x69: {  	_ =	swait.ge [sflag:s14], $0x2800  }
0x6a: {  	[sflag:s14] =	ssyncset.done $0x0  }
0x6b: {  	s30 =	sadd.s32 $0xA00, s16;
	[sflag:s14] =	ssyncadd.s32 $0xFFFFD800  }
0x6c: {  	[hbm4b:s30+s1] =	stream.linear.scatter [tilespmem:s12], [sflag:$0x2], $0x2800, $0x38;
	[tilespmem:$0xE000] =	vst v63  }
0x6d: {  	_ =	swait.ge [sflag:s7], $0x2800  }
0x6e: {  	[sflag:s7] =	ssyncset.done $0x0  }
0x6f: {  	s17 =	sadd.s32 @!p0 $0x300, s17;
	s18 =	simm.s32 @!p0 $0x9000;
	[sflag:s7] =	ssyncadd.s32 $0xFFFFD800  }
0x70: {  	[tilespmem:s18], [sflag:$0x1] =	stream.indirect.gather @!p0 [hbm4b:s3+s20], $0x50, s17, s20, $0xb8;
	[tilespmem:$0xE000] =	vst v63  }
0x71: {  	s15 =	sadd.s32 $0x1, s15;
	_ =	swait.ge [sflag:s14], $0x2800  }
0x72: {  	p0 =	sne.s32 s15, s5;
	[sflag:s14] =	ssyncset.done $0x0  }
.Ltmp1:
0x73: {  	s31 =	sadd.s32 $0xF00, s16;
	[sflag:s14] =	ssyncadd.s32 $0xFFFFD800;
	(pc) =	sbr.rel @p0 .LBB2_1-.Ltmp1, $4  }
0x74: {  	[hbm4b:s31+s1] =	stream.linear.scatter [tilespmem:s13], [sflag:$0x2], $0x2800, $0x38;
	[tilespmem:$0xE000] =	vst v63  }
0x75: {  	_ =	swait.ge [sflag:s7], $0x2800  }
0x76: {  	[sflag:s7] =	ssyncset.done $0x0  }
0x77: {  	[sflag:s7] =	ssyncadd.s32 $0xFFFFD800  }
0x78: {  	_ =	sfence.sel $0x180000  }
0x79: {  	[bflag:$0x0] =	sbarrier.arrive $0xFFFF  }
0x7a: {  	p0 =	sne.s32 s2, $0x0;
	_ =	strace $0x9000004D  }
0x7b: {  	s0 =	sadd.s32 @!p0 $0x100000, s0;
	[bflag:$0x2] =	sbarrier.arrive $0xFFFF  }
0x7c: {  	[sflag:s0] =	ssyncadd.tile.s32 @!p0 $0x1;
	_ =	shalt  }
.Lfunc_end2:
_tile_overlayer_lowered:
.L_overlay_start_2:
0x7d: {  	(tag) =	ssettag $0x2  }
0x7e: {  	s0 =	rddreg [dreg:$0x0];
	s2 =	stileid.u32  }
0x7f: {  	s1 =	rddreg [dreg:$0x1];
	p0 =	sne.s32 s2, $0x0  }
0x80: {  	s3 =	rddreg [dreg:$0x2];
	[bflag:$0x3] =	sbarrier.arrive $0xFFFF;
	s2 =	simm.s32 @!p0 $0x1C02  }
0x81: {  	[timem:s3], [sflag:s2] =	dma.local @!p0 [hbm:s0], s1  }
0x82: {  	s0 =	simm.s32 @!p0 $0x2  }
0x83: {  	_ =	swait.ge @!p0 [sflag:s0], s1  }
0x84: {  	s1 =	ssub.s32 @!p0 $0x0, s1;
	[sflag:s0] =	ssyncset.done @!p0 $0x0  }
0x85: {  	[sflag:s0] =	ssyncadd.s32 @!p0 s1  }
0x86: {  	[bflag:$0x3] =	sbarrier.arrive $0xFFFF  }
0x87: {  	_ =	shalt  }

// kernel: kernel.19.cloned.1.call-start
scs
__scs_entry_jumppad:
0x0: {  	(pc) =	sbr.rel $0x88, $3  }
0x1: {  	(tag) =	ssettag $0x0;
	lr =	simm.s32 $0x1  }
0x2: {  	[smem:$0x3F7E] =	sst lr;
	_ =	strace $0xD0000000  }
0x3: {  	_ = 	snop  }
0x4: {  	_ = 	snop  }
0x5: {  	_ = 	snop  }
0x6: {  	_ = 	snop  }
0x7: {  	_ = 	snop  }
__scs_overlays_trampoline_lowered:
0x8: {  	[smem:$0x3F8D] =	sst s0  }
0x9: {  	[smem:$0x3F8E] =	sst s1  }
0xa: {  	[smem:$0x3F8F] =	sst s2  }
0xb: {  	[smem:$0x3F90] =	sst s3  }
0xc: {  	[smem:$0x3F91] =	sst s4  }
0xd: {  	[smem:$0x3F92] =	sst s5  }
0xe: {  	[smem:$0x3F93] =	sst s6  }
0xf: {  	[smem:$0x3F94] =	sst s7  }
0x10: {  	[smem:$0x3F95] =	sst s8  }
0x11: {  	[smem:$0x3F96] =	sst s9;
	s0 =	simm.s32 @!p0 $0x0  }
0x12: {  	s1 =	sld [smem:$0x3F7C];
	s0 =	simm.s32 @p0 $0x1  }
0x13: {  	[smem:$0x3F97] =	sst s0;
	s0 =	simm.s32 @!p1 $0x0  }
0x14: {  	s2 =	sld [smem:$0x3F7B];
	s0 =	simm.s32 @p1 $0x1  }
0x15: {  	[smem:$0x3F98] =	sst s0;
	s0 =	simm.s32 @!p2 $0x0  }
0x16: {  	s3 =	sld [smem:$0x3FDB];
	s0 =	simm.s32 @p2 $0x1  }
0x17: {  	s4 =	simm.s32 $0x1BF5;
	[smem:$0x3F9A] =	sst s0  }
0x18: {  	s0 =	sld [smem:$0x3F7D];
	_ =	swait.ge [sflag:s4], $0x0  }
0x19: {  	s7 =	sld [smem:$0x3F7E]  }
0x1a: {  	s8 =	sadd.s32 $0xFFFFE003, lr  }
0x1b: {  	s9 =	sadd.s32 $0xFFFFFEF7, lr;
	s5 =	simm.s32 $0xFFFFFFFF;
	p2 =	slt.u32 s8, $0xFFFFF086  }
0x1c: {  	p1 =	slt.u32 s9, $0xF7A;
	s5 =	simm.s32 @!p2 $0x0  }
0x1d: {  	s5 =	simm.s32 @p1 $0x1;
	p0 =	seq.s32 s7, s2  }
0x1e: {  	s7 =	smul.u32 @!p0 $0xF7A, s2;
	p2 =	seq.s32 @!p0 s5, $0x0  }
0x1f: {  	s9 =	smul.u32 $0xF7A, s1;
	s8 =	simm.s32 @!p0 $0x1BF5;
	p2 =	por !p2, p0  }
0x20: {  	[sflag:s8] =	ssyncset.s32 @!p0 $0xFFFFF086;
	s6 =	sadd.s32 @!p0 s3, s7;
	s7 =	simm.s32 @!p0 $0x108  }
0x21: {  	s3 =	sadd.s32 s3, s9;
	s6 =	sadd.s32 @!p0 $0x88, s6;
	s7 =	simm.s32 @p2 $0x1082  }
0x22: {  	[simem:s7], [sflag:s8] =	dma.local @!p0 [hbm:s6], $0xF7A  }
0x23: {  	s9 =	sor.u32 $0xD0000000, s2;
	s6 =	simm.s32 $0x108;
	_ =	swait.ge @!p0 [sflag:s8], $0x0  }
0x24: {  	s3 =	sadd.s32 $0x88, s3;
	s6 =	simm.s32 @!p1 $0x1082;
	[sflag:s4] =	ssyncset.s32 $0xFFFFF086  }
0x25: {  	[simem:s6], [sflag:s4] =	dma.local [hbm:s3], $0xF7A  }
0x26: {  	[smem:$0x3F7E] =	sst s1;
	(tag) =	ssettag s2;
	_ =	strace s9  }
0x27: {  	s1 =	sld [smem:$0x3F8E]  }
0x28: {  	s2 =	sld [smem:$0x3F8F]  }
0x29: {  	s4 =	sld [smem:$0x3F91]  }
0x2a: {  	p0 =	seq.s32 s5, $0x0;
	s5 =	sld [smem:$0x3F92]  }
0x2b: {  	s6 =	sld [smem:$0x3F93]  }
0x2c: {  	s7 =	sld [smem:$0x3F94]  }
0x2d: {  	s3 =	simm.s32 $0x108;
	s8 =	sld [smem:$0x3F95]  }
0x2e: {  	s3 =	simm.s32 @!p0 $0x1082;
	s9 =	sld [smem:$0x3F96]  }
0x2f: {  	lr =	sadd.s32 s0, s3;
	s0 =	sld [smem:$0x3F8D]  }
0x30: {  	s3 =	sld [smem:$0x3F90]  }
0x31: {  	[smem:$0x3F99] =	sst s10  }
0x32: {  	s10 =	sld [smem:$0x3F97];
	_ =	sdelay $0x3  }
0x33: {  	p0 =	seq.s32 s10, $0x1;
	s10 =	sld [smem:$0x3F99];
	_ =	sdelay $0x3  }
0x34: {  	[smem:$0x3F99] =	sst s10  }
0x35: {  	s10 =	sld [smem:$0x3F98];
	_ =	sdelay $0x3  }
0x36: {  	p1 =	seq.s32 s10, $0x1;
	s10 =	sld [smem:$0x3F99];
	_ =	sdelay $0x3  }
0x37: {  	[smem:$0x3F99] =	sst s10  }
0x38: {  	s10 =	sld [smem:$0x3F9A]  }
0x39: {  	_ = 	snop;
	(pc) =	sbr.ind lr, $3  }
0x3a: {  	_ = 	snop  }
0x3b: {  	_ = 	snop  }
0x3c: {  	p2 =	seq.s32 s10, $0x1;
	s10 =	sld [smem:$0x3F99]  }
0x3d: {  	_ =	shalt  }
0x3e: {  	_ =	shalt  }
0x3f: {  	_ =	shalt  }
0x40: {  	_ =	shalt  }
0x41: {  	_ =	shalt  }
0x42: {  	_ =	shalt  }
0x43: {  	_ =	shalt  }
0x44: {  	_ =	shalt  }
0x45: {  	_ =	shalt  }
0x46: {  	_ =	shalt  }
0x47: {  	_ =	shalt  }
0x48: {  	_ =	shalt  }
0x49: {  	_ =	shalt  }
0x4a: {  	_ =	shalt  }
0x4b: {  	_ =	shalt  }
0x4c: {  	_ =	shalt  }
0x4d: {  	_ =	shalt  }
0x4e: {  	_ =	shalt  }
0x4f: {  	_ =	shalt  }
0x50: {  	_ =	shalt  }
0x51: {  	_ =	shalt  }
0x52: {  	_ =	shalt  }
0x53: {  	_ =	shalt  }
0x54: {  	_ =	shalt  }
0x55: {  	_ =	shalt  }
0x56: {  	_ =	shalt  }
0x57: {  	_ =	shalt  }
0x58: {  	_ =	shalt  }
0x59: {  	_ =	shalt  }
0x5a: {  	_ =	shalt  }
0x5b: {  	_ =	shalt  }
0x5c: {  	_ =	shalt  }
0x5d: {  	_ =	shalt  }
0x5e: {  	_ =	shalt  }
0x5f: {  	_ =	shalt  }
0x60: {  	_ =	shalt  }
0x61: {  	_ =	shalt  }
0x62: {  	_ =	shalt  }
0x63: {  	_ =	shalt  }
0x64: {  	_ =	shalt  }
0x65: {  	_ =	shalt  }
0x66: {  	_ =	shalt  }
0x67: {  	_ =	shalt  }
0x68: {  	_ =	shalt  }
0x69: {  	_ =	shalt  }
0x6a: {  	_ =	shalt  }
0x6b: {  	_ =	shalt  }
0x6c: {  	_ =	shalt  }
0x6d: {  	_ =	shalt  }
0x6e: {  	_ =	shalt  }
0x6f: {  	_ =	shalt  }
0x70: {  	_ =	shalt  }
0x71: {  	_ =	shalt  }
0x72: {  	_ =	shalt  }
0x73: {  	_ =	shalt  }
0x74: {  	_ =	shalt  }
0x75: {  	_ =	shalt  }
0x76: {  	_ =	shalt  }
0x77: {  	_ =	shalt  }
0x78: {  	_ =	shalt  }
0x79: {  	_ =	shalt  }
0x7a: {  	_ =	shalt  }
0x7b: {  	_ =	shalt  }
0x7c: {  	_ =	shalt  }
0x7d: {  	_ =	shalt  }
0x7e: {  	_ =	shalt  }
0x7f: {  	_ =	shalt  }
0x80: {  	_ =	shalt  }
0x81: {  	_ =	shalt  }
0x82: {  	_ =	shalt  }
0x83: {  	_ =	shalt  }
0x84: {  	_ =	shalt  }
0x85: {  	_ =	shalt  }
0x86: {  	_ =	shalt  }
0x87: {  	_ =	shalt  }
.Lfunc_end0:
.L_simem_size_0:
called_computation.3_lowered:
.L_overlay_start_0:
0x88: {  	s2 =	sld [smem:$0x3FD9]  }
0x89: {  	s3 =	sld [smem:$0x3FFE];
	_ =	sdelay $0x1  }
0x8a: {  	s1 =	srdreg.scid  }
0x8b: {  	s0 =	sand.u32 $0x1, s1  }
0x8c: {  	s14 =	sshll.u32 s0, $0xA;
	s2 =	sadd.s32 s3, s2  }
0x8d: {  	s2 =	sadd.s32 s2, s14  }
0x8e: {  	[smem:$0x3FA5] =	sst s2  }
0x8f: {  	_ = 	snop  }
0x90: {  	s2 =	sld [smem:$0x3FD0];
	_ =	sdelay $0x2  }
0x91: {  	s15 =	simm.s32 $0xA;
	s4 =	simm.s32 $0x10  }
0x92: {  	[smem:s4], [sflag:s15] =	dma.local [hbm:s2], $0x1  }
0x93: {  	_ =	swait.eq [sflag:s15], $0x1  }
0x94: {  	[sflag:s15] =	ssyncset.done $0x0  }
0x95: {  	[sflag:s15] =	ssyncadd.s32 $0xFFFFFFFF  }
0x96: {  	s16 =	sld [smem:$0x11];
	(tm) =	ssettm $0x1  }
0x97: {  	s17 =	sld [smem:$0x3FFB];
	_ =	sdelay $0x3  }
0x98: {  	_ =	strace s17  }
0x99: {  	s3 =	sld [smem:$0x3FFC];
	_ =	sdelay $0x3  }
0x9a: {  	_ =	strace s3  }
0x9b: {  	s3 =	sld [smem:$0x3FFD];
	_ =	sdelay $0x3  }
0x9c: {  	_ =	strace s3  }
0x9d: {  	_ =	strace $0x8FFFFFFF  }
0x9e: {  	s18 =	sld [smem:$0x3FDB];
	_ =	sdelay $0x1  }
0x9f: {  	s19 =	simm.s32 $_scs_section_size  }
0xa0: {  	s5 =	simm.s32 $_size__tile_overlayer_lowered;
	s6 =	simm.s32 $_tile_overlayer_lowered  }
0xa1: {  	s22 =	simm.s32 $0x1BFF;
	s21 =	sshll.u32 s6, $0x1;
	s3 =	sadd.s32 s19, s18  }
0xa2: {  	s7 =	simm.s32 $0x0;
	s20 =	sshll.u32 s5, $0x1;
	s5 =	sadd.s32 s21, s3  }
0xa3: {  	[timem:s7], [sflag:s22] =	dma.local [hbm:s5], s20  }
0xa4: {  	_ =	swait.ge [sflag:s22], s20  }
0xa5: {  	s4 =	ssub.s32 $0x0, s20;
	[sflag:s22] =	ssyncset.done $0x0  }
0xa6: {  	[sflag:s22] =	ssyncadd.s32 s4;
	_ =	sdelay $0x1  }
0xa7: {  	s23 =	simm.s32 $0x1B8B  }
0xa8: {  	_ =	swait.ge [sflag:s23], $0x1  }
0xa9: {  	[sflag:s23] =	ssyncset.done $0x0  }
0xaa: {  	s25 =	simm.s32 $0x1B8E;
	s24 =	sld [smem:$0x3FFE];
	[sflag:s23] =	ssyncadd.s32 $0xFFFFFFFF  }
0xab: {  	s26 =	simm.s32 $execute0_lowered;
	[smem:$0x3FD2] =	sst s25  }
0xac: {  	s5 =	sshll.u32 s26, $0x1;
	_ =	strace $0x8000004F;
	[dreg:$0x1] =	wrdreg $0xFFFFFFFF  }
0xad: {  	s28 =	simm.s32 $_size_execute0_lowered;
	s3 =	sadd.s32 s3, s5;
	[dreg:$0x0] =	wrdreg $0x0  }
0xae: {  	s5 =	sshll.u32 s28, $0x1;
	[dreg:$0x2] =	wrdreg s3  }
0xaf: {  	[dreg:$0x3] =	wrdreg s5  }
0xb0: {  	[dreg:$0x4] =	wrdreg $0xC0  }
0xb1: {  	_ =	task [dreg:s7], $0x5FFFF  }
0xb2: {  	[dreg:$0x1] =	wrdreg $0xFFFFFFFF  }
0xb3: {  	[dreg:$0x0] =	wrdreg $0x60  }
0xb4: {  	[dreg:$0x2] =	wrdreg s24  }
0xb5: {  	[dreg:$0x3] =	wrdreg s16  }
0xb6: {  	[dreg:$0x4] =	wrdreg $0x9  }
0xb7: {  	_ =	task.clear_ibuf [dreg:s7], $0x5FFFF;
	_ =	strace $0x9000004F  }
0xb8: {  	s29 =	simm.s32 $0x9;
	_ =	strace $0x80000051  }
0xb9: {  	_ =	swait.ge [sflag:s29], $0x1  }
0xba: {  	[sflag:s29] =	ssyncadd.s32 $0xFFFFFFFF  }
0xbb: {  	_ =	strace $0x90000051  }
0xbc: {  	_ =	sfence  }
0xbd: {  	s30 =	sld [smem:$0x0];
	_ =	sdelay $0x2  }
0xbe: {  	s31 =	sshll.u32 s1, $0xD;
	s1 =	sshrl.u32 s1, $0x2  }
0xbf: {  	s3 =	sand.u32 $0x4000, s31;
	s1 =	sadd.s32 s1, s30  }
0xc0: {  	s0 =	sor.u32 s3, s0;
	s1 =	sshll.u32 s1, $0x11  }
0xc1: {  	s0 =	sor.u32 s1, s0  }
0xc2: {  	s0 =	sadd.s32 $0x8F2B, s0  }
0xc3: {  	[sflag:s0] =	ssyncadd.remote.s32 $0x1  }
0xc4: {  	_ =	sfence.sel $0xFFFF  }
0xc5: {  	[dreg:$0x0] =	wrdreg $0xFFFFFFFF;
	(pc) =	sbr.abs _section_cstart, $3  }
0xc6: {  	[dreg:$0x1] =	wrdreg $0xFFFFFFFF  }
0xc7: {  	_ =	task.clear_ibuf [dreg:s7], $0x2FFFF;
	_ =	strace $0x9FFFFFFF  }
0xc8: {  	(tm) =	ssettm $0x7FFFFFFF  }
0xc9: {  	_ =	shalt  }
tec
execute0_lowered:
.L_overlay_start_1:
0x0: {  	(tag) =	ssettag $0x1  }
0x1: {  	s1 =	srdreg.scid  }
0x2: {  	s10 =	rddreg [dreg:$0x0];
	s0 =	stileid.u32;
	s11 =	sand.u32 $0x1, s1  }
0x3: {  	s3 =	rddreg [dreg:$0x1];
	s4 =	sshll.u32 s0, $0x9;
	s5 =	sshll.u32 s11, $0x8  }
0x4: {  	s2 =	simm.s32 $0x0;
	s1 =	rddreg [dreg:$0x2];
	s12 =	sor.u32 s5, s4  }
0x5: {  	[smem:$0x7FF] =	sst s2;
	s4 =	sshrl.u32 s12, $0x3  }
0x6: {  	_ =	strace $0x80000050;
	s4 =	sadd.s32 s3, s4;
	s3 =	simm.s32 $0x2  }
0x7: {  	[tilespmem:s2], [sflag:$0x2] =	stream.linear.gather [hbm4b:s4+s2], $0x100, $0x38;
	[tilespmem:$0x8100] =	vst v63  }
0x8: {  	_ =	swait.ge [sflag:s3], $0x100  }
0x9: {  	s6 =	simm.s32 $0x80;
	[sflag:s3] =	ssyncset.done $0x0  }
0xa: {  	s7 =	simm.s32 $0x100;
	s5 =	sadd.s32 $0x6B5A00, s10;
	[sflag:s3] =	ssyncadd.s32 $0xFFFFFF00  }
0xb: {  	[tilespmem:s7], [sflag:$0x1] =	stream.indirect.gather [hbm4b:s5+s6], $0x80, s2, s6, $0xb8;
	[tilespmem:$0x8100] =	vst v63  }
0xc: {  	s8 =	simm.s32 $0x4100;
	s9 =	simm.s32 $0x1  }
0xd: {  	[tilespmem:s8], [sflag:$0x1] =	stream.indirect.gather [hbm4b:s5+s6], $0x80, s6, s6, $0xb8;
	[tilespmem:$0x8100] =	vst v63  }
0xe: {  	s12 =	sshll.u32 s12, $0x4;
	_ =	swait.ge [sflag:s9], $0x4000  }
0xf: {  	s12 =	sadd.s32 s12, s10;
	[sflag:s9] =	ssyncset.done $0x0  }
0x10: {  	s11 =	ssub.s32 $0x2, s11;
	s10 =	sadd.s32 $0x5A00, s12;
	[sflag:s9] =	ssyncadd.s32 $0xFFFFC000  }
0x11: {  	[hbm4b:s10+s2] =	stream.linear.scatter [tilespmem:s7], [sflag:$0x2], $0x4000, $0x38;
	[tilespmem:$0x8100] =	vst v63  }
0x12: {  	s13 =	sshrl.u32 s11, $0x1;
	_ =	swait.ge [sflag:s3], $0x4000  }
0x13: {  	s13 =	ssub.s32 s11, s13;
	[sflag:s3] =	ssyncset.done $0x0  }
0x14: {  	s31 =	smax.u32 s13, $0x1;
	[sflag:s3] =	ssyncadd.s32 $0xFFFFC000  }
0x15: {  	p0 =	sne.s32 s31, $0x1;
	_ =	swait.ge [sflag:s9], $0x4000  }
.Ltmp0:
0x16: {  	[sflag:s9] =	ssyncset.done $0x0;
	(pc) =	sbr.rel @!p0 .LBB2_2-.Ltmp0, $4  }
0x17: {  	s11 =	sadd.s32 $0x6200, s12;
	[sflag:s9] =	ssyncadd.s32 $0xFFFFC000  }
0x18: {  	[hbm4b:s11+s2] =	stream.linear.scatter [tilespmem:s8], [sflag:$0x2], $0x4000, $0x38;
	[tilespmem:$0x8100] =	vst v63  }
0x19: {  	_ =	swait.ge [sflag:s3], $0x4000  }
0x1a: {  	s12 =	sadd.s32 $0xFFFFFFFF, s31;
	[sflag:s3] =	ssyncset.done $0x0  }
.LBB2_1:
0x1b: {  	p0 =	sne.s32 s12, $0x1;
	s12 =	sadd.s32 $0xFFFFFFFF, s12;
	[sflag:s3] =	ssyncadd.s32 $0xFFFFC000  }
0x1c: {  	[tilespmem:s2], [sflag:$0x2] =	stream.linear.gather [hbm4b:s4+s2], $0x100, $0x38;
	[tilespmem:$0x8100] =	vst v63  }
0x1d: {  	_ =	swait.ge [sflag:s3], $0x100  }
0x1e: {  	[sflag:s3] =	ssyncset.done $0x0  }
0x1f: {  	[sflag:s3] =	ssyncadd.s32 $0xFFFFFF00  }
0x20: {  	[tilespmem:s7], [sflag:$0x1] =	stream.indirect.gather [hbm4b:s5+s6], $0x80, s2, s6, $0xb8;
	[tilespmem:$0x8100] =	vst v63  }
0x21: {  	_ = 	snop  }
0x22: {  	[tilespmem:s8], [sflag:$0x1] =	stream.indirect.gather [hbm4b:s5+s6], $0x80, s6, s6, $0xb8;
	[tilespmem:$0x8100] =	vst v63  }
0x23: {  	_ =	swait.ge [sflag:s9], $0x4000  }
0x24: {  	[sflag:s9] =	ssyncset.done $0x0  }
0x25: {  	[sflag:s9] =	ssyncadd.s32 $0xFFFFC000  }
0x26: {  	[hbm4b:s10+s2] =	stream.linear.scatter [tilespmem:s7], [sflag:$0x2], $0x4000, $0x38;
	[tilespmem:$0x8100] =	vst v63  }
0x27: {  	_ =	swait.ge [sflag:s3], $0x4000  }
0x28: {  	[sflag:s3] =	ssyncset.done $0x0  }
0x29: {  	[sflag:s3] =	ssyncadd.s32 $0xFFFFC000  }
0x2a: {  	_ =	swait.ge [sflag:s9], $0x4000  }
.Ltmp1:
0x2b: {  	[sflag:s9] =	ssyncset.done $0x0;
	(pc) =	sbr.rel @p0 .LBB2_1-.Ltmp1, $4  }
0x2c: {  	[sflag:s9] =	ssyncadd.s32 $0xFFFFC000  }
0x2d: {  	[hbm4b:s11+s2] =	stream.linear.scatter [tilespmem:s8], [sflag:$0x2], $0x4000, $0x38;
	[tilespmem:$0x8100] =	vst v63  }
0x2e: {  	_ =	swait.ge [sflag:s3], $0x4000  }
0x2f: {  	[sflag:s3] =	ssyncset.done $0x0  }
.LBB2_2:
0x30: {  	[sflag:s3] =	ssyncadd.s32 $0xFFFFC000  }
0x31: {  	_ =	sfence.sel $0x180000  }
0x32: {  	[bflag:$0x0] =	sbarrier.arrive $0xFFFF  }
0x33: {  	p0 =	sne.s32 s0, $0x0;
	_ =	strace $0x90000050  }
0x34: {  	s0 =	sadd.s32 @!p0 $0x100000, s1;
	[bflag:$0x2] =	sbarrier.arrive $0xFFFF  }
0x35: {  	[sflag:s0] =	ssyncadd.tile.s32 @!p0 $0x1;
	_ =	shalt  }
.Lfunc_end2:
_tile_overlayer_lowered:
.L_overlay_start_2:
0x36: {  	(tag) =	ssettag $0x2  }
0x37: {  	s0 =	rddreg [dreg:$0x0];
	s2 =	stileid.u32  }
0x38: {  	s1 =	rddreg [dreg:$0x1];
	p0 =	sne.s32 s2, $0x0  }
0x39: {  	s3 =	rddreg [dreg:$0x2];
	[bflag:$0x3] =	sbarrier.arrive $0xFFFF;
	s2 =	simm.s32 @!p0 $0x1C02  }
0x3a: {  	[timem:s3], [sflag:s2] =	dma.local @!p0 [hbm:s0], s1  }
0x3b: {  	s0 =	simm.s32 @!p0 $0x2  }
0x3c: {  	_ =	swait.ge @!p0 [sflag:s0], s1  }
0x3d: {  	s1 =	ssub.s32 @!p0 $0x0, s1;
	[sflag:s0] =	ssyncset.done @!p0 $0x0  }
0x3e: {  	[sflag:s0] =	ssyncadd.s32 @!p0 s1  }
0x3f: {  	[bflag:$0x3] =	sbarrier.arrive $0xFFFF  }
0x40: {  	_ =	shalt  }

</sc_bundles>
